<compile_context>
chip_gen: v7x
topology: tpu7x:2x2x1
jax: 0.10.2.dev20260603
libtpu: 0.0.44.dev20260713+nightly
codegen_flags: <defaults>
</compile_context>

<pallas_src>
import functools

import jax
import jax.numpy as jnp
from jax import lax
from jax.experimental import pallas as pl
from jax.experimental.pallas import tpu as pltpu
from jax.experimental.pallas import tpu_sc as plsc

_VOCAB = 21013
_EMB = 50
_EMBP = 128
_WIN = 5
_BATCH = 16384
_HID = 100

_NW = 32
_TOTAL = _BATCH * _WIN
_ROWS_PER_W = _TOTAL // _NW
_CH = 128
_NCH = _ROWS_PER_W // _CH
_PIPE = 6
_LAG = 3


def _sc_gather(table, idx4d):
    mesh = plsc.VectorSubcoreMesh(core_axis_name="c", subcore_axis_name="s")

    @functools.partial(
        pl.kernel,
        mesh=mesh,
        out_type=jax.ShapeDtypeStruct((_TOTAL // _CH, _CH, _EMBP), jnp.float32),
        scratch_types=[
            pltpu.VMEM((_NCH, 1, _CH), jnp.int32),
            pltpu.VMEM((_PIPE, _CH, _EMBP), jnp.float32),
            pltpu.SemaphoreType.DMA,
            pltpu.SemaphoreType.DMA,
        ],
    )
    def gather_kernel(table_hbm, idx_hbm, out_hbm, idx_v, rows_v, sem, sem2):
        wid = lax.axis_index("s") * 2 + lax.axis_index("c")
        pltpu.sync_copy(idx_hbm.at[wid], idx_v)
        gathers = [None] * _NCH
        writebacks = [None] * _NCH
        for c in range(_NCH + _LAG):
            if c < _NCH:
                if c >= _PIPE:
                    writebacks[c - _PIPE].wait()
                gathers[c] = pltpu.async_copy(
                    table_hbm.at[idx_v.at[c, 0]],
                    rows_v.at[c % _PIPE],
                    sem,
                )
            d = c - _LAG
            if d >= 0:
                gathers[d].wait()
                writebacks[d] = pltpu.async_copy(
                    rows_v.at[d % _PIPE], out_hbm.at[wid * _NCH + d], sem2
                )
        for d in range(_NCH - _PIPE, _NCH):
            writebacks[d].wait()

    return gather_kernel(table, idx4d)


def _mlp_kernel(x_ref, w1_ref, b1_ref, w2t_ref, b2_ref, o_ref):
    h = jnp.dot(x_ref[0], w1_ref[0], preferred_element_type=jnp.float32)
    for w in range(1, _WIN):
        h = h + jnp.dot(x_ref[w], w1_ref[w], preferred_element_type=jnp.float32)
    h = jnp.tanh(h + b1_ref[...])
    o_ref[...] = (
        jnp.dot(h, w2t_ref[...], preferred_element_type=jnp.float32)
        + b2_ref[...]
    )


def _tc_mlp(x, w1p, b1, w2t, b2):
    blk = 4096
    return pl.pallas_call(
        _mlp_kernel,
        grid=(_BATCH // blk,),
        in_specs=[
            pl.BlockSpec((_WIN, blk, _EMBP), lambda i: (0, i, 0)),
            pl.BlockSpec((_WIN, _EMBP, _HID), lambda i: (0, 0, 0)),
            pl.BlockSpec((1, _HID), lambda i: (0, 0)),
            pl.BlockSpec((_HID, _WIN), lambda i: (0, 0)),
            pl.BlockSpec((1, _WIN), lambda i: (0, 0)),
        ],
        out_specs=pl.BlockSpec((blk, _WIN), lambda i: (i, 0)),
        out_shape=jax.ShapeDtypeStruct((_BATCH, _WIN), jnp.float32),
    )(x, w1p, b1, w2t, b2)


def kernel(input, table, W1, b1, W2, b2):
    table_p = jnp.pad(table, ((0, 0), (0, _EMBP - _EMB)))
    idx4d = input.T.reshape(_NW, _NCH, 1, _CH)
    rows = _sc_gather(table_p, idx4d)
    x = rows.reshape(_WIN, _BATCH, _EMBP)
    w1p = jnp.pad(
        W1.T.reshape(_WIN, _EMB, _HID), ((0, 0), (0, _EMBP - _EMB), (0, 0))
    )
    return _tc_mlp(x, w1p, b1.reshape(1, -1), W2.T, b2.reshape(1, -1))

# --- scband reference (transcript-rebuilt; emitter-appended) ---
"""Pipeline reference for scband-ner-29343216566536 (READ-ONLY COPY).

The authoritative reference and input builder live on the scoring server;
editing this copy changes nothing except your own understanding.
"""

import jax, jax.numpy as jnp
import numpy as np

VOCAB = 21013
EMB = 50
WIN = 5
BATCH = 16384

def setup_inputs(seed: int = 0) -> dict:
    key = jax.random.key(seed)
    k1, k2, k3, k4, k5 = jax.random.split(key, 5)
    inp = jax.random.randint(k1, (BATCH, WIN), 0, VOCAB, dtype=jnp.int32)
    table = jax.random.normal(k2, (VOCAB, EMB), dtype=jnp.float32)
    table = table.at[0].set(0.0)  # padding_idx=0
    # xavier-uniform init for linear layers
    lim1 = float(np.sqrt(6.0 / (250 + 100)))
    W1 = jax.random.uniform(k3, (100, 250), minval=-lim1, maxval=lim1, dtype=jnp.float32)
    b1 = jnp.zeros((100,), dtype=jnp.float32)
    lim2 = float(np.sqrt(6.0 / (100 + 5)))
    W2 = jax.random.uniform(k4, (5, 100), minval=-lim2, maxval=lim2, dtype=jnp.float32)
    b2 = jnp.zeros((5,), dtype=jnp.float32)
    return {"input": inp, "table": table, "W1": W1, "b1": b1, "W2": W2, "b2": b2}

def reference(input, table, W1, b1, W2, b2):
    # embedding lookup (padding_idx=0 row is zero)
    embedded = jnp.take(table, input, axis=0)  # [B, 5, 50]
    flattened = embedded.reshape(input.shape[0], -1)  # [B, 250]
    hidden = jnp.tanh(flattened @ W1.T + b1)  # [B, 100]
    # dropout is identity in eval mode
    out = hidden @ W2.T + b2  # [B, 5]
    return out

if __name__ == "__main__":
    import jax
    _d = setup_inputs()
    print(jax.jit(kernel)(*tuple(_d.values())))

</pallas_src>

<mosaic_0001>
#map = affine_map<(d0, d1) -> (0, 0)>
#map1 = affine_map<(d0, d1) -> (0, 0, 0, 0)>
#map2 = affine_map<(d0, d1) -> (0, 0, 0)>
module attributes {stable_mosaic.version = 14 : i64} {
  func.func @gather_kernel(%arg0: i32, %arg1: i32, %arg2: memref<21013x128xf32, #tpu.memory_space<hbm>>, %arg3: memref<32x20x1x128xi32, #tpu.memory_space<hbm>>, %arg4: memref<640x128x128xf32, #tpu.memory_space<hbm>>, %arg5: memref<20x1x128xi32, #tpu.memory_space<vmem>>, %arg6: memref<6x128x128xf32, #tpu.memory_space<vmem>>, %arg7: memref<!tpu.dma_semaphore, #tpu.memory_space<semaphore_mem>>, %arg8: memref<!tpu.dma_semaphore, #tpu.memory_space<semaphore_mem>>) attributes {dimension_semantics = [#tpu.dimension_semantics<core_parallel>, #tpu.dimension_semantics<subcore_parallel>], iteration_bounds = array<i64: 2, 16>, scalar_prefetch = 0 : i64, scratch_operands = 4 : i64, tpu.core_type = #tpu.core_type<sc_vector_subcore>, window_params = [{transform_indices = #map}, {transform_indices = #map1}, {transform_indices = #map2}]} {
    %mul3A = arith.constant 2 : i32
    %mul3A_0 = arith.muli %arg1, %mul3A : i32
    %add3A = arith.addi %mul3A_0, %arg0 : i32
    "tpu.region"() ({
      %run_scoped3A = tpu.sem_alloc : memref<!tpu.dma_semaphore, #tpu.memory_space<semaphore_mem>>
      %dma_start3A_1279 = arith.constant 0 : i32
      %dma_start3A_1280 = arith.constant 0 : i32
      %dma_start3A_1281 = arith.constant 0 : i32
      %dma_start3A_1282 = tpu.memref_slice %arg3[%add3A, %dma_start3A_1279, %dma_start3A_1280, %dma_start3A_1281] : memref<32x20x1x128xi32, #tpu.memory_space<hbm>> -> memref<1x20x1x128xi32, #tpu.memory_space<hbm>>
      %dma_start3A_1283 = tpu.memref_squeeze %dma_start3A_1282 : memref<1x20x1x128xi32, #tpu.memory_space<hbm>> -> memref<20x1x128xi32, #tpu.memory_space<hbm>>
      %dma_start3A_1284 = arith.constant 0 : i32
      %dma_start3A_1285 = arith.constant 0 : i32
      %dma_start3A_1286 = arith.constant 0 : i32
      %dma_start3A_1287 = tpu.memref_slice %arg3[%add3A, %dma_start3A_1284, %dma_start3A_1285, %dma_start3A_1286] : memref<32x20x1x128xi32, #tpu.memory_space<hbm>> -> memref<1x20x1x128xi32, #tpu.memory_space<hbm>>
      %dma_start3A_1288 = tpu.memref_squeeze %dma_start3A_1287 : memref<1x20x1x128xi32, #tpu.memory_space<hbm>> -> memref<20x1x128xi32, #tpu.memory_space<hbm>>
      tpu.enqueue_dma source(%dma_start3A_1288 : memref<20x1x128xi32, #tpu.memory_space<hbm>>) target(%arg5 : memref<20x1x128xi32, #tpu.memory_space<vmem>>) target_semaphore(%run_scoped3A : memref<!tpu.dma_semaphore, #tpu.memory_space<semaphore_mem>>)
      %dma_wait3A_1289 = arith.constant 0 : i32
      %dma_wait3A_1290 = arith.constant 0 : i32
      %dma_wait3A_1291 = arith.constant 0 : i32
      %dma_wait3A_1292 = tpu.memref_slice %arg3[%add3A, %dma_wait3A_1289, %dma_wait3A_1290, %dma_wait3A_1291] : memref<32x20x1x128xi32, #tpu.memory_space<hbm>> -> memref<1x20x1x128xi32, #tpu.memory_space<hbm>>
      %dma_wait3A_1293 = tpu.memref_squeeze %dma_wait3A_1292 : memref<1x20x1x128xi32, #tpu.memory_space<hbm>> -> memref<20x1x128xi32, #tpu.memory_space<hbm>>
      %dma_wait3A_1294 = arith.constant 0 : i32
      %dma_wait3A_1295 = arith.constant 0 : i32
      %dma_wait3A_1296 = arith.constant 0 : i32
      %dma_wait3A_1297 = tpu.memref_slice %arg3[%add3A, %dma_wait3A_1294, %dma_wait3A_1295, %dma_wait3A_1296] : memref<32x20x1x128xi32, #tpu.memory_space<hbm>> -> memref<1x20x1x128xi32, #tpu.memory_space<hbm>>
      %dma_wait3A_1298 = tpu.memref_squeeze %dma_wait3A_1297 : memref<1x20x1x128xi32, #tpu.memory_space<hbm>> -> memref<20x1x128xi32, #tpu.memory_space<hbm>>
      tpu.wait_dma2 semaphore(%run_scoped3A : memref<!tpu.dma_semaphore, #tpu.memory_space<semaphore_mem>>) src(%dma_wait3A_1298 : memref<20x1x128xi32, #tpu.memory_space<hbm>>) dst(%arg5 : memref<20x1x128xi32, #tpu.memory_space<vmem>>)
      tpu.yield
    }) : () -> ()
    %dma_start3A = arith.constant 0 : i32
    %dma_start3A_1 = arith.constant 0 : i32
    %dma_start3A_2 = arith.constant 0 : i32
    %dma_start3A_3 = arith.constant 0 : i32
    %dma_start3A_4 = arith.constant 0 : i32
    %dma_start3A_5 = tpu.memref_slice %arg6[%dma_start3A_2, %dma_start3A_3, %dma_start3A_4] : memref<6x128x128xf32, #tpu.memory_space<vmem>> -> memref<1x128x128xf32, #tpu.memory_space<vmem>>
    %dma_start3A_6 = tpu.memref_squeeze %dma_start3A_5 : memref<1x128x128xf32, #tpu.memory_space<vmem>> -> memref<128x128xf32, #tpu.memory_space<vmem>>
    %dma_start3A_7 = arith.constant 0 : i32
    %dma_start3A_8 = tpu.memref_slice %arg5[%dma_start3A, %dma_start3A_1, %dma_start3A_7] : memref<20x1x128xi32, #tpu.memory_space<vmem>> -> memref<1x1x128xi32, #tpu.memory_space<vmem>>
    %dma_start3A_9 = tpu.memref_squeeze %dma_start3A_8 : memref<1x1x128xi32, #tpu.memory_space<vmem>> -> memref<128xi32, #tpu.memory_space<vmem>>
    %dma_start3A_10 = arith.constant 0 : i32
    %dma_start3A_11 = arith.constant 0 : i32
    %dma_start3A_12 = tpu.memref_slice %arg2[%dma_start3A_10, %dma_start3A_11] : memref<21013x128xf32, #tpu.memory_space<hbm>> -> memref<21013x128xf32, #tpu.memory_space<hbm>>
    tpu.enqueue_indirect_dma source(%dma_start3A_12 : memref<21013x128xf32, #tpu.memory_space<hbm>>) target(%dma_start3A_6 : memref<128x128xf32, #tpu.memory_space<vmem>>) offsets(%dma_start3A_9 : memref<128xi32, #tpu.memory_space<vmem>>) semaphore(%arg7 : memref<!tpu.dma_semaphore, #tpu.memory_space<semaphore_mem>>)
    %dma_start3A_13 = arith.constant 1 : i32
    %dma_start3A_14 = arith.constant 0 : i32
    %dma_start3A_15 = arith.constant 1 : i32
    %dma_start3A_16 = arith.constant 0 : i32
    %dma_start3A_17 = arith.constant 0 : i32
    %dma_start3A_18 = tpu.memref_slice %arg6[%dma_start3A_15, %dma_start3A_16, %dma_start3A_17] : memref<6x128x128xf32, #tpu.memory_space<vmem>> -> memref<1x128x128xf32, #tpu.memory_space<vmem>>
    %dma_start3A_19 = tpu.memref_squeeze %dma_start3A_18 : memref<1x128x128xf32, #tpu.memory_space<vmem>> -> memref<128x128xf32, #tpu.memory_space<vmem>>
    %dma_start3A_20 = arith.constant 0 : i32
    %dma_start3A_21 = tpu.memref_slice %arg5[%dma_start3A_13, %dma_start3A_14, %dma_start3A_20] : memref<20x1x128xi32, #tpu.memory_space<vmem>> -> memref<1x1x128xi32, #tpu.memory_space<vmem>>
    %dma_start3A_22 = tpu.memref_squeeze %dma_start3A_21 : memref<1x1x128xi32, #tpu.memory_space<vmem>> -> memref<128xi32, #tpu.memory_space<vmem>>
    %dma_start3A_23 = arith.constant 0 : i32
    %dma_start3A_24 = arith.constant 0 : i32
    %dma_start3A_25 = tpu.memref_slice %arg2[%dma_start3A_23, %dma_start3A_24] : memref<21013x128xf32, #tpu.memory_space<hbm>> -> memref<21013x128xf32, #tpu.memory_space<hbm>>
    tpu.enqueue_indirect_dma source(%dma_start3A_25 : memref<21013x128xf32, #tpu.memory_space<hbm>>) target(%dma_start3A_19 : memref<128x128xf32, #tpu.memory_space<vmem>>) offsets(%dma_start3A_22 : memref<128xi32, #tpu.memory_space<vmem>>) semaphore(%arg7 : memref<!tpu.dma_semaphore, #tpu.memory_space<semaphore_mem>>)
    %dma_start3A_26 = arith.constant 2 : i32
    %dma_start3A_27 = arith.constant 0 : i32
    %dma_start3A_28 = arith.constant 2 : i32
    %dma_start3A_29 = arith.constant 0 : i32
    %dma_start3A_30 = arith.constant 0 : i32
    %dma_start3A_31 = tpu.memref_slice %arg6[%dma_start3A_28, %dma_start3A_29, %dma_start3A_30] : memref<6x128x128xf32, #tpu.memory_space<vmem>> -> memref<1x128x128xf32, #tpu.memory_space<vmem>>
    %dma_start3A_32 = tpu.memref_squeeze %dma_start3A_31 : memref<1x128x128xf32, #tpu.memory_space<vmem>> -> memref<128x128xf32, #tpu.memory_space<vmem>>
    %dma_start3A_33 = arith.constant 0 : i32
    %dma_start3A_34 = tpu.memref_slice %arg5[%dma_start3A_26, %dma_start3A_27, %dma_start3A_33] : memref<20x1x128xi32, #tpu.memory_space<vmem>> -> memref<1x1x128xi32, #tpu.memory_space<vmem>>
    %dma_start3A_35 = tpu.memref_squeeze %dma_start3A_34 : memref<1x1x128xi32, #tpu.memory_space<vmem>> -> memref<128xi32, #tpu.memory_space<vmem>>
    %dma_start3A_36 = arith.constant 0 : i32
    %dma_start3A_37 = arith.constant 0 : i32
    %dma_start3A_38 = tpu.memref_slice %arg2[%dma_start3A_36, %dma_start3A_37] : memref<21013x128xf32, #tpu.memory_space<hbm>> -> memref<21013x128xf32, #tpu.memory_space<hbm>>
    tpu.enqueue_indirect_dma source(%dma_start3A_38 : memref<21013x128xf32, #tpu.memory_space<hbm>>) target(%dma_start3A_32 : memref<128x128xf32, #tpu.memory_space<vmem>>) offsets(%dma_start3A_35 : memref<128xi32, #tpu.memory_space<vmem>>) semaphore(%arg7 : memref<!tpu.dma_semaphore, #tpu.memory_space<semaphore_mem>>)
    %dma_start3A_39 = arith.constant 3 : i32
    %dma_start3A_40 = arith.constant 0 : i32
    %dma_start3A_41 = arith.constant 3 : i32
    %dma_start3A_42 = arith.constant 0 : i32
    %dma_start3A_43 = arith.constant 0 : i32
    %dma_start3A_44 = tpu.memref_slice %arg6[%dma_start3A_41, %dma_start3A_42, %dma_start3A_43] : memref<6x128x128xf32, #tpu.memory_space<vmem>> -> memref<1x128x128xf32, #tpu.memory_space<vmem>>
    %dma_start3A_45 = tpu.memref_squeeze %dma_start3A_44 : memref<1x128x128xf32, #tpu.memory_space<vmem>> -> memref<128x128xf32, #tpu.memory_space<vmem>>
    %dma_start3A_46 = arith.constant 0 : i32
    %dma_start3A_47 = tpu.memref_slice %arg5[%dma_start3A_39, %dma_start3A_40, %dma_start3A_46] : memref<20x1x128xi32, #tpu.memory_space<vmem>> -> memref<1x1x128xi32, #tpu.memory_space<vmem>>
    %dma_start3A_48 = tpu.memref_squeeze %dma_start3A_47 : memref<1x1x128xi32, #tpu.memory_space<vmem>> -> memref<128xi32, #tpu.memory_space<vmem>>
    %dma_start3A_49 = arith.constant 0 : i32
    %dma_start3A_50 = arith.constant 0 : i32
    %dma_start3A_51 = tpu.memref_slice %arg2[%dma_start3A_49, %dma_start3A_50] : memref<21013x128xf32, #tpu.memory_space<hbm>> -> memref<21013x128xf32, #tpu.memory_space<hbm>>
    tpu.enqueue_indirect_dma source(%dma_start3A_51 : memref<21013x128xf32, #tpu.memory_space<hbm>>) target(%dma_start3A_45 : memref<128x128xf32, #tpu.memory_space<vmem>>) offsets(%dma_start3A_48 : memref<128xi32, #tpu.memory_space<vmem>>) semaphore(%arg7 : memref<!tpu.dma_semaphore, #tpu.memory_space<semaphore_mem>>)
    %dma_wait3A = arith.constant 0 : i32
    %dma_wait3A_52 = arith.constant 0 : i32
    %dma_wait3A_53 = arith.constant 0 : i32
    %dma_wait3A_54 = arith.constant 0 : i32
    %dma_wait3A_55 = arith.constant 0 : i32
    %dma_wait3A_56 = tpu.memref_slice %arg6[%dma_wait3A_53, %dma_wait3A_54, %dma_wait3A_55] : memref<6x128x128xf32, #tpu.memory_space<vmem>> -> memref<1x128x128xf32, #tpu.memory_space<vmem>>
    %dma_wait3A_57 = tpu.memref_squeeze %dma_wait3A_56 : memref<1x128x128xf32, #tpu.memory_space<vmem>> -> memref<128x128xf32, #tpu.memory_space<vmem>>
    %dma_wait3A_58 = arith.constant 0 : i32
    %dma_wait3A_59 = tpu.memref_slice %arg5[%dma_wait3A, %dma_wait3A_52, %dma_wait3A_58] : memref<20x1x128xi32, #tpu.memory_space<vmem>> -> memref<1x1x128xi32, #tpu.memory_space<vmem>>
    %dma_wait3A_60 = tpu.memref_squeeze %dma_wait3A_59 : memref<1x1x128xi32, #tpu.memory_space<vmem>> -> memref<128xi32, #tpu.memory_space<vmem>>
    %dma_wait3A_61 = arith.constant 0 : i32
    %dma_wait3A_62 = arith.constant 0 : i32
    %dma_wait3A_63 = tpu.memref_slice %arg2[%dma_wait3A_61, %dma_wait3A_62] : memref<21013x128xf32, #tpu.memory_space<hbm>> -> memref<21013x128xf32, #tpu.memory_space<hbm>>
    tpu.wait_indirect_dma semaphore(%arg7 : memref<!tpu.dma_semaphore, #tpu.memory_space<semaphore_mem>>) src(%dma_wait3A_63 : memref<21013x128xf32, #tpu.memory_space<hbm>>) dst(%dma_wait3A_57 : memref<128x128xf32, #tpu.memory_space<vmem>>)
    %mul3A_64 = arith.constant 20 : i32
    %mul3A_65 = arith.muli %add3A, %mul3A_64 : i32
    %add3A_66 = arith.constant 0 : i32
    %add3A_67 = arith.addi %mul3A_65, %add3A_66 : i32
    %dma_start3A_68 = arith.constant 0 : i32
    %dma_start3A_69 = arith.constant 0 : i32
    %dma_start3A_70 = arith.constant 0 : i32
    %dma_start3A_71 = tpu.memref_slice %arg6[%dma_start3A_68, %dma_start3A_69, %dma_start3A_70] : memref<6x128x128xf32, #tpu.memory_space<vmem>> -> memref<1x128x128xf32, #tpu.memory_space<vmem>>
    %dma_start3A_72 = tpu.memref_squeeze %dma_start3A_71 : memref<1x128x128xf32, #tpu.memory_space<vmem>> -> memref<128x128xf32, #tpu.memory_space<vmem>>
    %dma_start3A_73 = arith.constant 0 : i32
    %dma_start3A_74 = arith.constant 0 : i32
    %dma_start3A_75 = tpu.memref_slice %arg4[%add3A_67, %dma_start3A_73, %dma_start3A_74] : memref<640x128x128xf32, #tpu.memory_space<hbm>> -> memref<1x128x128xf32, #tpu.memory_space<hbm>>
    %dma_start3A_76 = tpu.memref_squeeze %dma_start3A_75 : memref<1x128x128xf32, #tpu.memory_space<hbm>> -> memref<128x128xf32, #tpu.memory_space<hbm>>
    %dma_start3A_77 = arith.constant 0 : i32
    %dma_start3A_78 = arith.constant 0 : i32
    %dma_start3A_79 = tpu.memref_slice %arg4[%add3A_67, %dma_start3A_77, %dma_start3A_78] : memref<640x128x128xf32, #tpu.memory_space<hbm>> -> memref<1x128x128xf32, #tpu.memory_space<hbm>>
    %dma_start3A_80 = tpu.memref_squeeze %dma_start3A_79 : memref<1x128x128xf32, #tpu.memory_space<hbm>> -> memref<128x128xf32, #tpu.memory_space<hbm>>
    %dma_start3A_81 = arith.constant 0 : i32
    %dma_start3A_82 = arith.constant 0 : i32
    %dma_start3A_83 = tpu.memref_slice %arg6[%dma_start3A_68, %dma_start3A_81, %dma_start3A_82] : memref<6x128x128xf32, #tpu.memory_space<vmem>> -> memref<1x128x128xf32, #tpu.memory_space<vmem>>
    %dma_start3A_84 = tpu.memref_squeeze %dma_start3A_83 : memref<1x128x128xf32, #tpu.memory_space<vmem>> -> memref<128x128xf32, #tpu.memory_space<vmem>>
    tpu.enqueue_dma source(%dma_start3A_84 : memref<128x128xf32, #tpu.memory_space<vmem>>) target(%dma_start3A_80 : memref<128x128xf32, #tpu.memory_space<hbm>>) target_semaphore(%arg8 : memref<!tpu.dma_semaphore, #tpu.memory_space<semaphore_mem>>)
    %dma_start3A_85 = arith.constant 4 : i32
    %dma_start3A_86 = arith.constant 0 : i32
    %dma_start3A_87 = arith.constant 4 : i32
    %dma_start3A_88 = arith.constant 0 : i32
    %dma_start3A_89 = arith.constant 0 : i32
    %dma_start3A_90 = tpu.memref_slice %arg6[%dma_start3A_87, %dma_start3A_88, %dma_start3A_89] : memref<6x128x128xf32, #tpu.memory_space<vmem>> -> memref<1x128x128xf32, #tpu.memory_space<vmem>>
    %dma_start3A_91 = tpu.memref_squeeze %dma_start3A_90 : memref<1x128x128xf32, #tpu.memory_space<vmem>> -> memref<128x128xf32, #tpu.memory_space<vmem>>
    %dma_start3A_92 = arith.constant 0 : i32
    %dma_start3A_93 = tpu.memref_slice %arg5[%dma_start3A_85, %dma_start3A_86, %dma_start3A_92] : memref<20x1x128xi32, #tpu.memory_space<vmem>> -> memref<1x1x128xi32, #tpu.memory_space<vmem>>
    %dma_start3A_94 = tpu.memref_squeeze %dma_start3A_93 : memref<1x1x128xi32, #tpu.memory_space<vmem>> -> memref<128xi32, #tpu.memory_space<vmem>>
    %dma_start3A_95 = arith.constant 0 : i32
    %dma_start3A_96 = arith.constant 0 : i32
    %dma_start3A_97 = tpu.memref_slice %arg2[%dma_start3A_95, %dma_start3A_96] : memref<21013x128xf32, #tpu.memory_space<hbm>> -> memref<21013x128xf32, #tpu.memory_space<hbm>>
    tpu.enqueue_indirect_dma source(%dma_start3A_97 : memref<21013x128xf32, #tpu.memory_space<hbm>>) target(%dma_start3A_91 : memref<128x128xf32, #tpu.memory_space<vmem>>) offsets(%dma_start3A_94 : memref<128xi32, #tpu.memory_space<vmem>>) semaphore(%arg7 : memref<!tpu.dma_semaphore, #tpu.memory_space<semaphore_mem>>)
    %dma_wait3A_98 = arith.constant 1 : i32
    %dma_wait3A_99 = arith.constant 0 : i32
    %dma_wait3A_100 = arith.constant 1 : i32
    %dma_wait3A_101 = arith.constant 0 : i32
    %dma_wait3A_102 = arith.constant 0 : i32
    %dma_wait3A_103 = tpu.memref_slice %arg6[%dma_wait3A_100, %dma_wait3A_101, %dma_wait3A_102] : memref<6x128x128xf32, #tpu.memory_space<vmem>> -> memref<1x128x128xf32, #tpu.memory_space<vmem>>
    %dma_wait3A_104 = tpu.memref_squeeze %dma_wait3A_103 : memref<1x128x128xf32, #tpu.memory_space<vmem>> -> memref<128x128xf32, #tpu.memory_space<vmem>>
    %dma_wait3A_105 = arith.constant 0 : i32
    %dma_wait3A_106 = tpu.memref_slice %arg5[%dma_wait3A_98, %dma_wait3A_99, %dma_wait3A_105] : memref<20x1x128xi32, #tpu.memory_space<vmem>> -> memref<1x1x128xi32, #tpu.memory_space<vmem>>
    %dma_wait3A_107 = tpu.memref_squeeze %dma_wait3A_106 : memref<1x1x128xi32, #tpu.memory_space<vmem>> -> memref<128xi32, #tpu.memory_space<vmem>>
    %dma_wait3A_108 = arith.constant 0 : i32
    %dma_wait3A_109 = arith.constant 0 : i32
    %dma_wait3A_110 = tpu.memref_slice %arg2[%dma_wait3A_108, %dma_wait3A_109] : memref<21013x128xf32, #tpu.memory_space<hbm>> -> memref<21013x128xf32, #tpu.memory_space<hbm>>
    tpu.wait_indirect_dma semaphore(%arg7 : memref<!tpu.dma_semaphore, #tpu.memory_space<semaphore_mem>>) src(%dma_wait3A_110 : memref<21013x128xf32, #tpu.memory_space<hbm>>) dst(%dma_wait3A_104 : memref<128x128xf32, #tpu.memory_space<vmem>>)
    %mul3A_111 = arith.constant 20 : i32
    %mul3A_112 = arith.muli %add3A, %mul3A_111 : i32
    %add3A_113 = arith.constant 1 : i32
    %add3A_114 = arith.addi %mul3A_112, %add3A_113 : i32
    %dma_start3A_115 = arith.constant 1 : i32
    %dma_start3A_116 = arith.constant 0 : i32
    %dma_start3A_117 = arith.constant 0 : i32
    %dma_start3A_118 = tpu.memref_slice %arg6[%dma_start3A_115, %dma_start3A_116, %dma_start3A_117] : memref<6x128x128xf32, #tpu.memory_space<vmem>> -> memref<1x128x128xf32, #tpu.memory_space<vmem>>
    %dma_start3A_119 = tpu.memref_squeeze %dma_start3A_118 : memref<1x128x128xf32, #tpu.memory_space<vmem>> -> memref<128x128xf32, #tpu.memory_space<vmem>>
    %dma_start3A_120 = arith.constant 0 : i32
    %dma_start3A_121 = arith.constant 0 : i32
    %dma_start3A_122 = tpu.memref_slice %arg4[%add3A_114, %dma_start3A_120, %dma_start3A_121] : memref<640x128x128xf32, #tpu.memory_space<hbm>> -> memref<1x128x128xf32, #tpu.memory_space<hbm>>
    %dma_start3A_123 = tpu.memref_squeeze %dma_start3A_122 : memref<1x128x128xf32, #tpu.memory_space<hbm>> -> memref<128x128xf32, #tpu.memory_space<hbm>>
    %dma_start3A_124 = arith.constant 0 : i32
    %dma_start3A_125 = arith.constant 0 : i32
    %dma_start3A_126 = tpu.memref_slice %arg4[%add3A_114, %dma_start3A_124, %dma_start3A_125] : memref<640x128x128xf32, #tpu.memory_space<hbm>> -> memref<1x128x128xf32, #tpu.memory_space<hbm>>
    %dma_start3A_127 = tpu.memref_squeeze %dma_start3A_126 : memref<1x128x128xf32, #tpu.memory_space<hbm>> -> memref<128x128xf32, #tpu.memory_space<hbm>>
    %dma_start3A_128 = arith.constant 0 : i32
    %dma_start3A_129 = arith.constant 0 : i32
    %dma_start3A_130 = tpu.memref_slice %arg6[%dma_start3A_115, %dma_start3A_128, %dma_start3A_129] : memref<6x128x128xf32, #tpu.memory_space<vmem>> -> memref<1x128x128xf32, #tpu.memory_space<vmem>>
    %dma_start3A_131 = tpu.memref_squeeze %dma_start3A_130 : memref<1x128x128xf32, #tpu.memory_space<vmem>> -> memref<128x128xf32, #tpu.memory_space<vmem>>
    tpu.enqueue_dma source(%dma_start3A_131 : memref<128x128xf32, #tpu.memory_space<vmem>>) target(%dma_start3A_127 : memref<128x128xf32, #tpu.memory_space<hbm>>) target_semaphore(%arg8 : memref<!tpu.dma_semaphore, #tpu.memory_space<semaphore_mem>>)
    %dma_start3A_132 = arith.constant 5 : i32
    %dma_start3A_133 = arith.constant 0 : i32
    %dma_start3A_134 = arith.constant 5 : i32
    %dma_start3A_135 = arith.constant 0 : i32
    %dma_start3A_136 = arith.constant 0 : i32
    %dma_start3A_137 = tpu.memref_slice %arg6[%dma_start3A_134, %dma_start3A_135, %dma_start3A_136] : memref<6x128x128xf32, #tpu.memory_space<vmem>> -> memref<1x128x128xf32, #tpu.memory_space<vmem>>
    %dma_start3A_138 = tpu.memref_squeeze %dma_start3A_137 : memref<1x128x128xf32, #tpu.memory_space<vmem>> -> memref<128x128xf32, #tpu.memory_space<vmem>>
    %dma_start3A_139 = arith.constant 0 : i32
    %dma_start3A_140 = tpu.memref_slice %arg5[%dma_start3A_132, %dma_start3A_133, %dma_start3A_139] : memref<20x1x128xi32, #tpu.memory_space<vmem>> -> memref<1x1x128xi32, #tpu.memory_space<vmem>>
    %dma_start3A_141 = tpu.memref_squeeze %dma_start3A_140 : memref<1x1x128xi32, #tpu.memory_space<vmem>> -> memref<128xi32, #tpu.memory_space<vmem>>
    %dma_start3A_142 = arith.constant 0 : i32
    %dma_start3A_143 = arith.constant 0 : i32
    %dma_start3A_144 = tpu.memref_slice %arg2[%dma_start3A_142, %dma_start3A_143] : memref<21013x128xf32, #tpu.memory_space<hbm>> -> memref<21013x128xf32, #tpu.memory_space<hbm>>
    tpu.enqueue_indirect_dma source(%dma_start3A_144 : memref<21013x128xf32, #tpu.memory_space<hbm>>) target(%dma_start3A_138 : memref<128x128xf32, #tpu.memory_space<vmem>>) offsets(%dma_start3A_141 : memref<128xi32, #tpu.memory_space<vmem>>) semaphore(%arg7 : memref<!tpu.dma_semaphore, #tpu.memory_space<semaphore_mem>>)
    %dma_wait3A_145 = arith.constant 2 : i32
    %dma_wait3A_146 = arith.constant 0 : i32
    %dma_wait3A_147 = arith.constant 2 : i32
    %dma_wait3A_148 = arith.constant 0 : i32
    %dma_wait3A_149 = arith.constant 0 : i32
    %dma_wait3A_150 = tpu.memref_slice %arg6[%dma_wait3A_147, %dma_wait3A_148, %dma_wait3A_149] : memref<6x128x128xf32, #tpu.memory_space<vmem>> -> memref<1x128x128xf32, #tpu.memory_space<vmem>>
    %dma_wait3A_151 = tpu.memref_squeeze %dma_wait3A_150 : memref<1x128x128xf32, #tpu.memory_space<vmem>> -> memref<128x128xf32, #tpu.memory_space<vmem>>
    %dma_wait3A_152 = arith.constant 0 : i32
    %dma_wait3A_153 = tpu.memref_slice %arg5[%dma_wait3A_145, %dma_wait3A_146, %dma_wait3A_152] : memref<20x1x128xi32, #tpu.memory_space<vmem>> -> memref<1x1x128xi32, #tpu.memory_space<vmem>>
    %dma_wait3A_154 = tpu.memref_squeeze %dma_wait3A_153 : memref<1x1x128xi32, #tpu.memory_space<vmem>> -> memref<128xi32, #tpu.memory_space<vmem>>
    %dma_wait3A_155 = arith.constant 0 : i32
    %dma_wait3A_156 = arith.constant 0 : i32
    %dma_wait3A_157 = tpu.memref_slice %arg2[%dma_wait3A_155, %dma_wait3A_156] : memref<21013x128xf32, #tpu.memory_space<hbm>> -> memref<21013x128xf32, #tpu.memory_space<hbm>>
    tpu.wait_indirect_dma semaphore(%arg7 : memref<!tpu.dma_semaphore, #tpu.memory_space<semaphore_mem>>) src(%dma_wait3A_157 : memref<21013x128xf32, #tpu.memory_space<hbm>>) dst(%dma_wait3A_151 : memref<128x128xf32, #tpu.memory_space<vmem>>)
    %mul3A_158 = arith.constant 20 : i32
    %mul3A_159 = arith.muli %add3A, %mul3A_158 : i32
    %add3A_160 = arith.constant 2 : i32
    %add3A_161 = arith.addi %mul3A_159, %add3A_160 : i32
    %dma_start3A_162 = arith.constant 2 : i32
    %dma_start3A_163 = arith.constant 0 : i32
    %dma_start3A_164 = arith.constant 0 : i32
    %dma_start3A_165 = tpu.memref_slice %arg6[%dma_start3A_162, %dma_start3A_163, %dma_start3A_164] : memref<6x128x128xf32, #tpu.memory_space<vmem>> -> memref<1x128x128xf32, #tpu.memory_space<vmem>>
    %dma_start3A_166 = tpu.memref_squeeze %dma_start3A_165 : memref<1x128x128xf32, #tpu.memory_space<vmem>> -> memref<128x128xf32, #tpu.memory_space<vmem>>
    %dma_start3A_167 = arith.constant 0 : i32
    %dma_start3A_168 = arith.constant 0 : i32
    %dma_start3A_169 = tpu.memref_slice %arg4[%add3A_161, %dma_start3A_167, %dma_start3A_168] : memref<640x128x128xf32, #tpu.memory_space<hbm>> -> memref<1x128x128xf32, #tpu.memory_space<hbm>>
    %dma_start3A_170 = tpu.memref_squeeze %dma_start3A_169 : memref<1x128x128xf32, #tpu.memory_space<hbm>> -> memref<128x128xf32, #tpu.memory_space<hbm>>
    %dma_start3A_171 = arith.constant 0 : i32
    %dma_start3A_172 = arith.constant 0 : i32
    %dma_start3A_173 = tpu.memref_slice %arg4[%add3A_161, %dma_start3A_171, %dma_start3A_172] : memref<640x128x128xf32, #tpu.memory_space<hbm>> -> memref<1x128x128xf32, #tpu.memory_space<hbm>>
    %dma_start3A_174 = tpu.memref_squeeze %dma_start3A_173 : memref<1x128x128xf32, #tpu.memory_space<hbm>> -> memref<128x128xf32, #tpu.memory_space<hbm>>
    %dma_start3A_175 = arith.constant 0 : i32
    %dma_start3A_176 = arith.constant 0 : i32
    %dma_start3A_177 = tpu.memref_slice %arg6[%dma_start3A_162, %dma_start3A_175, %dma_start3A_176] : memref<6x128x128xf32, #tpu.memory_space<vmem>> -> memref<1x128x128xf32, #tpu.memory_space<vmem>>
    %dma_start3A_178 = tpu.memref_squeeze %dma_start3A_177 : memref<1x128x128xf32, #tpu.memory_space<vmem>> -> memref<128x128xf32, #tpu.memory_space<vmem>>
    tpu.enqueue_dma source(%dma_start3A_178 : memref<128x128xf32, #tpu.memory_space<vmem>>) target(%dma_start3A_174 : memref<128x128xf32, #tpu.memory_space<hbm>>) target_semaphore(%arg8 : memref<!tpu.dma_semaphore, #tpu.memory_space<semaphore_mem>>)
    %dma_wait3A_179 = arith.constant 0 : i32
    %dma_wait3A_180 = arith.constant 0 : i32
    %dma_wait3A_181 = arith.constant 0 : i32
    %dma_wait3A_182 = tpu.memref_slice %arg6[%dma_wait3A_179, %dma_wait3A_180, %dma_wait3A_181] : memref<6x128x128xf32, #tpu.memory_space<vmem>> -> memref<1x128x128xf32, #tpu.memory_space<vmem>>
    %dma_wait3A_183 = tpu.memref_squeeze %dma_wait3A_182 : memref<1x128x128xf32, #tpu.memory_space<vmem>> -> memref<128x128xf32, #tpu.memory_space<vmem>>
    %dma_wait3A_184 = arith.constant 0 : i32
    %dma_wait3A_185 = arith.constant 0 : i32
    %dma_wait3A_186 = tpu.memref_slice %arg4[%add3A_67, %dma_wait3A_184, %dma_wait3A_185] : memref<640x128x128xf32, #tpu.memory_space<hbm>> -> memref<1x128x128xf32, #tpu.memory_space<hbm>>
    %dma_wait3A_187 = tpu.memref_squeeze %dma_wait3A_186 : memref<1x128x128xf32, #tpu.memory_space<hbm>> -> memref<128x128xf32, #tpu.memory_space<hbm>>
    %dma_wait3A_188 = arith.constant 0 : i32
    %dma_wait3A_189 = arith.constant 0 : i32
    %dma_wait3A_190 = tpu.memref_slice %arg4[%add3A_67, %dma_wait3A_188, %dma_wait3A_189] : memref<640x128x128xf32, #tpu.memory_space<hbm>> -> memref<1x128x128xf32, #tpu.memory_space<hbm>>
    %dma_wait3A_191 = tpu.memref_squeeze %dma_wait3A_190 : memref<1x128x128xf32, #tpu.memory_space<hbm>> -> memref<128x128xf32, #tpu.memory_space<hbm>>
    %dma_wait3A_192 = arith.constant 0 : i32
    %dma_wait3A_193 = arith.constant 0 : i32
    %dma_wait3A_194 = tpu.memref_slice %arg6[%dma_wait3A_179, %dma_wait3A_192, %dma_wait3A_193] : memref<6x128x128xf32, #tpu.memory_space<vmem>> -> memref<1x128x128xf32, #tpu.memory_space<vmem>>
    %dma_wait3A_195 = tpu.memref_squeeze %dma_wait3A_194 : memref<1x128x128xf32, #tpu.memory_space<vmem>> -> memref<128x128xf32, #tpu.memory_space<vmem>>
    tpu.wait_dma2 semaphore(%arg8 : memref<!tpu.dma_semaphore, #tpu.memory_space<semaphore_mem>>) src(%dma_wait3A_195 : memref<128x128xf32, #tpu.memory_space<vmem>>) dst(%dma_wait3A_191 : memref<128x128xf32, #tpu.memory_space<hbm>>)
    %dma_start3A_196 = arith.constant 6 : i32
    %dma_start3A_197 = arith.constant 0 : i32
    %dma_start3A_198 = arith.constant 0 : i32
    %dma_start3A_199 = arith.constant 0 : i32
    %dma_start3A_200 = arith.constant 0 : i32
    %dma_start3A_201 = tpu.memref_slice %arg6[%dma_start3A_198, %dma_start3A_199, %dma_start3A_200] : memref<6x128x128xf32, #tpu.memory_space<vmem>> -> memref<1x128x128xf32, #tpu.memory_space<vmem>>
    %dma_start3A_202 = tpu.memref_squeeze %dma_start3A_201 : memref<1x128x128xf32, #tpu.memory_space<vmem>> -> memref<128x128xf32, #tpu.memory_space<vmem>>
    %dma_start3A_203 = arith.constant 0 : i32
    %dma_start3A_204 = tpu.memref_slice %arg5[%dma_start3A_196, %dma_start3A_197, %dma_start3A_203] : memref<20x1x128xi32, #tpu.memory_space<vmem>> -> memref<1x1x128xi32, #tpu.memory_space<vmem>>
    %dma_start3A_205 = tpu.memref_squeeze %dma_start3A_204 : memref<1x1x128xi32, #tpu.memory_space<vmem>> -> memref<128xi32, #tpu.memory_space<vmem>>
    %dma_start3A_206 = arith.constant 0 : i32
    %dma_start3A_207 = arith.constant 0 : i32
    %dma_start3A_208 = tpu.memref_slice %arg2[%dma_start3A_206, %dma_start3A_207] : memref<21013x128xf32, #tpu.memory_space<hbm>> -> memref<21013x128xf32, #tpu.memory_space<hbm>>
    tpu.enqueue_indirect_dma source(%dma_start3A_208 : memref<21013x128xf32, #tpu.memory_space<hbm>>) target(%dma_start3A_202 : memref<128x128xf32, #tpu.memory_space<vmem>>) offsets(%dma_start3A_205 : memref<128xi32, #tpu.memory_space<vmem>>) semaphore(%arg7 : memref<!tpu.dma_semaphore, #tpu.memory_space<semaphore_mem>>)
    %dma_wait3A_209 = arith.constant 3 : i32
    %dma_wait3A_210 = arith.constant 0 : i32
    %dma_wait3A_211 = arith.constant 3 : i32
    %dma_wait3A_212 = arith.constant 0 : i32
    %dma_wait3A_213 = arith.constant 0 : i32
    %dma_wait3A_214 = tpu.memref_slice %arg6[%dma_wait3A_211, %dma_wait3A_212, %dma_wait3A_213] : memref<6x128x128xf32, #tpu.memory_space<vmem>> -> memref<1x128x128xf32, #tpu.memory_space<vmem>>
    %dma_wait3A_215 = tpu.memref_squeeze %dma_wait3A_214 : memref<1x128x128xf32, #tpu.memory_space<vmem>> -> memref<128x128xf32, #tpu.memory_space<vmem>>
    %dma_wait3A_216 = arith.constant 0 : i32
    %dma_wait3A_217 = tpu.memref_slice %arg5[%dma_wait3A_209, %dma_wait3A_210, %dma_wait3A_216] : memref<20x1x128xi32, #tpu.memory_space<vmem>> -> memref<1x1x128xi32, #tpu.memory_space<vmem>>
    %dma_wait3A_218 = tpu.memref_squeeze %dma_wait3A_217 : memref<1x1x128xi32, #tpu.memory_space<vmem>> -> memref<128xi32, #tpu.memory_space<vmem>>
    %dma_wait3A_219 = arith.constant 0 : i32
    %dma_wait3A_220 = arith.constant 0 : i32
    %dma_wait3A_221 = tpu.memref_slice %arg2[%dma_wait3A_219, %dma_wait3A_220] : memref<21013x128xf32, #tpu.memory_space<hbm>> -> memref<21013x128xf32, #tpu.memory_space<hbm>>
    tpu.wait_indirect_dma semaphore(%arg7 : memref<!tpu.dma_semaphore, #tpu.memory_space<semaphore_mem>>) src(%dma_wait3A_221 : memref<21013x128xf32, #tpu.memory_space<hbm>>) dst(%dma_wait3A_215 : memref<128x128xf32, #tpu.memory_space<vmem>>)
    %mul3A_222 = arith.constant 20 : i32
    %mul3A_223 = arith.muli %add3A, %mul3A_222 : i32
    %add3A_224 = arith.constant 3 : i32
    %add3A_225 = arith.addi %mul3A_223, %add3A_224 : i32
    %dma_start3A_226 = arith.constant 3 : i32
    %dma_start3A_227 = arith.constant 0 : i32
    %dma_start3A_228 = arith.constant 0 : i32
    %dma_start3A_229 = tpu.memref_slice %arg6[%dma_start3A_226, %dma_start3A_227, %dma_start3A_228] : memref<6x128x128xf32, #tpu.memory_space<vmem>> -> memref<1x128x128xf32, #tpu.memory_space<vmem>>
    %dma_start3A_230 = tpu.memref_squeeze %dma_start3A_229 : memref<1x128x128xf32, #tpu.memory_space<vmem>> -> memref<128x128xf32, #tpu.memory_space<vmem>>
    %dma_start3A_231 = arith.constant 0 : i32
    %dma_start3A_232 = arith.constant 0 : i32
    %dma_start3A_233 = tpu.memref_slice %arg4[%add3A_225, %dma_start3A_231, %dma_start3A_232] : memref<640x128x128xf32, #tpu.memory_space<hbm>> -> memref<1x128x128xf32, #tpu.memory_space<hbm>>
    %dma_start3A_234 = tpu.memref_squeeze %dma_start3A_233 : memref<1x128x128xf32, #tpu.memory_space<hbm>> -> memref<128x128xf32, #tpu.memory_space<hbm>>
    %dma_start3A_235 = arith.constant 0 : i32
    %dma_start3A_236 = arith.constant 0 : i32
    %dma_start3A_237 = tpu.memref_slice %arg4[%add3A_225, %dma_start3A_235, %dma_start3A_236] : memref<640x128x128xf32, #tpu.memory_space<hbm>> -> memref<1x128x128xf32, #tpu.memory_space<hbm>>
    %dma_start3A_238 = tpu.memref_squeeze %dma_start3A_237 : memref<1x128x128xf32, #tpu.memory_space<hbm>> -> memref<128x128xf32, #tpu.memory_space<hbm>>
    %dma_start3A_239 = arith.constant 0 : i32
    %dma_start3A_240 = arith.constant 0 : i32
    %dma_start3A_241 = tpu.memref_slice %arg6[%dma_start3A_226, %dma_start3A_239, %dma_start3A_240] : memref<6x128x128xf32, #tpu.memory_space<vmem>> -> memref<1x128x128xf32, #tpu.memory_space<vmem>>
    %dma_start3A_242 = tpu.memref_squeeze %dma_start3A_241 : memref<1x128x128xf32, #tpu.memory_space<vmem>> -> memref<128x128xf32, #tpu.memory_space<vmem>>
    tpu.enqueue_dma source(%dma_start3A_242 : memref<128x128xf32, #tpu.memory_space<vmem>>) target(%dma_start3A_238 : memref<128x128xf32, #tpu.memory_space<hbm>>) target_semaphore(%arg8 : memref<!tpu.dma_semaphore, #tpu.memory_space<semaphore_mem>>)
    %dma_wait3A_243 = arith.constant 1 : i32
    %dma_wait3A_244 = arith.constant 0 : i32
    %dma_wait3A_245 = arith.constant 0 : i32
    %dma_wait3A_246 = tpu.memref_slice %arg6[%dma_wait3A_243, %dma_wait3A_244, %dma_wait3A_245] : memref<6x128x128xf32, #tpu.memory_space<vmem>> -> memref<1x128x128xf32, #tpu.memory_space<vmem>>
    %dma_wait3A_247 = tpu.memref_squeeze %dma_wait3A_246 : memref<1x128x128xf32, #tpu.memory_space<vmem>> -> memref<128x128xf32, #tpu.memory_space<vmem>>
    %dma_wait3A_248 = arith.constant 0 : i32
    %dma_wait3A_249 = arith.constant 0 : i32
    %dma_wait3A_250 = tpu.memref_slice %arg4[%add3A_114, %dma_wait3A_248, %dma_wait3A_249] : memref<640x128x128xf32, #tpu.memory_space<hbm>> -> memref<1x128x128xf32, #tpu.memory_space<hbm>>
    %dma_wait3A_251 = tpu.memref_squeeze %dma_wait3A_250 : memref<1x128x128xf32, #tpu.memory_space<hbm>> -> memref<128x128xf32, #tpu.memory_space<hbm>>
    %dma_wait3A_252 = arith.constant 0 : i32
    %dma_wait3A_253 = arith.constant 0 : i32
    %dma_wait3A_254 = tpu.memref_slice %arg4[%add3A_114, %dma_wait3A_252, %dma_wait3A_253] : memref<640x128x128xf32, #tpu.memory_space<hbm>> -> memref<1x128x128xf32, #tpu.memory_space<hbm>>
    %dma_wait3A_255 = tpu.memref_squeeze %dma_wait3A_254 : memref<1x128x128xf32, #tpu.memory_space<hbm>> -> memref<128x128xf32, #tpu.memory_space<hbm>>
    %dma_wait3A_256 = arith.constant 0 : i32
    %dma_wait3A_257 = arith.constant 0 : i32
    %dma_wait3A_258 = tpu.memref_slice %arg6[%dma_wait3A_243, %dma_wait3A_256, %dma_wait3A_257] : memref<6x128x128xf32, #tpu.memory_space<vmem>> -> memref<1x128x128xf32, #tpu.memory_space<vmem>>
    %dma_wait3A_259 = tpu.memref_squeeze %dma_wait3A_258 : memref<1x128x128xf32, #tpu.memory_space<vmem>> -> memref<128x128xf32, #tpu.memory_space<vmem>>
    tpu.wait_dma2 semaphore(%arg8 : memref<!tpu.dma_semaphore, #tpu.memory_space<semaphore_mem>>) src(%dma_wait3A_259 : memref<128x128xf32, #tpu.memory_space<vmem>>) dst(%dma_wait3A_255 : memref<128x128xf32, #tpu.memory_space<hbm>>)
    %dma_start3A_260 = arith.constant 7 : i32
    %dma_start3A_261 = arith.constant 0 : i32
    %dma_start3A_262 = arith.constant 1 : i32
    %dma_start3A_263 = arith.constant 0 : i32
    %dma_start3A_264 = arith.constant 0 : i32
    %dma_start3A_265 = tpu.memref_slice %arg6[%dma_start3A_262, %dma_start3A_263, %dma_start3A_264] : memref<6x128x128xf32, #tpu.memory_space<vmem>> -> memref<1x128x128xf32, #tpu.memory_space<vmem>>
    %dma_start3A_266 = tpu.memref_squeeze %dma_start3A_265 : memref<1x128x128xf32, #tpu.memory_space<vmem>> -> memref<128x128xf32, #tpu.memory_space<vmem>>
    %dma_start3A_267 = arith.constant 0 : i32
    %dma_start3A_268 = tpu.memref_slice %arg5[%dma_start3A_260, %dma_start3A_261, %dma_start3A_267] : memref<20x1x128xi32, #tpu.memory_space<vmem>> -> memref<1x1x128xi32, #tpu.memory_space<vmem>>
    %dma_start3A_269 = tpu.memref_squeeze %dma_start3A_268 : memref<1x1x128xi32, #tpu.memory_space<vmem>> -> memref<128xi32, #tpu.memory_space<vmem>>
    %dma_start3A_270 = arith.constant 0 : i32
    %dma_start3A_271 = arith.constant 0 : i32
    %dma_start3A_272 = tpu.memref_slice %arg2[%dma_start3A_270, %dma_start3A_271] : memref<21013x128xf32, #tpu.memory_space<hbm>> -> memref<21013x128xf32, #tpu.memory_space<hbm>>
    tpu.enqueue_indirect_dma source(%dma_start3A_272 : memref<21013x128xf32, #tpu.memory_space<hbm>>) target(%dma_start3A_266 : memref<128x128xf32, #tpu.memory_space<vmem>>) offsets(%dma_start3A_269 : memref<128xi32, #tpu.memory_space<vmem>>) semaphore(%arg7 : memref<!tpu.dma_semaphore, #tpu.memory_space<semaphore_mem>>)
    %dma_wait3A_273 = arith.constant 4 : i32
    %dma_wait3A_274 = arith.constant 0 : i32
    %dma_wait3A_275 = arith.constant 4 : i32
    %dma_wait3A_276 = arith.constant 0 : i32
    %dma_wait3A_277 = arith.constant 0 : i32
    %dma_wait3A_278 = tpu.memref_slice %arg6[%dma_wait3A_275, %dma_wait3A_276, %dma_wait3A_277] : memref<6x128x128xf32, #tpu.memory_space<vmem>> -> memref<1x128x128xf32, #tpu.memory_space<vmem>>
    %dma_wait3A_279 = tpu.memref_squeeze %dma_wait3A_278 : memref<1x128x128xf32, #tpu.memory_space<vmem>> -> memref<128x128xf32, #tpu.memory_space<vmem>>
    %dma_wait3A_280 = arith.constant 0 : i32
    %dma_wait3A_281 = tpu.memref_slice %arg5[%dma_wait3A_273, %dma_wait3A_274, %dma_wait3A_280] : memref<20x1x128xi32, #tpu.memory_space<vmem>> -> memref<1x1x128xi32, #tpu.memory_space<vmem>>
    %dma_wait3A_282 = tpu.memref_squeeze %dma_wait3A_281 : memref<1x1x128xi32, #tpu.memory_space<vmem>> -> memref<128xi32, #tpu.memory_space<vmem>>
    %dma_wait3A_283 = arith.constant 0 : i32
    %dma_wait3A_284 = arith.constant 0 : i32
    %dma_wait3A_285 = tpu.memref_slice %arg2[%dma_wait3A_283, %dma_wait3A_284] : memref<21013x128xf32, #tpu.memory_space<hbm>> -> memref<21013x128xf32, #tpu.memory_space<hbm>>
    tpu.wait_indirect_dma semaphore(%arg7 : memref<!tpu.dma_semaphore, #tpu.memory_space<semaphore_mem>>) src(%dma_wait3A_285 : memref<21013x128xf32, #tpu.memory_space<hbm>>) dst(%dma_wait3A_279 : memref<128x128xf32, #tpu.memory_space<vmem>>)
    %mul3A_286 = arith.constant 20 : i32
    %mul3A_287 = arith.muli %add3A, %mul3A_286 : i32
    %add3A_288 = arith.constant 4 : i32
    %add3A_289 = arith.addi %mul3A_287, %add3A_288 : i32
    %dma_start3A_290 = arith.constant 4 : i32
    %dma_start3A_291 = arith.constant 0 : i32
    %dma_start3A_292 = arith.constant 0 : i32
    %dma_start3A_293 = tpu.memref_slice %arg6[%dma_start3A_290, %dma_start3A_291, %dma_start3A_292] : memref<6x128x128xf32, #tpu.memory_space<vmem>> -> memref<1x128x128xf32, #tpu.memory_space<vmem>>
    %dma_start3A_294 = tpu.memref_squeeze %dma_start3A_293 : memref<1x128x128xf32, #tpu.memory_space<vmem>> -> memref<128x128xf32, #tpu.memory_space<vmem>>
    %dma_start3A_295 = arith.constant 0 : i32
    %dma_start3A_296 = arith.constant 0 : i32
    %dma_start3A_297 = tpu.memref_slice %arg4[%add3A_289, %dma_start3A_295, %dma_start3A_296] : memref<640x128x128xf32, #tpu.memory_space<hbm>> -> memref<1x128x128xf32, #tpu.memory_space<hbm>>
    %dma_start3A_298 = tpu.memref_squeeze %dma_start3A_297 : memref<1x128x128xf32, #tpu.memory_space<hbm>> -> memref<128x128xf32, #tpu.memory_space<hbm>>
    %dma_start3A_299 = arith.constant 0 : i32
    %dma_start3A_300 = arith.constant 0 : i32
    %dma_start3A_301 = tpu.memref_slice %arg4[%add3A_289, %dma_start3A_299, %dma_start3A_300] : memref<640x128x128xf32, #tpu.memory_space<hbm>> -> memref<1x128x128xf32, #tpu.memory_space<hbm>>
    %dma_start3A_302 = tpu.memref_squeeze %dma_start3A_301 : memref<1x128x128xf32, #tpu.memory_space<hbm>> -> memref<128x128xf32, #tpu.memory_space<hbm>>
    %dma_start3A_303 = arith.constant 0 : i32
    %dma_start3A_304 = arith.constant 0 : i32
    %dma_start3A_305 = tpu.memref_slice %arg6[%dma_start3A_290, %dma_start3A_303, %dma_start3A_304] : memref<6x128x128xf32, #tpu.memory_space<vmem>> -> memref<1x128x128xf32, #tpu.memory_space<vmem>>
    %dma_start3A_306 = tpu.memref_squeeze %dma_start3A_305 : memref<1x128x128xf32, #tpu.memory_space<vmem>> -> memref<128x128xf32, #tpu.memory_space<vmem>>
    tpu.enqueue_dma source(%dma_start3A_306 : memref<128x128xf32, #tpu.memory_space<vmem>>) target(%dma_start3A_302 : memref<128x128xf32, #tpu.memory_space<hbm>>) target_semaphore(%arg8 : memref<!tpu.dma_semaphore, #tpu.memory_space<semaphore_mem>>)
    %dma_wait3A_307 = arith.constant 2 : i32
    %dma_wait3A_308 = arith.constant 0 : i32
    %dma_wait3A_309 = arith.constant 0 : i32
    %dma_wait3A_310 = tpu.memref_slice %arg6[%dma_wait3A_307, %dma_wait3A_308, %dma_wait3A_309] : memref<6x128x128xf32, #tpu.memory_space<vmem>> -> memref<1x128x128xf32, #tpu.memory_space<vmem>>
    %dma_wait3A_311 = tpu.memref_squeeze %dma_wait3A_310 : memref<1x128x128xf32, #tpu.memory_space<vmem>> -> memref<128x128xf32, #tpu.memory_space<vmem>>
    %dma_wait3A_312 = arith.constant 0 : i32
    %dma_wait3A_313 = arith.constant 0 : i32
    %dma_wait3A_314 = tpu.memref_slice %arg4[%add3A_161, %dma_wait3A_312, %dma_wait3A_313] : memref<640x128x128xf32, #tpu.memory_space<hbm>> -> memref<1x128x128xf32, #tpu.memory_space<hbm>>
    %dma_wait3A_315 = tpu.memref_squeeze %dma_wait3A_314 : memref<1x128x128xf32, #tpu.memory_space<hbm>> -> memref<128x128xf32, #tpu.memory_space<hbm>>
    %dma_wait3A_316 = arith.constant 0 : i32
    %dma_wait3A_317 = arith.constant 0 : i32
    %dma_wait3A_318 = tpu.memref_slice %arg4[%add3A_161, %dma_wait3A_316, %dma_wait3A_317] : memref<640x128x128xf32, #tpu.memory_space<hbm>> -> memref<1x128x128xf32, #tpu.memory_space<hbm>>
    %dma_wait3A_319 = tpu.memref_squeeze %dma_wait3A_318 : memref<1x128x128xf32, #tpu.memory_space<hbm>> -> memref<128x128xf32, #tpu.memory_space<hbm>>
    %dma_wait3A_320 = arith.constant 0 : i32
    %dma_wait3A_321 = arith.constant 0 : i32
    %dma_wait3A_322 = tpu.memref_slice %arg6[%dma_wait3A_307, %dma_wait3A_320, %dma_wait3A_321] : memref<6x128x128xf32, #tpu.memory_space<vmem>> -> memref<1x128x128xf32, #tpu.memory_space<vmem>>
    %dma_wait3A_323 = tpu.memref_squeeze %dma_wait3A_322 : memref<1x128x128xf32, #tpu.memory_space<vmem>> -> memref<128x128xf32, #tpu.memory_space<vmem>>
    tpu.wait_dma2 semaphore(%arg8 : memref<!tpu.dma_semaphore, #tpu.memory_space<semaphore_mem>>) src(%dma_wait3A_323 : memref<128x128xf32, #tpu.memory_space<vmem>>) dst(%dma_wait3A_319 : memref<128x128xf32, #tpu.memory_space<hbm>>)
    %dma_start3A_324 = arith.constant 8 : i32
    %dma_start3A_325 = arith.constant 0 : i32
    %dma_start3A_326 = arith.constant 2 : i32
    %dma_start3A_327 = arith.constant 0 : i32
    %dma_start3A_328 = arith.constant 0 : i32
    %dma_start3A_329 = tpu.memref_slice %arg6[%dma_start3A_326, %dma_start3A_327, %dma_start3A_328] : memref<6x128x128xf32, #tpu.memory_space<vmem>> -> memref<1x128x128xf32, #tpu.memory_space<vmem>>
    %dma_start3A_330 = tpu.memref_squeeze %dma_start3A_329 : memref<1x128x128xf32, #tpu.memory_space<vmem>> -> memref<128x128xf32, #tpu.memory_space<vmem>>
    %dma_start3A_331 = arith.constant 0 : i32
    %dma_start3A_332 = tpu.memref_slice %arg5[%dma_start3A_324, %dma_start3A_325, %dma_start3A_331] : memref<20x1x128xi32, #tpu.memory_space<vmem>> -> memref<1x1x128xi32, #tpu.memory_space<vmem>>
    %dma_start3A_333 = tpu.memref_squeeze %dma_start3A_332 : memref<1x1x128xi32, #tpu.memory_space<vmem>> -> memref<128xi32, #tpu.memory_space<vmem>>
    %dma_start3A_334 = arith.constant 0 : i32
    %dma_start3A_335 = arith.constant 0 : i32
    %dma_start3A_336 = tpu.memref_slice %arg2[%dma_start3A_334, %dma_start3A_335] : memref<21013x128xf32, #tpu.memory_space<hbm>> -> memref<21013x128xf32, #tpu.memory_space<hbm>>
    tpu.enqueue_indirect_dma source(%dma_start3A_336 : memref<21013x128xf32, #tpu.memory_space<hbm>>) target(%dma_start3A_330 : memref<128x128xf32, #tpu.memory_space<vmem>>) offsets(%dma_start3A_333 : memref<128xi32, #tpu.memory_space<vmem>>) semaphore(%arg7 : memref<!tpu.dma_semaphore, #tpu.memory_space<semaphore_mem>>)
    %dma_wait3A_337 = arith.constant 5 : i32
    %dma_wait3A_338 = arith.constant 0 : i32
    %dma_wait3A_339 = arith.constant 5 : i32
    %dma_wait3A_340 = arith.constant 0 : i32
    %dma_wait3A_341 = arith.constant 0 : i32
    %dma_wait3A_342 = tpu.memref_slice %arg6[%dma_wait3A_339, %dma_wait3A_340, %dma_wait3A_341] : memref<6x128x128xf32, #tpu.memory_space<vmem>> -> memref<1x128x128xf32, #tpu.memory_space<vmem>>
    %dma_wait3A_343 = tpu.memref_squeeze %dma_wait3A_342 : memref<1x128x128xf32, #tpu.memory_space<vmem>> -> memref<128x128xf32, #tpu.memory_space<vmem>>
    %dma_wait3A_344 = arith.constant 0 : i32
    %dma_wait3A_345 = tpu.memref_slice %arg5[%dma_wait3A_337, %dma_wait3A_338, %dma_wait3A_344] : memref<20x1x128xi32, #tpu.memory_space<vmem>> -> memref<1x1x128xi32, #tpu.memory_space<vmem>>
    %dma_wait3A_346 = tpu.memref_squeeze %dma_wait3A_345 : memref<1x1x128xi32, #tpu.memory_space<vmem>> -> memref<128xi32, #tpu.memory_space<vmem>>
    %dma_wait3A_347 = arith.constant 0 : i32
    %dma_wait3A_348 = arith.constant 0 : i32
    %dma_wait3A_349 = tpu.memref_slice %arg2[%dma_wait3A_347, %dma_wait3A_348] : memref<21013x128xf32, #tpu.memory_space<hbm>> -> memref<21013x128xf32, #tpu.memory_space<hbm>>
    tpu.wait_indirect_dma semaphore(%arg7 : memref<!tpu.dma_semaphore, #tpu.memory_space<semaphore_mem>>) src(%dma_wait3A_349 : memref<21013x128xf32, #tpu.memory_space<hbm>>) dst(%dma_wait3A_343 : memref<128x128xf32, #tpu.memory_space<vmem>>)
    %mul3A_350 = arith.constant 20 : i32
    %mul3A_351 = arith.muli %add3A, %mul3A_350 : i32
    %add3A_352 = arith.constant 5 : i32
    %add3A_353 = arith.addi %mul3A_351, %add3A_352 : i32
    %dma_start3A_354 = arith.constant 5 : i32
    %dma_start3A_355 = arith.constant 0 : i32
    %dma_start3A_356 = arith.constant 0 : i32
    %dma_start3A_357 = tpu.memref_slice %arg6[%dma_start3A_354, %dma_start3A_355, %dma_start3A_356] : memref<6x128x128xf32, #tpu.memory_space<vmem>> -> memref<1x128x128xf32, #tpu.memory_space<vmem>>
    %dma_start3A_358 = tpu.memref_squeeze %dma_start3A_357 : memref<1x128x128xf32, #tpu.memory_space<vmem>> -> memref<128x128xf32, #tpu.memory_space<vmem>>
    %dma_start3A_359 = arith.constant 0 : i32
    %dma_start3A_360 = arith.constant 0 : i32
    %dma_start3A_361 = tpu.memref_slice %arg4[%add3A_353, %dma_start3A_359, %dma_start3A_360] : memref<640x128x128xf32, #tpu.memory_space<hbm>> -> memref<1x128x128xf32, #tpu.memory_space<hbm>>
    %dma_start3A_362 = tpu.memref_squeeze %dma_start3A_361 : memref<1x128x128xf32, #tpu.memory_space<hbm>> -> memref<128x128xf32, #tpu.memory_space<hbm>>
    %dma_start3A_363 = arith.constant 0 : i32
    %dma_start3A_364 = arith.constant 0 : i32
    %dma_start3A_365 = tpu.memref_slice %arg4[%add3A_353, %dma_start3A_363, %dma_start3A_364] : memref<640x128x128xf32, #tpu.memory_space<hbm>> -> memref<1x128x128xf32, #tpu.memory_space<hbm>>
    %dma_start3A_366 = tpu.memref_squeeze %dma_start3A_365 : memref<1x128x128xf32, #tpu.memory_space<hbm>> -> memref<128x128xf32, #tpu.memory_space<hbm>>
    %dma_start3A_367 = arith.constant 0 : i32
    %dma_start3A_368 = arith.constant 0 : i32
    %dma_start3A_369 = tpu.memref_slice %arg6[%dma_start3A_354, %dma_start3A_367, %dma_start3A_368] : memref<6x128x128xf32, #tpu.memory_space<vmem>> -> memref<1x128x128xf32, #tpu.memory_space<vmem>>
    %dma_start3A_370 = tpu.memref_squeeze %dma_start3A_369 : memref<1x128x128xf32, #tpu.memory_space<vmem>> -> memref<128x128xf32, #tpu.memory_space<vmem>>
    tpu.enqueue_dma source(%dma_start3A_370 : memref<128x128xf32, #tpu.memory_space<vmem>>) target(%dma_start3A_366 : memref<128x128xf32, #tpu.memory_space<hbm>>) target_semaphore(%arg8 : memref<!tpu.dma_semaphore, #tpu.memory_space<semaphore_mem>>)
    %dma_wait3A_371 = arith.constant 3 : i32
    %dma_wait3A_372 = arith.constant 0 : i32
    %dma_wait3A_373 = arith.constant 0 : i32
    %dma_wait3A_374 = tpu.memref_slice %arg6[%dma_wait3A_371, %dma_wait3A_372, %dma_wait3A_373] : memref<6x128x128xf32, #tpu.memory_space<vmem>> -> memref<1x128x128xf32, #tpu.memory_space<vmem>>
    %dma_wait3A_375 = tpu.memref_squeeze %dma_wait3A_374 : memref<1x128x128xf32, #tpu.memory_space<vmem>> -> memref<128x128xf32, #tpu.memory_space<vmem>>
    %dma_wait3A_376 = arith.constant 0 : i32
    %dma_wait3A_377 = arith.constant 0 : i32
    %dma_wait3A_378 = tpu.memref_slice %arg4[%add3A_225, %dma_wait3A_376, %dma_wait3A_377] : memref<640x128x128xf32, #tpu.memory_space<hbm>> -> memref<1x128x128xf32, #tpu.memory_space<hbm>>
    %dma_wait3A_379 = tpu.memref_squeeze %dma_wait3A_378 : memref<1x128x128xf32, #tpu.memory_space<hbm>> -> memref<128x128xf32, #tpu.memory_space<hbm>>
    %dma_wait3A_380 = arith.constant 0 : i32
    %dma_wait3A_381 = arith.constant 0 : i32
    %dma_wait3A_382 = tpu.memref_slice %arg4[%add3A_225, %dma_wait3A_380, %dma_wait3A_381] : memref<640x128x128xf32, #tpu.memory_space<hbm>> -> memref<1x128x128xf32, #tpu.memory_space<hbm>>
    %dma_wait3A_383 = tpu.memref_squeeze %dma_wait3A_382 : memref<1x128x128xf32, #tpu.memory_space<hbm>> -> memref<128x128xf32, #tpu.memory_space<hbm>>
    %dma_wait3A_384 = arith.constant 0 : i32
    %dma_wait3A_385 = arith.constant 0 : i32
    %dma_wait3A_386 = tpu.memref_slice %arg6[%dma_wait3A_371, %dma_wait3A_384, %dma_wait3A_385] : memref<6x128x128xf32, #tpu.memory_space<vmem>> -> memref<1x128x128xf32, #tpu.memory_space<vmem>>
    %dma_wait3A_387 = tpu.memref_squeeze %dma_wait3A_386 : memref<1x128x128xf32, #tpu.memory_space<vmem>> -> memref<128x128xf32, #tpu.memory_space<vmem>>
    tpu.wait_dma2 semaphore(%arg8 : memref<!tpu.dma_semaphore, #tpu.memory_space<semaphore_mem>>) src(%dma_wait3A_387 : memref<128x128xf32, #tpu.memory_space<vmem>>) dst(%dma_wait3A_383 : memref<128x128xf32, #tpu.memory_space<hbm>>)
    %dma_start3A_388 = arith.constant 9 : i32
    %dma_start3A_389 = arith.constant 0 : i32
    %dma_start3A_390 = arith.constant 3 : i32
    %dma_start3A_391 = arith.constant 0 : i32
    %dma_start3A_392 = arith.constant 0 : i32
    %dma_start3A_393 = tpu.memref_slice %arg6[%dma_start3A_390, %dma_start3A_391, %dma_start3A_392] : memref<6x128x128xf32, #tpu.memory_space<vmem>> -> memref<1x128x128xf32, #tpu.memory_space<vmem>>
    %dma_start3A_394 = tpu.memref_squeeze %dma_start3A_393 : memref<1x128x128xf32, #tpu.memory_space<vmem>> -> memref<128x128xf32, #tpu.memory_space<vmem>>
    %dma_start3A_395 = arith.constant 0 : i32
    %dma_start3A_396 = tpu.memref_slice %arg5[%dma_start3A_388, %dma_start3A_389, %dma_start3A_395] : memref<20x1x128xi32, #tpu.memory_space<vmem>> -> memref<1x1x128xi32, #tpu.memory_space<vmem>>
    %dma_start3A_397 = tpu.memref_squeeze %dma_start3A_396 : memref<1x1x128xi32, #tpu.memory_space<vmem>> -> memref<128xi32, #tpu.memory_space<vmem>>
    %dma_start3A_398 = arith.constant 0 : i32
    %dma_start3A_399 = arith.constant 0 : i32
    %dma_start3A_400 = tpu.memref_slice %arg2[%dma_start3A_398, %dma_start3A_399] : memref<21013x128xf32, #tpu.memory_space<hbm>> -> memref<21013x128xf32, #tpu.memory_space<hbm>>
    tpu.enqueue_indirect_dma source(%dma_start3A_400 : memref<21013x128xf32, #tpu.memory_space<hbm>>) target(%dma_start3A_394 : memref<128x128xf32, #tpu.memory_space<vmem>>) offsets(%dma_start3A_397 : memref<128xi32, #tpu.memory_space<vmem>>) semaphore(%arg7 : memref<!tpu.dma_semaphore, #tpu.memory_space<semaphore_mem>>)
    %dma_wait3A_401 = arith.constant 6 : i32
    %dma_wait3A_402 = arith.constant 0 : i32
    %dma_wait3A_403 = arith.constant 0 : i32
    %dma_wait3A_404 = arith.constant 0 : i32
    %dma_wait3A_405 = arith.constant 0 : i32
    %dma_wait3A_406 = tpu.memref_slice %arg6[%dma_wait3A_403, %dma_wait3A_404, %dma_wait3A_405] : memref<6x128x128xf32, #tpu.memory_space<vmem>> -> memref<1x128x128xf32, #tpu.memory_space<vmem>>
    %dma_wait3A_407 = tpu.memref_squeeze %dma_wait3A_406 : memref<1x128x128xf32, #tpu.memory_space<vmem>> -> memref<128x128xf32, #tpu.memory_space<vmem>>
    %dma_wait3A_408 = arith.constant 0 : i32
    %dma_wait3A_409 = tpu.memref_slice %arg5[%dma_wait3A_401, %dma_wait3A_402, %dma_wait3A_408] : memref<20x1x128xi32, #tpu.memory_space<vmem>> -> memref<1x1x128xi32, #tpu.memory_space<vmem>>
    %dma_wait3A_410 = tpu.memref_squeeze %dma_wait3A_409 : memref<1x1x128xi32, #tpu.memory_space<vmem>> -> memref<128xi32, #tpu.memory_space<vmem>>
    %dma_wait3A_411 = arith.constant 0 : i32
    %dma_wait3A_412 = arith.constant 0 : i32
    %dma_wait3A_413 = tpu.memref_slice %arg2[%dma_wait3A_411, %dma_wait3A_412] : memref<21013x128xf32, #tpu.memory_space<hbm>> -> memref<21013x128xf32, #tpu.memory_space<hbm>>
    tpu.wait_indirect_dma semaphore(%arg7 : memref<!tpu.dma_semaphore, #tpu.memory_space<semaphore_mem>>) src(%dma_wait3A_413 : memref<21013x128xf32, #tpu.memory_space<hbm>>) dst(%dma_wait3A_407 : memref<128x128xf32, #tpu.memory_space<vmem>>)
    %mul3A_414 = arith.constant 20 : i32
    %mul3A_415 = arith.muli %add3A, %mul3A_414 : i32
    %add3A_416 = arith.constant 6 : i32
    %add3A_417 = arith.addi %mul3A_415, %add3A_416 : i32
    %dma_start3A_418 = arith.constant 0 : i32
    %dma_start3A_419 = arith.constant 0 : i32
    %dma_start3A_420 = arith.constant 0 : i32
    %dma_start3A_421 = tpu.memref_slice %arg6[%dma_start3A_418, %dma_start3A_419, %dma_start3A_420] : memref<6x128x128xf32, #tpu.memory_space<vmem>> -> memref<1x128x128xf32, #tpu.memory_space<vmem>>
    %dma_start3A_422 = tpu.memref_squeeze %dma_start3A_421 : memref<1x128x128xf32, #tpu.memory_space<vmem>> -> memref<128x128xf32, #tpu.memory_space<vmem>>
    %dma_start3A_423 = arith.constant 0 : i32
    %dma_start3A_424 = arith.constant 0 : i32
    %dma_start3A_425 = tpu.memref_slice %arg4[%add3A_417, %dma_start3A_423, %dma_start3A_424] : memref<640x128x128xf32, #tpu.memory_space<hbm>> -> memref<1x128x128xf32, #tpu.memory_space<hbm>>
    %dma_start3A_426 = tpu.memref_squeeze %dma_start3A_425 : memref<1x128x128xf32, #tpu.memory_space<hbm>> -> memref<128x128xf32, #tpu.memory_space<hbm>>
    %dma_start3A_427 = arith.constant 0 : i32
    %dma_start3A_428 = arith.constant 0 : i32
    %dma_start3A_429 = tpu.memref_slice %arg4[%add3A_417, %dma_start3A_427, %dma_start3A_428] : memref<640x128x128xf32, #tpu.memory_space<hbm>> -> memref<1x128x128xf32, #tpu.memory_space<hbm>>
    %dma_start3A_430 = tpu.memref_squeeze %dma_start3A_429 : memref<1x128x128xf32, #tpu.memory_space<hbm>> -> memref<128x128xf32, #tpu.memory_space<hbm>>
    %dma_start3A_431 = arith.constant 0 : i32
    %dma_start3A_432 = arith.constant 0 : i32
    %dma_start3A_433 = tpu.memref_slice %arg6[%dma_start3A_418, %dma_start3A_431, %dma_start3A_432] : memref<6x128x128xf32, #tpu.memory_space<vmem>> -> memref<1x128x128xf32, #tpu.memory_space<vmem>>
    %dma_start3A_434 = tpu.memref_squeeze %dma_start3A_433 : memref<1x128x128xf32, #tpu.memory_space<vmem>> -> memref<128x128xf32, #tpu.memory_space<vmem>>
    tpu.enqueue_dma source(%dma_start3A_434 : memref<128x128xf32, #tpu.memory_space<vmem>>) target(%dma_start3A_430 : memref<128x128xf32, #tpu.memory_space<hbm>>) target_semaphore(%arg8 : memref<!tpu.dma_semaphore, #tpu.memory_space<semaphore_mem>>)
    %dma_wait3A_435 = arith.constant 4 : i32
    %dma_wait3A_436 = arith.constant 0 : i32
    %dma_wait3A_437 = arith.constant 0 : i32
    %dma_wait3A_438 = tpu.memref_slice %arg6[%dma_wait3A_435, %dma_wait3A_436, %dma_wait3A_437] : memref<6x128x128xf32, #tpu.memory_space<vmem>> -> memref<1x128x128xf32, #tpu.memory_space<vmem>>
    %dma_wait3A_439 = tpu.memref_squeeze %dma_wait3A_438 : memref<1x128x128xf32, #tpu.memory_space<vmem>> -> memref<128x128xf32, #tpu.memory_space<vmem>>
    %dma_wait3A_440 = arith.constant 0 : i32
    %dma_wait3A_441 = arith.constant 0 : i32
    %dma_wait3A_442 = tpu.memref_slice %arg4[%add3A_289, %dma_wait3A_440, %dma_wait3A_441] : memref<640x128x128xf32, #tpu.memory_space<hbm>> -> memref<1x128x128xf32, #tpu.memory_space<hbm>>
    %dma_wait3A_443 = tpu.memref_squeeze %dma_wait3A_442 : memref<1x128x128xf32, #tpu.memory_space<hbm>> -> memref<128x128xf32, #tpu.memory_space<hbm>>
    %dma_wait3A_444 = arith.constant 0 : i32
    %dma_wait3A_445 = arith.constant 0 : i32
    %dma_wait3A_446 = tpu.memref_slice %arg4[%add3A_289, %dma_wait3A_444, %dma_wait3A_445] : memref<640x128x128xf32, #tpu.memory_space<hbm>> -> memref<1x128x128xf32, #tpu.memory_space<hbm>>
    %dma_wait3A_447 = tpu.memref_squeeze %dma_wait3A_446 : memref<1x128x128xf32, #tpu.memory_space<hbm>> -> memref<128x128xf32, #tpu.memory_space<hbm>>
    %dma_wait3A_448 = arith.constant 0 : i32
    %dma_wait3A_449 = arith.constant 0 : i32
    %dma_wait3A_450 = tpu.memref_slice %arg6[%dma_wait3A_435, %dma_wait3A_448, %dma_wait3A_449] : memref<6x128x128xf32, #tpu.memory_space<vmem>> -> memref<1x128x128xf32, #tpu.memory_space<vmem>>
    %dma_wait3A_451 = tpu.memref_squeeze %dma_wait3A_450 : memref<1x128x128xf32, #tpu.memory_space<vmem>> -> memref<128x128xf32, #tpu.memory_space<vmem>>
    tpu.wait_dma2 semaphore(%arg8 : memref<!tpu.dma_semaphore, #tpu.memory_space<semaphore_mem>>) src(%dma_wait3A_451 : memref<128x128xf32, #tpu.memory_space<vmem>>) dst(%dma_wait3A_447 : memref<128x128xf32, #tpu.memory_space<hbm>>)
    %dma_start3A_452 = arith.constant 10 : i32
    %dma_start3A_453 = arith.constant 0 : i32
    %dma_start3A_454 = arith.constant 4 : i32
    %dma_start3A_455 = arith.constant 0 : i32
    %dma_start3A_456 = arith.constant 0 : i32
    %dma_start3A_457 = tpu.memref_slice %arg6[%dma_start3A_454, %dma_start3A_455, %dma_start3A_456] : memref<6x128x128xf32, #tpu.memory_space<vmem>> -> memref<1x128x128xf32, #tpu.memory_space<vmem>>
    %dma_start3A_458 = tpu.memref_squeeze %dma_start3A_457 : memref<1x128x128xf32, #tpu.memory_space<vmem>> -> memref<128x128xf32, #tpu.memory_space<vmem>>
    %dma_start3A_459 = arith.constant 0 : i32
    %dma_start3A_460 = tpu.memref_slice %arg5[%dma_start3A_452, %dma_start3A_453, %dma_start3A_459] : memref<20x1x128xi32, #tpu.memory_space<vmem>> -> memref<1x1x128xi32, #tpu.memory_space<vmem>>
    %dma_start3A_461 = tpu.memref_squeeze %dma_start3A_460 : memref<1x1x128xi32, #tpu.memory_space<vmem>> -> memref<128xi32, #tpu.memory_space<vmem>>
    %dma_start3A_462 = arith.constant 0 : i32
    %dma_start3A_463 = arith.constant 0 : i32
    %dma_start3A_464 = tpu.memref_slice %arg2[%dma_start3A_462, %dma_start3A_463] : memref<21013x128xf32, #tpu.memory_space<hbm>> -> memref<21013x128xf32, #tpu.memory_space<hbm>>
    tpu.enqueue_indirect_dma source(%dma_start3A_464 : memref<21013x128xf32, #tpu.memory_space<hbm>>) target(%dma_start3A_458 : memref<128x128xf32, #tpu.memory_space<vmem>>) offsets(%dma_start3A_461 : memref<128xi32, #tpu.memory_space<vmem>>) semaphore(%arg7 : memref<!tpu.dma_semaphore, #tpu.memory_space<semaphore_mem>>)
    %dma_wait3A_465 = arith.constant 7 : i32
    %dma_wait3A_466 = arith.constant 0 : i32
    %dma_wait3A_467 = arith.constant 1 : i32
    %dma_wait3A_468 = arith.constant 0 : i32
    %dma_wait3A_469 = arith.constant 0 : i32
    %dma_wait3A_470 = tpu.memref_slice %arg6[%dma_wait3A_467, %dma_wait3A_468, %dma_wait3A_469] : memref<6x128x128xf32, #tpu.memory_space<vmem>> -> memref<1x128x128xf32, #tpu.memory_space<vmem>>
    %dma_wait3A_471 = tpu.memref_squeeze %dma_wait3A_470 : memref<1x128x128xf32, #tpu.memory_space<vmem>> -> memref<128x128xf32, #tpu.memory_space<vmem>>
    %dma_wait3A_472 = arith.constant 0 : i32
    %dma_wait3A_473 = tpu.memref_slice %arg5[%dma_wait3A_465, %dma_wait3A_466, %dma_wait3A_472] : memref<20x1x128xi32, #tpu.memory_space<vmem>> -> memref<1x1x128xi32, #tpu.memory_space<vmem>>
    %dma_wait3A_474 = tpu.memref_squeeze %dma_wait3A_473 : memref<1x1x128xi32, #tpu.memory_space<vmem>> -> memref<128xi32, #tpu.memory_space<vmem>>
    %dma_wait3A_475 = arith.constant 0 : i32
    %dma_wait3A_476 = arith.constant 0 : i32
    %dma_wait3A_477 = tpu.memref_slice %arg2[%dma_wait3A_475, %dma_wait3A_476] : memref<21013x128xf32, #tpu.memory_space<hbm>> -> memref<21013x128xf32, #tpu.memory_space<hbm>>
    tpu.wait_indirect_dma semaphore(%arg7 : memref<!tpu.dma_semaphore, #tpu.memory_space<semaphore_mem>>) src(%dma_wait3A_477 : memref<21013x128xf32, #tpu.memory_space<hbm>>) dst(%dma_wait3A_471 : memref<128x128xf32, #tpu.memory_space<vmem>>)
    %mul3A_478 = arith.constant 20 : i32
    %mul3A_479 = arith.muli %add3A, %mul3A_478 : i32
    %add3A_480 = arith.constant 7 : i32
    %add3A_481 = arith.addi %mul3A_479, %add3A_480 : i32
    %dma_start3A_482 = arith.constant 1 : i32
    %dma_start3A_483 = arith.constant 0 : i32
    %dma_start3A_484 = arith.constant 0 : i32
    %dma_start3A_485 = tpu.memref_slice %arg6[%dma_start3A_482, %dma_start3A_483, %dma_start3A_484] : memref<6x128x128xf32, #tpu.memory_space<vmem>> -> memref<1x128x128xf32, #tpu.memory_space<vmem>>
    %dma_start3A_486 = tpu.memref_squeeze %dma_start3A_485 : memref<1x128x128xf32, #tpu.memory_space<vmem>> -> memref<128x128xf32, #tpu.memory_space<vmem>>
    %dma_start3A_487 = arith.constant 0 : i32
    %dma_start3A_488 = arith.constant 0 : i32
    %dma_start3A_489 = tpu.memref_slice %arg4[%add3A_481, %dma_start3A_487, %dma_start3A_488] : memref<640x128x128xf32, #tpu.memory_space<hbm>> -> memref<1x128x128xf32, #tpu.memory_space<hbm>>
    %dma_start3A_490 = tpu.memref_squeeze %dma_start3A_489 : memref<1x128x128xf32, #tpu.memory_space<hbm>> -> memref<128x128xf32, #tpu.memory_space<hbm>>
    %dma_start3A_491 = arith.constant 0 : i32
    %dma_start3A_492 = arith.constant 0 : i32
    %dma_start3A_493 = tpu.memref_slice %arg4[%add3A_481, %dma_start3A_491, %dma_start3A_492] : memref<640x128x128xf32, #tpu.memory_space<hbm>> -> memref<1x128x128xf32, #tpu.memory_space<hbm>>
    %dma_start3A_494 = tpu.memref_squeeze %dma_start3A_493 : memref<1x128x128xf32, #tpu.memory_space<hbm>> -> memref<128x128xf32, #tpu.memory_space<hbm>>
    %dma_start3A_495 = arith.constant 0 : i32
    %dma_start3A_496 = arith.constant 0 : i32
    %dma_start3A_497 = tpu.memref_slice %arg6[%dma_start3A_482, %dma_start3A_495, %dma_start3A_496] : memref<6x128x128xf32, #tpu.memory_space<vmem>> -> memref<1x128x128xf32, #tpu.memory_space<vmem>>
    %dma_start3A_498 = tpu.memref_squeeze %dma_start3A_497 : memref<1x128x128xf32, #tpu.memory_space<vmem>> -> memref<128x128xf32, #tpu.memory_space<vmem>>
    tpu.enqueue_dma source(%dma_start3A_498 : memref<128x128xf32, #tpu.memory_space<vmem>>) target(%dma_start3A_494 : memref<128x128xf32, #tpu.memory_space<hbm>>) target_semaphore(%arg8 : memref<!tpu.dma_semaphore, #tpu.memory_space<semaphore_mem>>)
    %dma_wait3A_499 = arith.constant 5 : i32
    %dma_wait3A_500 = arith.constant 0 : i32
    %dma_wait3A_501 = arith.constant 0 : i32
    %dma_wait3A_502 = tpu.memref_slice %arg6[%dma_wait3A_499, %dma_wait3A_500, %dma_wait3A_501] : memref<6x128x128xf32, #tpu.memory_space<vmem>> -> memref<1x128x128xf32, #tpu.memory_space<vmem>>
    %dma_wait3A_503 = tpu.memref_squeeze %dma_wait3A_502 : memref<1x128x128xf32, #tpu.memory_space<vmem>> -> memref<128x128xf32, #tpu.memory_space<vmem>>
    %dma_wait3A_504 = arith.constant 0 : i32
    %dma_wait3A_505 = arith.constant 0 : i32
    %dma_wait3A_506 = tpu.memref_slice %arg4[%add3A_353, %dma_wait3A_504, %dma_wait3A_505] : memref<640x128x128xf32, #tpu.memory_space<hbm>> -> memref<1x128x128xf32, #tpu.memory_space<hbm>>
    %dma_wait3A_507 = tpu.memref_squeeze %dma_wait3A_506 : memref<1x128x128xf32, #tpu.memory_space<hbm>> -> memref<128x128xf32, #tpu.memory_space<hbm>>
    %dma_wait3A_508 = arith.constant 0 : i32
    %dma_wait3A_509 = arith.constant 0 : i32
    %dma_wait3A_510 = tpu.memref_slice %arg4[%add3A_353, %dma_wait3A_508, %dma_wait3A_509] : memref<640x128x128xf32, #tpu.memory_space<hbm>> -> memref<1x128x128xf32, #tpu.memory_space<hbm>>
    %dma_wait3A_511 = tpu.memref_squeeze %dma_wait3A_510 : memref<1x128x128xf32, #tpu.memory_space<hbm>> -> memref<128x128xf32, #tpu.memory_space<hbm>>
    %dma_wait3A_512 = arith.constant 0 : i32
    %dma_wait3A_513 = arith.constant 0 : i32
    %dma_wait3A_514 = tpu.memref_slice %arg6[%dma_wait3A_499, %dma_wait3A_512, %dma_wait3A_513] : memref<6x128x128xf32, #tpu.memory_space<vmem>> -> memref<1x128x128xf32, #tpu.memory_space<vmem>>
    %dma_wait3A_515 = tpu.memref_squeeze %dma_wait3A_514 : memref<1x128x128xf32, #tpu.memory_space<vmem>> -> memref<128x128xf32, #tpu.memory_space<vmem>>
    tpu.wait_dma2 semaphore(%arg8 : memref<!tpu.dma_semaphore, #tpu.memory_space<semaphore_mem>>) src(%dma_wait3A_515 : memref<128x128xf32, #tpu.memory_space<vmem>>) dst(%dma_wait3A_511 : memref<128x128xf32, #tpu.memory_space<hbm>>)
    %dma_start3A_516 = arith.constant 11 : i32
    %dma_start3A_517 = arith.constant 0 : i32
    %dma_start3A_518 = arith.constant 5 : i32
    %dma_start3A_519 = arith.constant 0 : i32
    %dma_start3A_520 = arith.constant 0 : i32
    %dma_start3A_521 = tpu.memref_slice %arg6[%dma_start3A_518, %dma_start3A_519, %dma_start3A_520] : memref<6x128x128xf32, #tpu.memory_space<vmem>> -> memref<1x128x128xf32, #tpu.memory_space<vmem>>
    %dma_start3A_522 = tpu.memref_squeeze %dma_start3A_521 : memref<1x128x128xf32, #tpu.memory_space<vmem>> -> memref<128x128xf32, #tpu.memory_space<vmem>>
    %dma_start3A_523 = arith.constant 0 : i32
    %dma_start3A_524 = tpu.memref_slice %arg5[%dma_start3A_516, %dma_start3A_517, %dma_start3A_523] : memref<20x1x128xi32, #tpu.memory_space<vmem>> -> memref<1x1x128xi32, #tpu.memory_space<vmem>>
    %dma_start3A_525 = tpu.memref_squeeze %dma_start3A_524 : memref<1x1x128xi32, #tpu.memory_space<vmem>> -> memref<128xi32, #tpu.memory_space<vmem>>
    %dma_start3A_526 = arith.constant 0 : i32
    %dma_start3A_527 = arith.constant 0 : i32
    %dma_start3A_528 = tpu.memref_slice %arg2[%dma_start3A_526, %dma_start3A_527] : memref<21013x128xf32, #tpu.memory_space<hbm>> -> memref<21013x128xf32, #tpu.memory_space<hbm>>
    tpu.enqueue_indirect_dma source(%dma_start3A_528 : memref<21013x128xf32, #tpu.memory_space<hbm>>) target(%dma_start3A_522 : memref<128x128xf32, #tpu.memory_space<vmem>>) offsets(%dma_start3A_525 : memref<128xi32, #tpu.memory_space<vmem>>) semaphore(%arg7 : memref<!tpu.dma_semaphore, #tpu.memory_space<semaphore_mem>>)
    %dma_wait3A_529 = arith.constant 8 : i32
    %dma_wait3A_530 = arith.constant 0 : i32
    %dma_wait3A_531 = arith.constant 2 : i32
    %dma_wait3A_532 = arith.constant 0 : i32
    %dma_wait3A_533 = arith.constant 0 : i32
    %dma_wait3A_534 = tpu.memref_slice %arg6[%dma_wait3A_531, %dma_wait3A_532, %dma_wait3A_533] : memref<6x128x128xf32, #tpu.memory_space<vmem>> -> memref<1x128x128xf32, #tpu.memory_space<vmem>>
    %dma_wait3A_535 = tpu.memref_squeeze %dma_wait3A_534 : memref<1x128x128xf32, #tpu.memory_space<vmem>> -> memref<128x128xf32, #tpu.memory_space<vmem>>
    %dma_wait3A_536 = arith.constant 0 : i32
    %dma_wait3A_537 = tpu.memref_slice %arg5[%dma_wait3A_529, %dma_wait3A_530, %dma_wait3A_536] : memref<20x1x128xi32, #tpu.memory_space<vmem>> -> memref<1x1x128xi32, #tpu.memory_space<vmem>>
    %dma_wait3A_538 = tpu.memref_squeeze %dma_wait3A_537 : memref<1x1x128xi32, #tpu.memory_space<vmem>> -> memref<128xi32, #tpu.memory_space<vmem>>
    %dma_wait3A_539 = arith.constant 0 : i32
    %dma_wait3A_540 = arith.constant 0 : i32
    %dma_wait3A_541 = tpu.memref_slice %arg2[%dma_wait3A_539, %dma_wait3A_540] : memref<21013x128xf32, #tpu.memory_space<hbm>> -> memref<21013x128xf32, #tpu.memory_space<hbm>>
    tpu.wait_indirect_dma semaphore(%arg7 : memref<!tpu.dma_semaphore, #tpu.memory_space<semaphore_mem>>) src(%dma_wait3A_541 : memref<21013x128xf32, #tpu.memory_space<hbm>>) dst(%dma_wait3A_535 : memref<128x128xf32, #tpu.memory_space<vmem>>)
    %mul3A_542 = arith.constant 20 : i32
    %mul3A_543 = arith.muli %add3A, %mul3A_542 : i32
    %add3A_544 = arith.constant 8 : i32
    %add3A_545 = arith.addi %mul3A_543, %add3A_544 : i32
    %dma_start3A_546 = arith.constant 2 : i32
    %dma_start3A_547 = arith.constant 0 : i32
    %dma_start3A_548 = arith.constant 0 : i32
    %dma_start3A_549 = tpu.memref_slice %arg6[%dma_start3A_546, %dma_start3A_547, %dma_start3A_548] : memref<6x128x128xf32, #tpu.memory_space<vmem>> -> memref<1x128x128xf32, #tpu.memory_space<vmem>>
    %dma_start3A_550 = tpu.memref_squeeze %dma_start3A_549 : memref<1x128x128xf32, #tpu.memory_space<vmem>> -> memref<128x128xf32, #tpu.memory_space<vmem>>
    %dma_start3A_551 = arith.constant 0 : i32
    %dma_start3A_552 = arith.constant 0 : i32
    %dma_start3A_553 = tpu.memref_slice %arg4[%add3A_545, %dma_start3A_551, %dma_start3A_552] : memref<640x128x128xf32, #tpu.memory_space<hbm>> -> memref<1x128x128xf32, #tpu.memory_space<hbm>>
    %dma_start3A_554 = tpu.memref_squeeze %dma_start3A_553 : memref<1x128x128xf32, #tpu.memory_space<hbm>> -> memref<128x128xf32, #tpu.memory_space<hbm>>
    %dma_start3A_555 = arith.constant 0 : i32
    %dma_start3A_556 = arith.constant 0 : i32
    %dma_start3A_557 = tpu.memref_slice %arg4[%add3A_545, %dma_start3A_555, %dma_start3A_556] : memref<640x128x128xf32, #tpu.memory_space<hbm>> -> memref<1x128x128xf32, #tpu.memory_space<hbm>>
    %dma_start3A_558 = tpu.memref_squeeze %dma_start3A_557 : memref<1x128x128xf32, #tpu.memory_space<hbm>> -> memref<128x128xf32, #tpu.memory_space<hbm>>
    %dma_start3A_559 = arith.constant 0 : i32
    %dma_start3A_560 = arith.constant 0 : i32
    %dma_start3A_561 = tpu.memref_slice %arg6[%dma_start3A_546, %dma_start3A_559, %dma_start3A_560] : memref<6x128x128xf32, #tpu.memory_space<vmem>> -> memref<1x128x128xf32, #tpu.memory_space<vmem>>
    %dma_start3A_562 = tpu.memref_squeeze %dma_start3A_561 : memref<1x128x128xf32, #tpu.memory_space<vmem>> -> memref<128x128xf32, #tpu.memory_space<vmem>>
    tpu.enqueue_dma source(%dma_start3A_562 : memref<128x128xf32, #tpu.memory_space<vmem>>) target(%dma_start3A_558 : memref<128x128xf32, #tpu.memory_space<hbm>>) target_semaphore(%arg8 : memref<!tpu.dma_semaphore, #tpu.memory_space<semaphore_mem>>)
    %dma_wait3A_563 = arith.constant 0 : i32
    %dma_wait3A_564 = arith.constant 0 : i32
    %dma_wait3A_565 = arith.constant 0 : i32
    %dma_wait3A_566 = tpu.memref_slice %arg6[%dma_wait3A_563, %dma_wait3A_564, %dma_wait3A_565] : memref<6x128x128xf32, #tpu.memory_space<vmem>> -> memref<1x128x128xf32, #tpu.memory_space<vmem>>
    %dma_wait3A_567 = tpu.memref_squeeze %dma_wait3A_566 : memref<1x128x128xf32, #tpu.memory_space<vmem>> -> memref<128x128xf32, #tpu.memory_space<vmem>>
    %dma_wait3A_568 = arith.constant 0 : i32
    %dma_wait3A_569 = arith.constant 0 : i32
    %dma_wait3A_570 = tpu.memref_slice %arg4[%add3A_417, %dma_wait3A_568, %dma_wait3A_569] : memref<640x128x128xf32, #tpu.memory_space<hbm>> -> memref<1x128x128xf32, #tpu.memory_space<hbm>>
    %dma_wait3A_571 = tpu.memref_squeeze %dma_wait3A_570 : memref<1x128x128xf32, #tpu.memory_space<hbm>> -> memref<128x128xf32, #tpu.memory_space<hbm>>
    %dma_wait3A_572 = arith.constant 0 : i32
    %dma_wait3A_573 = arith.constant 0 : i32
    %dma_wait3A_574 = tpu.memref_slice %arg4[%add3A_417, %dma_wait3A_572, %dma_wait3A_573] : memref<640x128x128xf32, #tpu.memory_space<hbm>> -> memref<1x128x128xf32, #tpu.memory_space<hbm>>
    %dma_wait3A_575 = tpu.memref_squeeze %dma_wait3A_574 : memref<1x128x128xf32, #tpu.memory_space<hbm>> -> memref<128x128xf32, #tpu.memory_space<hbm>>
    %dma_wait3A_576 = arith.constant 0 : i32
    %dma_wait3A_577 = arith.constant 0 : i32
    %dma_wait3A_578 = tpu.memref_slice %arg6[%dma_wait3A_563, %dma_wait3A_576, %dma_wait3A_577] : memref<6x128x128xf32, #tpu.memory_space<vmem>> -> memref<1x128x128xf32, #tpu.memory_space<vmem>>
    %dma_wait3A_579 = tpu.memref_squeeze %dma_wait3A_578 : memref<1x128x128xf32, #tpu.memory_space<vmem>> -> memref<128x128xf32, #tpu.memory_space<vmem>>
    tpu.wait_dma2 semaphore(%arg8 : memref<!tpu.dma_semaphore, #tpu.memory_space<semaphore_mem>>) src(%dma_wait3A_579 : memref<128x128xf32, #tpu.memory_space<vmem>>) dst(%dma_wait3A_575 : memref<128x128xf32, #tpu.memory_space<hbm>>)
    %dma_start3A_580 = arith.constant 12 : i32
    %dma_start3A_581 = arith.constant 0 : i32
    %dma_start3A_582 = arith.constant 0 : i32
    %dma_start3A_583 = arith.constant 0 : i32
    %dma_start3A_584 = arith.constant 0 : i32
    %dma_start3A_585 = tpu.memref_slice %arg6[%dma_start3A_582, %dma_start3A_583, %dma_start3A_584] : memref<6x128x128xf32, #tpu.memory_space<vmem>> -> memref<1x128x128xf32, #tpu.memory_space<vmem>>
    %dma_start3A_586 = tpu.memref_squeeze %dma_start3A_585 : memref<1x128x128xf32, #tpu.memory_space<vmem>> -> memref<128x128xf32, #tpu.memory_space<vmem>>
    %dma_start3A_587 = arith.constant 0 : i32
    %dma_start3A_588 = tpu.memref_slice %arg5[%dma_start3A_580, %dma_start3A_581, %dma_start3A_587] : memref<20x1x128xi32, #tpu.memory_space<vmem>> -> memref<1x1x128xi32, #tpu.memory_space<vmem>>
    %dma_start3A_589 = tpu.memref_squeeze %dma_start3A_588 : memref<1x1x128xi32, #tpu.memory_space<vmem>> -> memref<128xi32, #tpu.memory_space<vmem>>
    %dma_start3A_590 = arith.constant 0 : i32
    %dma_start3A_591 = arith.constant 0 : i32
    %dma_start3A_592 = tpu.memref_slice %arg2[%dma_start3A_590, %dma_start3A_591] : memref<21013x128xf32, #tpu.memory_space<hbm>> -> memref<21013x128xf32, #tpu.memory_space<hbm>>
    tpu.enqueue_indirect_dma source(%dma_start3A_592 : memref<21013x128xf32, #tpu.memory_space<hbm>>) target(%dma_start3A_586 : memref<128x128xf32, #tpu.memory_space<vmem>>) offsets(%dma_start3A_589 : memref<128xi32, #tpu.memory_space<vmem>>) semaphore(%arg7 : memref<!tpu.dma_semaphore, #tpu.memory_space<semaphore_mem>>)
    %dma_wait3A_593 = arith.constant 9 : i32
    %dma_wait3A_594 = arith.constant 0 : i32
    %dma_wait3A_595 = arith.constant 3 : i32
    %dma_wait3A_596 = arith.constant 0 : i32
    %dma_wait3A_597 = arith.constant 0 : i32
    %dma_wait3A_598 = tpu.memref_slice %arg6[%dma_wait3A_595, %dma_wait3A_596, %dma_wait3A_597] : memref<6x128x128xf32, #tpu.memory_space<vmem>> -> memref<1x128x128xf32, #tpu.memory_space<vmem>>
    %dma_wait3A_599 = tpu.memref_squeeze %dma_wait3A_598 : memref<1x128x128xf32, #tpu.memory_space<vmem>> -> memref<128x128xf32, #tpu.memory_space<vmem>>
    %dma_wait3A_600 = arith.constant 0 : i32
    %dma_wait3A_601 = tpu.memref_slice %arg5[%dma_wait3A_593, %dma_wait3A_594, %dma_wait3A_600] : memref<20x1x128xi32, #tpu.memory_space<vmem>> -> memref<1x1x128xi32, #tpu.memory_space<vmem>>
    %dma_wait3A_602 = tpu.memref_squeeze %dma_wait3A_601 : memref<1x1x128xi32, #tpu.memory_space<vmem>> -> memref<128xi32, #tpu.memory_space<vmem>>
    %dma_wait3A_603 = arith.constant 0 : i32
    %dma_wait3A_604 = arith.constant 0 : i32
    %dma_wait3A_605 = tpu.memref_slice %arg2[%dma_wait3A_603, %dma_wait3A_604] : memref<21013x128xf32, #tpu.memory_space<hbm>> -> memref<21013x128xf32, #tpu.memory_space<hbm>>
    tpu.wait_indirect_dma semaphore(%arg7 : memref<!tpu.dma_semaphore, #tpu.memory_space<semaphore_mem>>) src(%dma_wait3A_605 : memref<21013x128xf32, #tpu.memory_space<hbm>>) dst(%dma_wait3A_599 : memref<128x128xf32, #tpu.memory_space<vmem>>)
    %mul3A_606 = arith.constant 20 : i32
    %mul3A_607 = arith.muli %add3A, %mul3A_606 : i32
    %add3A_608 = arith.constant 9 : i32
    %add3A_609 = arith.addi %mul3A_607, %add3A_608 : i32
    %dma_start3A_610 = arith.constant 3 : i32
    %dma_start3A_611 = arith.constant 0 : i32
    %dma_start3A_612 = arith.constant 0 : i32
    %dma_start3A_613 = tpu.memref_slice %arg6[%dma_start3A_610, %dma_start3A_611, %dma_start3A_612] : memref<6x128x128xf32, #tpu.memory_space<vmem>> -> memref<1x128x128xf32, #tpu.memory_space<vmem>>
    %dma_start3A_614 = tpu.memref_squeeze %dma_start3A_613 : memref<1x128x128xf32, #tpu.memory_space<vmem>> -> memref<128x128xf32, #tpu.memory_space<vmem>>
    %dma_start3A_615 = arith.constant 0 : i32
    %dma_start3A_616 = arith.constant 0 : i32
    %dma_start3A_617 = tpu.memref_slice %arg4[%add3A_609, %dma_start3A_615, %dma_start3A_616] : memref<640x128x128xf32, #tpu.memory_space<hbm>> -> memref<1x128x128xf32, #tpu.memory_space<hbm>>
    %dma_start3A_618 = tpu.memref_squeeze %dma_start3A_617 : memref<1x128x128xf32, #tpu.memory_space<hbm>> -> memref<128x128xf32, #tpu.memory_space<hbm>>
    %dma_start3A_619 = arith.constant 0 : i32
    %dma_start3A_620 = arith.constant 0 : i32
    %dma_start3A_621 = tpu.memref_slice %arg4[%add3A_609, %dma_start3A_619, %dma_start3A_620] : memref<640x128x128xf32, #tpu.memory_space<hbm>> -> memref<1x128x128xf32, #tpu.memory_space<hbm>>
    %dma_start3A_622 = tpu.memref_squeeze %dma_start3A_621 : memref<1x128x128xf32, #tpu.memory_space<hbm>> -> memref<128x128xf32, #tpu.memory_space<hbm>>
    %dma_start3A_623 = arith.constant 0 : i32
    %dma_start3A_624 = arith.constant 0 : i32
    %dma_start3A_625 = tpu.memref_slice %arg6[%dma_start3A_610, %dma_start3A_623, %dma_start3A_624] : memref<6x128x128xf32, #tpu.memory_space<vmem>> -> memref<1x128x128xf32, #tpu.memory_space<vmem>>
    %dma_start3A_626 = tpu.memref_squeeze %dma_start3A_625 : memref<1x128x128xf32, #tpu.memory_space<vmem>> -> memref<128x128xf32, #tpu.memory_space<vmem>>
    tpu.enqueue_dma source(%dma_start3A_626 : memref<128x128xf32, #tpu.memory_space<vmem>>) target(%dma_start3A_622 : memref<128x128xf32, #tpu.memory_space<hbm>>) target_semaphore(%arg8 : memref<!tpu.dma_semaphore, #tpu.memory_space<semaphore_mem>>)
    %dma_wait3A_627 = arith.constant 1 : i32
    %dma_wait3A_628 = arith.constant 0 : i32
    %dma_wait3A_629 = arith.constant 0 : i32
    %dma_wait3A_630 = tpu.memref_slice %arg6[%dma_wait3A_627, %dma_wait3A_628, %dma_wait3A_629] : memref<6x128x128xf32, #tpu.memory_space<vmem>> -> memref<1x128x128xf32, #tpu.memory_space<vmem>>
    %dma_wait3A_631 = tpu.memref_squeeze %dma_wait3A_630 : memref<1x128x128xf32, #tpu.memory_space<vmem>> -> memref<128x128xf32, #tpu.memory_space<vmem>>
    %dma_wait3A_632 = arith.constant 0 : i32
    %dma_wait3A_633 = arith.constant 0 : i32
    %dma_wait3A_634 = tpu.memref_slice %arg4[%add3A_481, %dma_wait3A_632, %dma_wait3A_633] : memref<640x128x128xf32, #tpu.memory_space<hbm>> -> memref<1x128x128xf32, #tpu.memory_space<hbm>>
    %dma_wait3A_635 = tpu.memref_squeeze %dma_wait3A_634 : memref<1x128x128xf32, #tpu.memory_space<hbm>> -> memref<128x128xf32, #tpu.memory_space<hbm>>
    %dma_wait3A_636 = arith.constant 0 : i32
    %dma_wait3A_637 = arith.constant 0 : i32
    %dma_wait3A_638 = tpu.memref_slice %arg4[%add3A_481, %dma_wait3A_636, %dma_wait3A_637] : memref<640x128x128xf32, #tpu.memory_space<hbm>> -> memref<1x128x128xf32, #tpu.memory_space<hbm>>
    %dma_wait3A_639 = tpu.memref_squeeze %dma_wait3A_638 : memref<1x128x128xf32, #tpu.memory_space<hbm>> -> memref<128x128xf32, #tpu.memory_space<hbm>>
    %dma_wait3A_640 = arith.constant 0 : i32
    %dma_wait3A_641 = arith.constant 0 : i32
    %dma_wait3A_642 = tpu.memref_slice %arg6[%dma_wait3A_627, %dma_wait3A_640, %dma_wait3A_641] : memref<6x128x128xf32, #tpu.memory_space<vmem>> -> memref<1x128x128xf32, #tpu.memory_space<vmem>>
    %dma_wait3A_643 = tpu.memref_squeeze %dma_wait3A_642 : memref<1x128x128xf32, #tpu.memory_space<vmem>> -> memref<128x128xf32, #tpu.memory_space<vmem>>
    tpu.wait_dma2 semaphore(%arg8 : memref<!tpu.dma_semaphore, #tpu.memory_space<semaphore_mem>>) src(%dma_wait3A_643 : memref<128x128xf32, #tpu.memory_space<vmem>>) dst(%dma_wait3A_639 : memref<128x128xf32, #tpu.memory_space<hbm>>)
    %dma_start3A_644 = arith.constant 13 : i32
    %dma_start3A_645 = arith.constant 0 : i32
    %dma_start3A_646 = arith.constant 1 : i32
    %dma_start3A_647 = arith.constant 0 : i32
    %dma_start3A_648 = arith.constant 0 : i32
    %dma_start3A_649 = tpu.memref_slice %arg6[%dma_start3A_646, %dma_start3A_647, %dma_start3A_648] : memref<6x128x128xf32, #tpu.memory_space<vmem>> -> memref<1x128x128xf32, #tpu.memory_space<vmem>>
    %dma_start3A_650 = tpu.memref_squeeze %dma_start3A_649 : memref<1x128x128xf32, #tpu.memory_space<vmem>> -> memref<128x128xf32, #tpu.memory_space<vmem>>
    %dma_start3A_651 = arith.constant 0 : i32
    %dma_start3A_652 = tpu.memref_slice %arg5[%dma_start3A_644, %dma_start3A_645, %dma_start3A_651] : memref<20x1x128xi32, #tpu.memory_space<vmem>> -> memref<1x1x128xi32, #tpu.memory_space<vmem>>
    %dma_start3A_653 = tpu.memref_squeeze %dma_start3A_652 : memref<1x1x128xi32, #tpu.memory_space<vmem>> -> memref<128xi32, #tpu.memory_space<vmem>>
    %dma_start3A_654 = arith.constant 0 : i32
    %dma_start3A_655 = arith.constant 0 : i32
    %dma_start3A_656 = tpu.memref_slice %arg2[%dma_start3A_654, %dma_start3A_655] : memref<21013x128xf32, #tpu.memory_space<hbm>> -> memref<21013x128xf32, #tpu.memory_space<hbm>>
    tpu.enqueue_indirect_dma source(%dma_start3A_656 : memref<21013x128xf32, #tpu.memory_space<hbm>>) target(%dma_start3A_650 : memref<128x128xf32, #tpu.memory_space<vmem>>) offsets(%dma_start3A_653 : memref<128xi32, #tpu.memory_space<vmem>>) semaphore(%arg7 : memref<!tpu.dma_semaphore, #tpu.memory_space<semaphore_mem>>)
    %dma_wait3A_657 = arith.constant 10 : i32
    %dma_wait3A_658 = arith.constant 0 : i32
    %dma_wait3A_659 = arith.constant 4 : i32
    %dma_wait3A_660 = arith.constant 0 : i32
    %dma_wait3A_661 = arith.constant 0 : i32
    %dma_wait3A_662 = tpu.memref_slice %arg6[%dma_wait3A_659, %dma_wait3A_660, %dma_wait3A_661] : memref<6x128x128xf32, #tpu.memory_space<vmem>> -> memref<1x128x128xf32, #tpu.memory_space<vmem>>
    %dma_wait3A_663 = tpu.memref_squeeze %dma_wait3A_662 : memref<1x128x128xf32, #tpu.memory_space<vmem>> -> memref<128x128xf32, #tpu.memory_space<vmem>>
    %dma_wait3A_664 = arith.constant 0 : i32
    %dma_wait3A_665 = tpu.memref_slice %arg5[%dma_wait3A_657, %dma_wait3A_658, %dma_wait3A_664] : memref<20x1x128xi32, #tpu.memory_space<vmem>> -> memref<1x1x128xi32, #tpu.memory_space<vmem>>
    %dma_wait3A_666 = tpu.memref_squeeze %dma_wait3A_665 : memref<1x1x128xi32, #tpu.memory_space<vmem>> -> memref<128xi32, #tpu.memory_space<vmem>>
    %dma_wait3A_667 = arith.constant 0 : i32
    %dma_wait3A_668 = arith.constant 0 : i32
    %dma_wait3A_669 = tpu.memref_slice %arg2[%dma_wait3A_667, %dma_wait3A_668] : memref<21013x128xf32, #tpu.memory_space<hbm>> -> memref<21013x128xf32, #tpu.memory_space<hbm>>
    tpu.wait_indirect_dma semaphore(%arg7 : memref<!tpu.dma_semaphore, #tpu.memory_space<semaphore_mem>>) src(%dma_wait3A_669 : memref<21013x128xf32, #tpu.memory_space<hbm>>) dst(%dma_wait3A_663 : memref<128x128xf32, #tpu.memory_space<vmem>>)
    %mul3A_670 = arith.constant 20 : i32
    %mul3A_671 = arith.muli %add3A, %mul3A_670 : i32
    %add3A_672 = arith.constant 10 : i32
    %add3A_673 = arith.addi %mul3A_671, %add3A_672 : i32
    %dma_start3A_674 = arith.constant 4 : i32
    %dma_start3A_675 = arith.constant 0 : i32
    %dma_start3A_676 = arith.constant 0 : i32
    %dma_start3A_677 = tpu.memref_slice %arg6[%dma_start3A_674, %dma_start3A_675, %dma_start3A_676] : memref<6x128x128xf32, #tpu.memory_space<vmem>> -> memref<1x128x128xf32, #tpu.memory_space<vmem>>
    %dma_start3A_678 = tpu.memref_squeeze %dma_start3A_677 : memref<1x128x128xf32, #tpu.memory_space<vmem>> -> memref<128x128xf32, #tpu.memory_space<vmem>>
    %dma_start3A_679 = arith.constant 0 : i32
    %dma_start3A_680 = arith.constant 0 : i32
    %dma_start3A_681 = tpu.memref_slice %arg4[%add3A_673, %dma_start3A_679, %dma_start3A_680] : memref<640x128x128xf32, #tpu.memory_space<hbm>> -> memref<1x128x128xf32, #tpu.memory_space<hbm>>
    %dma_start3A_682 = tpu.memref_squeeze %dma_start3A_681 : memref<1x128x128xf32, #tpu.memory_space<hbm>> -> memref<128x128xf32, #tpu.memory_space<hbm>>
    %dma_start3A_683 = arith.constant 0 : i32
    %dma_start3A_684 = arith.constant 0 : i32
    %dma_start3A_685 = tpu.memref_slice %arg4[%add3A_673, %dma_start3A_683, %dma_start3A_684] : memref<640x128x128xf32, #tpu.memory_space<hbm>> -> memref<1x128x128xf32, #tpu.memory_space<hbm>>
    %dma_start3A_686 = tpu.memref_squeeze %dma_start3A_685 : memref<1x128x128xf32, #tpu.memory_space<hbm>> -> memref<128x128xf32, #tpu.memory_space<hbm>>
    %dma_start3A_687 = arith.constant 0 : i32
    %dma_start3A_688 = arith.constant 0 : i32
    %dma_start3A_689 = tpu.memref_slice %arg6[%dma_start3A_674, %dma_start3A_687, %dma_start3A_688] : memref<6x128x128xf32, #tpu.memory_space<vmem>> -> memref<1x128x128xf32, #tpu.memory_space<vmem>>
    %dma_start3A_690 = tpu.memref_squeeze %dma_start3A_689 : memref<1x128x128xf32, #tpu.memory_space<vmem>> -> memref<128x128xf32, #tpu.memory_space<vmem>>
    tpu.enqueue_dma source(%dma_start3A_690 : memref<128x128xf32, #tpu.memory_space<vmem>>) target(%dma_start3A_686 : memref<128x128xf32, #tpu.memory_space<hbm>>) target_semaphore(%arg8 : memref<!tpu.dma_semaphore, #tpu.memory_space<semaphore_mem>>)
    %dma_wait3A_691 = arith.constant 2 : i32
    %dma_wait3A_692 = arith.constant 0 : i32
    %dma_wait3A_693 = arith.constant 0 : i32
    %dma_wait3A_694 = tpu.memref_slice %arg6[%dma_wait3A_691, %dma_wait3A_692, %dma_wait3A_693] : memref<6x128x128xf32, #tpu.memory_space<vmem>> -> memref<1x128x128xf32, #tpu.memory_space<vmem>>
    %dma_wait3A_695 = tpu.memref_squeeze %dma_wait3A_694 : memref<1x128x128xf32, #tpu.memory_space<vmem>> -> memref<128x128xf32, #tpu.memory_space<vmem>>
    %dma_wait3A_696 = arith.constant 0 : i32
    %dma_wait3A_697 = arith.constant 0 : i32
    %dma_wait3A_698 = tpu.memref_slice %arg4[%add3A_545, %dma_wait3A_696, %dma_wait3A_697] : memref<640x128x128xf32, #tpu.memory_space<hbm>> -> memref<1x128x128xf32, #tpu.memory_space<hbm>>
    %dma_wait3A_699 = tpu.memref_squeeze %dma_wait3A_698 : memref<1x128x128xf32, #tpu.memory_space<hbm>> -> memref<128x128xf32, #tpu.memory_space<hbm>>
    %dma_wait3A_700 = arith.constant 0 : i32
    %dma_wait3A_701 = arith.constant 0 : i32
    %dma_wait3A_702 = tpu.memref_slice %arg4[%add3A_545, %dma_wait3A_700, %dma_wait3A_701] : memref<640x128x128xf32, #tpu.memory_space<hbm>> -> memref<1x128x128xf32, #tpu.memory_space<hbm>>
    %dma_wait3A_703 = tpu.memref_squeeze %dma_wait3A_702 : memref<1x128x128xf32, #tpu.memory_space<hbm>> -> memref<128x128xf32, #tpu.memory_space<hbm>>
    %dma_wait3A_704 = arith.constant 0 : i32
    %dma_wait3A_705 = arith.constant 0 : i32
    %dma_wait3A_706 = tpu.memref_slice %arg6[%dma_wait3A_691, %dma_wait3A_704, %dma_wait3A_705] : memref<6x128x128xf32, #tpu.memory_space<vmem>> -> memref<1x128x128xf32, #tpu.memory_space<vmem>>
    %dma_wait3A_707 = tpu.memref_squeeze %dma_wait3A_706 : memref<1x128x128xf32, #tpu.memory_space<vmem>> -> memref<128x128xf32, #tpu.memory_space<vmem>>
    tpu.wait_dma2 semaphore(%arg8 : memref<!tpu.dma_semaphore, #tpu.memory_space<semaphore_mem>>) src(%dma_wait3A_707 : memref<128x128xf32, #tpu.memory_space<vmem>>) dst(%dma_wait3A_703 : memref<128x128xf32, #tpu.memory_space<hbm>>)
    %dma_start3A_708 = arith.constant 14 : i32
    %dma_start3A_709 = arith.constant 0 : i32
    %dma_start3A_710 = arith.constant 2 : i32
    %dma_start3A_711 = arith.constant 0 : i32
    %dma_start3A_712 = arith.constant 0 : i32
    %dma_start3A_713 = tpu.memref_slice %arg6[%dma_start3A_710, %dma_start3A_711, %dma_start3A_712] : memref<6x128x128xf32, #tpu.memory_space<vmem>> -> memref<1x128x128xf32, #tpu.memory_space<vmem>>
    %dma_start3A_714 = tpu.memref_squeeze %dma_start3A_713 : memref<1x128x128xf32, #tpu.memory_space<vmem>> -> memref<128x128xf32, #tpu.memory_space<vmem>>
    %dma_start3A_715 = arith.constant 0 : i32
    %dma_start3A_716 = tpu.memref_slice %arg5[%dma_start3A_708, %dma_start3A_709, %dma_start3A_715] : memref<20x1x128xi32, #tpu.memory_space<vmem>> -> memref<1x1x128xi32, #tpu.memory_space<vmem>>
    %dma_start3A_717 = tpu.memref_squeeze %dma_start3A_716 : memref<1x1x128xi32, #tpu.memory_space<vmem>> -> memref<128xi32, #tpu.memory_space<vmem>>
    %dma_start3A_718 = arith.constant 0 : i32
    %dma_start3A_719 = arith.constant 0 : i32
    %dma_start3A_720 = tpu.memref_slice %arg2[%dma_start3A_718, %dma_start3A_719] : memref<21013x128xf32, #tpu.memory_space<hbm>> -> memref<21013x128xf32, #tpu.memory_space<hbm>>
    tpu.enqueue_indirect_dma source(%dma_start3A_720 : memref<21013x128xf32, #tpu.memory_space<hbm>>) target(%dma_start3A_714 : memref<128x128xf32, #tpu.memory_space<vmem>>) offsets(%dma_start3A_717 : memref<128xi32, #tpu.memory_space<vmem>>) semaphore(%arg7 : memref<!tpu.dma_semaphore, #tpu.memory_space<semaphore_mem>>)
    %dma_wait3A_721 = arith.constant 11 : i32
    %dma_wait3A_722 = arith.constant 0 : i32
    %dma_wait3A_723 = arith.constant 5 : i32
    %dma_wait3A_724 = arith.constant 0 : i32
    %dma_wait3A_725 = arith.constant 0 : i32
    %dma_wait3A_726 = tpu.memref_slice %arg6[%dma_wait3A_723, %dma_wait3A_724, %dma_wait3A_725] : memref<6x128x128xf32, #tpu.memory_space<vmem>> -> memref<1x128x128xf32, #tpu.memory_space<vmem>>
    %dma_wait3A_727 = tpu.memref_squeeze %dma_wait3A_726 : memref<1x128x128xf32, #tpu.memory_space<vmem>> -> memref<128x128xf32, #tpu.memory_space<vmem>>
    %dma_wait3A_728 = arith.constant 0 : i32
    %dma_wait3A_729 = tpu.memref_slice %arg5[%dma_wait3A_721, %dma_wait3A_722, %dma_wait3A_728] : memref<20x1x128xi32, #tpu.memory_space<vmem>> -> memref<1x1x128xi32, #tpu.memory_space<vmem>>
    %dma_wait3A_730 = tpu.memref_squeeze %dma_wait3A_729 : memref<1x1x128xi32, #tpu.memory_space<vmem>> -> memref<128xi32, #tpu.memory_space<vmem>>
    %dma_wait3A_731 = arith.constant 0 : i32
    %dma_wait3A_732 = arith.constant 0 : i32
    %dma_wait3A_733 = tpu.memref_slice %arg2[%dma_wait3A_731, %dma_wait3A_732] : memref<21013x128xf32, #tpu.memory_space<hbm>> -> memref<21013x128xf32, #tpu.memory_space<hbm>>
    tpu.wait_indirect_dma semaphore(%arg7 : memref<!tpu.dma_semaphore, #tpu.memory_space<semaphore_mem>>) src(%dma_wait3A_733 : memref<21013x128xf32, #tpu.memory_space<hbm>>) dst(%dma_wait3A_727 : memref<128x128xf32, #tpu.memory_space<vmem>>)
    %mul3A_734 = arith.constant 20 : i32
    %mul3A_735 = arith.muli %add3A, %mul3A_734 : i32
    %add3A_736 = arith.constant 11 : i32
    %add3A_737 = arith.addi %mul3A_735, %add3A_736 : i32
    %dma_start3A_738 = arith.constant 5 : i32
    %dma_start3A_739 = arith.constant 0 : i32
    %dma_start3A_740 = arith.constant 0 : i32
    %dma_start3A_741 = tpu.memref_slice %arg6[%dma_start3A_738, %dma_start3A_739, %dma_start3A_740] : memref<6x128x128xf32, #tpu.memory_space<vmem>> -> memref<1x128x128xf32, #tpu.memory_space<vmem>>
    %dma_start3A_742 = tpu.memref_squeeze %dma_start3A_741 : memref<1x128x128xf32, #tpu.memory_space<vmem>> -> memref<128x128xf32, #tpu.memory_space<vmem>>
    %dma_start3A_743 = arith.constant 0 : i32
    %dma_start3A_744 = arith.constant 0 : i32
    %dma_start3A_745 = tpu.memref_slice %arg4[%add3A_737, %dma_start3A_743, %dma_start3A_744] : memref<640x128x128xf32, #tpu.memory_space<hbm>> -> memref<1x128x128xf32, #tpu.memory_space<hbm>>
    %dma_start3A_746 = tpu.memref_squeeze %dma_start3A_745 : memref<1x128x128xf32, #tpu.memory_space<hbm>> -> memref<128x128xf32, #tpu.memory_space<hbm>>
    %dma_start3A_747 = arith.constant 0 : i32
    %dma_start3A_748 = arith.constant 0 : i32
    %dma_start3A_749 = tpu.memref_slice %arg4[%add3A_737, %dma_start3A_747, %dma_start3A_748] : memref<640x128x128xf32, #tpu.memory_space<hbm>> -> memref<1x128x128xf32, #tpu.memory_space<hbm>>
    %dma_start3A_750 = tpu.memref_squeeze %dma_start3A_749 : memref<1x128x128xf32, #tpu.memory_space<hbm>> -> memref<128x128xf32, #tpu.memory_space<hbm>>
    %dma_start3A_751 = arith.constant 0 : i32
    %dma_start3A_752 = arith.constant 0 : i32
    %dma_start3A_753 = tpu.memref_slice %arg6[%dma_start3A_738, %dma_start3A_751, %dma_start3A_752] : memref<6x128x128xf32, #tpu.memory_space<vmem>> -> memref<1x128x128xf32, #tpu.memory_space<vmem>>
    %dma_start3A_754 = tpu.memref_squeeze %dma_start3A_753 : memref<1x128x128xf32, #tpu.memory_space<vmem>> -> memref<128x128xf32, #tpu.memory_space<vmem>>
    tpu.enqueue_dma source(%dma_start3A_754 : memref<128x128xf32, #tpu.memory_space<vmem>>) target(%dma_start3A_750 : memref<128x128xf32, #tpu.memory_space<hbm>>) target_semaphore(%arg8 : memref<!tpu.dma_semaphore, #tpu.memory_space<semaphore_mem>>)
    %dma_wait3A_755 = arith.constant 3 : i32
    %dma_wait3A_756 = arith.constant 0 : i32
    %dma_wait3A_757 = arith.constant 0 : i32
    %dma_wait3A_758 = tpu.memref_slice %arg6[%dma_wait3A_755, %dma_wait3A_756, %dma_wait3A_757] : memref<6x128x128xf32, #tpu.memory_space<vmem>> -> memref<1x128x128xf32, #tpu.memory_space<vmem>>
    %dma_wait3A_759 = tpu.memref_squeeze %dma_wait3A_758 : memref<1x128x128xf32, #tpu.memory_space<vmem>> -> memref<128x128xf32, #tpu.memory_space<vmem>>
    %dma_wait3A_760 = arith.constant 0 : i32
    %dma_wait3A_761 = arith.constant 0 : i32
    %dma_wait3A_762 = tpu.memref_slice %arg4[%add3A_609, %dma_wait3A_760, %dma_wait3A_761] : memref<640x128x128xf32, #tpu.memory_space<hbm>> -> memref<1x128x128xf32, #tpu.memory_space<hbm>>
    %dma_wait3A_763 = tpu.memref_squeeze %dma_wait3A_762 : memref<1x128x128xf32, #tpu.memory_space<hbm>> -> memref<128x128xf32, #tpu.memory_space<hbm>>
    %dma_wait3A_764 = arith.constant 0 : i32
    %dma_wait3A_765 = arith.constant 0 : i32
    %dma_wait3A_766 = tpu.memref_slice %arg4[%add3A_609, %dma_wait3A_764, %dma_wait3A_765] : memref<640x128x128xf32, #tpu.memory_space<hbm>> -> memref<1x128x128xf32, #tpu.memory_space<hbm>>
    %dma_wait3A_767 = tpu.memref_squeeze %dma_wait3A_766 : memref<1x128x128xf32, #tpu.memory_space<hbm>> -> memref<128x128xf32, #tpu.memory_space<hbm>>
    %dma_wait3A_768 = arith.constant 0 : i32
    %dma_wait3A_769 = arith.constant 0 : i32
    %dma_wait3A_770 = tpu.memref_slice %arg6[%dma_wait3A_755, %dma_wait3A_768, %dma_wait3A_769] : memref<6x128x128xf32, #tpu.memory_space<vmem>> -> memref<1x128x128xf32, #tpu.memory_space<vmem>>
    %dma_wait3A_771 = tpu.memref_squeeze %dma_wait3A_770 : memref<1x128x128xf32, #tpu.memory_space<vmem>> -> memref<128x128xf32, #tpu.memory_space<vmem>>
    tpu.wait_dma2 semaphore(%arg8 : memref<!tpu.dma_semaphore, #tpu.memory_space<semaphore_mem>>) src(%dma_wait3A_771 : memref<128x128xf32, #tpu.memory_space<vmem>>) dst(%dma_wait3A_767 : memref<128x128xf32, #tpu.memory_space<hbm>>)
    %dma_start3A_772 = arith.constant 15 : i32
    %dma_start3A_773 = arith.constant 0 : i32
    %dma_start3A_774 = arith.constant 3 : i32
    %dma_start3A_775 = arith.constant 0 : i32
    %dma_start3A_776 = arith.constant 0 : i32
    %dma_start3A_777 = tpu.memref_slice %arg6[%dma_start3A_774, %dma_start3A_775, %dma_start3A_776] : memref<6x128x128xf32, #tpu.memory_space<vmem>> -> memref<1x128x128xf32, #tpu.memory_space<vmem>>
    %dma_start3A_778 = tpu.memref_squeeze %dma_start3A_777 : memref<1x128x128xf32, #tpu.memory_space<vmem>> -> memref<128x128xf32, #tpu.memory_space<vmem>>
    %dma_start3A_779 = arith.constant 0 : i32
    %dma_start3A_780 = tpu.memref_slice %arg5[%dma_start3A_772, %dma_start3A_773, %dma_start3A_779] : memref<20x1x128xi32, #tpu.memory_space<vmem>> -> memref<1x1x128xi32, #tpu.memory_space<vmem>>
    %dma_start3A_781 = tpu.memref_squeeze %dma_start3A_780 : memref<1x1x128xi32, #tpu.memory_space<vmem>> -> memref<128xi32, #tpu.memory_space<vmem>>
    %dma_start3A_782 = arith.constant 0 : i32
    %dma_start3A_783 = arith.constant 0 : i32
    %dma_start3A_784 = tpu.memref_slice %arg2[%dma_start3A_782, %dma_start3A_783] : memref<21013x128xf32, #tpu.memory_space<hbm>> -> memref<21013x128xf32, #tpu.memory_space<hbm>>
    tpu.enqueue_indirect_dma source(%dma_start3A_784 : memref<21013x128xf32, #tpu.memory_space<hbm>>) target(%dma_start3A_778 : memref<128x128xf32, #tpu.memory_space<vmem>>) offsets(%dma_start3A_781 : memref<128xi32, #tpu.memory_space<vmem>>) semaphore(%arg7 : memref<!tpu.dma_semaphore, #tpu.memory_space<semaphore_mem>>)
    %dma_wait3A_785 = arith.constant 12 : i32
    %dma_wait3A_786 = arith.constant 0 : i32
    %dma_wait3A_787 = arith.constant 0 : i32
    %dma_wait3A_788 = arith.constant 0 : i32
    %dma_wait3A_789 = arith.constant 0 : i32
    %dma_wait3A_790 = tpu.memref_slice %arg6[%dma_wait3A_787, %dma_wait3A_788, %dma_wait3A_789] : memref<6x128x128xf32, #tpu.memory_space<vmem>> -> memref<1x128x128xf32, #tpu.memory_space<vmem>>
    %dma_wait3A_791 = tpu.memref_squeeze %dma_wait3A_790 : memref<1x128x128xf32, #tpu.memory_space<vmem>> -> memref<128x128xf32, #tpu.memory_space<vmem>>
    %dma_wait3A_792 = arith.constant 0 : i32
    %dma_wait3A_793 = tpu.memref_slice %arg5[%dma_wait3A_785, %dma_wait3A_786, %dma_wait3A_792] : memref<20x1x128xi32, #tpu.memory_space<vmem>> -> memref<1x1x128xi32, #tpu.memory_space<vmem>>
    %dma_wait3A_794 = tpu.memref_squeeze %dma_wait3A_793 : memref<1x1x128xi32, #tpu.memory_space<vmem>> -> memref<128xi32, #tpu.memory_space<vmem>>
    %dma_wait3A_795 = arith.constant 0 : i32
    %dma_wait3A_796 = arith.constant 0 : i32
    %dma_wait3A_797 = tpu.memref_slice %arg2[%dma_wait3A_795, %dma_wait3A_796] : memref<21013x128xf32, #tpu.memory_space<hbm>> -> memref<21013x128xf32, #tpu.memory_space<hbm>>
    tpu.wait_indirect_dma semaphore(%arg7 : memref<!tpu.dma_semaphore, #tpu.memory_space<semaphore_mem>>) src(%dma_wait3A_797 : memref<21013x128xf32, #tpu.memory_space<hbm>>) dst(%dma_wait3A_791 : memref<128x128xf32, #tpu.memory_space<vmem>>)
    %mul3A_798 = arith.constant 20 : i32
    %mul3A_799 = arith.muli %add3A, %mul3A_798 : i32
    %add3A_800 = arith.constant 12 : i32
    %add3A_801 = arith.addi %mul3A_799, %add3A_800 : i32
    %dma_start3A_802 = arith.constant 0 : i32
    %dma_start3A_803 = arith.constant 0 : i32
    %dma_start3A_804 = arith.constant 0 : i32
    %dma_start3A_805 = tpu.memref_slice %arg6[%dma_start3A_802, %dma_start3A_803, %dma_start3A_804] : memref<6x128x128xf32, #tpu.memory_space<vmem>> -> memref<1x128x128xf32, #tpu.memory_space<vmem>>
    %dma_start3A_806 = tpu.memref_squeeze %dma_start3A_805 : memref<1x128x128xf32, #tpu.memory_space<vmem>> -> memref<128x128xf32, #tpu.memory_space<vmem>>
    %dma_start3A_807 = arith.constant 0 : i32
    %dma_start3A_808 = arith.constant 0 : i32
    %dma_start3A_809 = tpu.memref_slice %arg4[%add3A_801, %dma_start3A_807, %dma_start3A_808] : memref<640x128x128xf32, #tpu.memory_space<hbm>> -> memref<1x128x128xf32, #tpu.memory_space<hbm>>
    %dma_start3A_810 = tpu.memref_squeeze %dma_start3A_809 : memref<1x128x128xf32, #tpu.memory_space<hbm>> -> memref<128x128xf32, #tpu.memory_space<hbm>>
    %dma_start3A_811 = arith.constant 0 : i32
    %dma_start3A_812 = arith.constant 0 : i32
    %dma_start3A_813 = tpu.memref_slice %arg4[%add3A_801, %dma_start3A_811, %dma_start3A_812] : memref<640x128x128xf32, #tpu.memory_space<hbm>> -> memref<1x128x128xf32, #tpu.memory_space<hbm>>
    %dma_start3A_814 = tpu.memref_squeeze %dma_start3A_813 : memref<1x128x128xf32, #tpu.memory_space<hbm>> -> memref<128x128xf32, #tpu.memory_space<hbm>>
    %dma_start3A_815 = arith.constant 0 : i32
    %dma_start3A_816 = arith.constant 0 : i32
    %dma_start3A_817 = tpu.memref_slice %arg6[%dma_start3A_802, %dma_start3A_815, %dma_start3A_816] : memref<6x128x128xf32, #tpu.memory_space<vmem>> -> memref<1x128x128xf32, #tpu.memory_space<vmem>>
    %dma_start3A_818 = tpu.memref_squeeze %dma_start3A_817 : memref<1x128x128xf32, #tpu.memory_space<vmem>> -> memref<128x128xf32, #tpu.memory_space<vmem>>
    tpu.enqueue_dma source(%dma_start3A_818 : memref<128x128xf32, #tpu.memory_space<vmem>>) target(%dma_start3A_814 : memref<128x128xf32, #tpu.memory_space<hbm>>) target_semaphore(%arg8 : memref<!tpu.dma_semaphore, #tpu.memory_space<semaphore_mem>>)
    %dma_wait3A_819 = arith.constant 4 : i32
    %dma_wait3A_820 = arith.constant 0 : i32
    %dma_wait3A_821 = arith.constant 0 : i32
    %dma_wait3A_822 = tpu.memref_slice %arg6[%dma_wait3A_819, %dma_wait3A_820, %dma_wait3A_821] : memref<6x128x128xf32, #tpu.memory_space<vmem>> -> memref<1x128x128xf32, #tpu.memory_space<vmem>>
    %dma_wait3A_823 = tpu.memref_squeeze %dma_wait3A_822 : memref<1x128x128xf32, #tpu.memory_space<vmem>> -> memref<128x128xf32, #tpu.memory_space<vmem>>
    %dma_wait3A_824 = arith.constant 0 : i32
    %dma_wait3A_825 = arith.constant 0 : i32
    %dma_wait3A_826 = tpu.memref_slice %arg4[%add3A_673, %dma_wait3A_824, %dma_wait3A_825] : memref<640x128x128xf32, #tpu.memory_space<hbm>> -> memref<1x128x128xf32, #tpu.memory_space<hbm>>
    %dma_wait3A_827 = tpu.memref_squeeze %dma_wait3A_826 : memref<1x128x128xf32, #tpu.memory_space<hbm>> -> memref<128x128xf32, #tpu.memory_space<hbm>>
    %dma_wait3A_828 = arith.constant 0 : i32
    %dma_wait3A_829 = arith.constant 0 : i32
    %dma_wait3A_830 = tpu.memref_slice %arg4[%add3A_673, %dma_wait3A_828, %dma_wait3A_829] : memref<640x128x128xf32, #tpu.memory_space<hbm>> -> memref<1x128x128xf32, #tpu.memory_space<hbm>>
    %dma_wait3A_831 = tpu.memref_squeeze %dma_wait3A_830 : memref<1x128x128xf32, #tpu.memory_space<hbm>> -> memref<128x128xf32, #tpu.memory_space<hbm>>
    %dma_wait3A_832 = arith.constant 0 : i32
    %dma_wait3A_833 = arith.constant 0 : i32
    %dma_wait3A_834 = tpu.memref_slice %arg6[%dma_wait3A_819, %dma_wait3A_832, %dma_wait3A_833] : memref<6x128x128xf32, #tpu.memory_space<vmem>> -> memref<1x128x128xf32, #tpu.memory_space<vmem>>
    %dma_wait3A_835 = tpu.memref_squeeze %dma_wait3A_834 : memref<1x128x128xf32, #tpu.memory_space<vmem>> -> memref<128x128xf32, #tpu.memory_space<vmem>>
    tpu.wait_dma2 semaphore(%arg8 : memref<!tpu.dma_semaphore, #tpu.memory_space<semaphore_mem>>) src(%dma_wait3A_835 : memref<128x128xf32, #tpu.memory_space<vmem>>) dst(%dma_wait3A_831 : memref<128x128xf32, #tpu.memory_space<hbm>>)
    %dma_start3A_836 = arith.constant 16 : i32
    %dma_start3A_837 = arith.constant 0 : i32
    %dma_start3A_838 = arith.constant 4 : i32
    %dma_start3A_839 = arith.constant 0 : i32
    %dma_start3A_840 = arith.constant 0 : i32
    %dma_start3A_841 = tpu.memref_slice %arg6[%dma_start3A_838, %dma_start3A_839, %dma_start3A_840] : memref<6x128x128xf32, #tpu.memory_space<vmem>> -> memref<1x128x128xf32, #tpu.memory_space<vmem>>
    %dma_start3A_842 = tpu.memref_squeeze %dma_start3A_841 : memref<1x128x128xf32, #tpu.memory_space<vmem>> -> memref<128x128xf32, #tpu.memory_space<vmem>>
    %dma_start3A_843 = arith.constant 0 : i32
    %dma_start3A_844 = tpu.memref_slice %arg5[%dma_start3A_836, %dma_start3A_837, %dma_start3A_843] : memref<20x1x128xi32, #tpu.memory_space<vmem>> -> memref<1x1x128xi32, #tpu.memory_space<vmem>>
    %dma_start3A_845 = tpu.memref_squeeze %dma_start3A_844 : memref<1x1x128xi32, #tpu.memory_space<vmem>> -> memref<128xi32, #tpu.memory_space<vmem>>
    %dma_start3A_846 = arith.constant 0 : i32
    %dma_start3A_847 = arith.constant 0 : i32
    %dma_start3A_848 = tpu.memref_slice %arg2[%dma_start3A_846, %dma_start3A_847] : memref<21013x128xf32, #tpu.memory_space<hbm>> -> memref<21013x128xf32, #tpu.memory_space<hbm>>
    tpu.enqueue_indirect_dma source(%dma_start3A_848 : memref<21013x128xf32, #tpu.memory_space<hbm>>) target(%dma_start3A_842 : memref<128x128xf32, #tpu.memory_space<vmem>>) offsets(%dma_start3A_845 : memref<128xi32, #tpu.memory_space<vmem>>) semaphore(%arg7 : memref<!tpu.dma_semaphore, #tpu.memory_space<semaphore_mem>>)
    %dma_wait3A_849 = arith.constant 13 : i32
    %dma_wait3A_850 = arith.constant 0 : i32
    %dma_wait3A_851 = arith.constant 1 : i32
    %dma_wait3A_852 = arith.constant 0 : i32
    %dma_wait3A_853 = arith.constant 0 : i32
    %dma_wait3A_854 = tpu.memref_slice %arg6[%dma_wait3A_851, %dma_wait3A_852, %dma_wait3A_853] : memref<6x128x128xf32, #tpu.memory_space<vmem>> -> memref<1x128x128xf32, #tpu.memory_space<vmem>>
    %dma_wait3A_855 = tpu.memref_squeeze %dma_wait3A_854 : memref<1x128x128xf32, #tpu.memory_space<vmem>> -> memref<128x128xf32, #tpu.memory_space<vmem>>
    %dma_wait3A_856 = arith.constant 0 : i32
    %dma_wait3A_857 = tpu.memref_slice %arg5[%dma_wait3A_849, %dma_wait3A_850, %dma_wait3A_856] : memref<20x1x128xi32, #tpu.memory_space<vmem>> -> memref<1x1x128xi32, #tpu.memory_space<vmem>>
    %dma_wait3A_858 = tpu.memref_squeeze %dma_wait3A_857 : memref<1x1x128xi32, #tpu.memory_space<vmem>> -> memref<128xi32, #tpu.memory_space<vmem>>
    %dma_wait3A_859 = arith.constant 0 : i32
    %dma_wait3A_860 = arith.constant 0 : i32
    %dma_wait3A_861 = tpu.memref_slice %arg2[%dma_wait3A_859, %dma_wait3A_860] : memref<21013x128xf32, #tpu.memory_space<hbm>> -> memref<21013x128xf32, #tpu.memory_space<hbm>>
    tpu.wait_indirect_dma semaphore(%arg7 : memref<!tpu.dma_semaphore, #tpu.memory_space<semaphore_mem>>) src(%dma_wait3A_861 : memref<21013x128xf32, #tpu.memory_space<hbm>>) dst(%dma_wait3A_855 : memref<128x128xf32, #tpu.memory_space<vmem>>)
    %mul3A_862 = arith.constant 20 : i32
    %mul3A_863 = arith.muli %add3A, %mul3A_862 : i32
    %add3A_864 = arith.constant 13 : i32
    %add3A_865 = arith.addi %mul3A_863, %add3A_864 : i32
    %dma_start3A_866 = arith.constant 1 : i32
    %dma_start3A_867 = arith.constant 0 : i32
    %dma_start3A_868 = arith.constant 0 : i32
    %dma_start3A_869 = tpu.memref_slice %arg6[%dma_start3A_866, %dma_start3A_867, %dma_start3A_868] : memref<6x128x128xf32, #tpu.memory_space<vmem>> -> memref<1x128x128xf32, #tpu.memory_space<vmem>>
    %dma_start3A_870 = tpu.memref_squeeze %dma_start3A_869 : memref<1x128x128xf32, #tpu.memory_space<vmem>> -> memref<128x128xf32, #tpu.memory_space<vmem>>
    %dma_start3A_871 = arith.constant 0 : i32
    %dma_start3A_872 = arith.constant 0 : i32
    %dma_start3A_873 = tpu.memref_slice %arg4[%add3A_865, %dma_start3A_871, %dma_start3A_872] : memref<640x128x128xf32, #tpu.memory_space<hbm>> -> memref<1x128x128xf32, #tpu.memory_space<hbm>>
    %dma_start3A_874 = tpu.memref_squeeze %dma_start3A_873 : memref<1x128x128xf32, #tpu.memory_space<hbm>> -> memref<128x128xf32, #tpu.memory_space<hbm>>
    %dma_start3A_875 = arith.constant 0 : i32
    %dma_start3A_876 = arith.constant 0 : i32
    %dma_start3A_877 = tpu.memref_slice %arg4[%add3A_865, %dma_start3A_875, %dma_start3A_876] : memref<640x128x128xf32, #tpu.memory_space<hbm>> -> memref<1x128x128xf32, #tpu.memory_space<hbm>>
    %dma_start3A_878 = tpu.memref_squeeze %dma_start3A_877 : memref<1x128x128xf32, #tpu.memory_space<hbm>> -> memref<128x128xf32, #tpu.memory_space<hbm>>
    %dma_start3A_879 = arith.constant 0 : i32
    %dma_start3A_880 = arith.constant 0 : i32
    %dma_start3A_881 = tpu.memref_slice %arg6[%dma_start3A_866, %dma_start3A_879, %dma_start3A_880] : memref<6x128x128xf32, #tpu.memory_space<vmem>> -> memref<1x128x128xf32, #tpu.memory_space<vmem>>
    %dma_start3A_882 = tpu.memref_squeeze %dma_start3A_881 : memref<1x128x128xf32, #tpu.memory_space<vmem>> -> memref<128x128xf32, #tpu.memory_space<vmem>>
    tpu.enqueue_dma source(%dma_start3A_882 : memref<128x128xf32, #tpu.memory_space<vmem>>) target(%dma_start3A_878 : memref<128x128xf32, #tpu.memory_space<hbm>>) target_semaphore(%arg8 : memref<!tpu.dma_semaphore, #tpu.memory_space<semaphore_mem>>)
    %dma_wait3A_883 = arith.constant 5 : i32
    %dma_wait3A_884 = arith.constant 0 : i32
    %dma_wait3A_885 = arith.constant 0 : i32
    %dma_wait3A_886 = tpu.memref_slice %arg6[%dma_wait3A_883, %dma_wait3A_884, %dma_wait3A_885] : memref<6x128x128xf32, #tpu.memory_space<vmem>> -> memref<1x128x128xf32, #tpu.memory_space<vmem>>
    %dma_wait3A_887 = tpu.memref_squeeze %dma_wait3A_886 : memref<1x128x128xf32, #tpu.memory_space<vmem>> -> memref<128x128xf32, #tpu.memory_space<vmem>>
    %dma_wait3A_888 = arith.constant 0 : i32
    %dma_wait3A_889 = arith.constant 0 : i32
    %dma_wait3A_890 = tpu.memref_slice %arg4[%add3A_737, %dma_wait3A_888, %dma_wait3A_889] : memref<640x128x128xf32, #tpu.memory_space<hbm>> -> memref<1x128x128xf32, #tpu.memory_space<hbm>>
    %dma_wait3A_891 = tpu.memref_squeeze %dma_wait3A_890 : memref<1x128x128xf32, #tpu.memory_space<hbm>> -> memref<128x128xf32, #tpu.memory_space<hbm>>
    %dma_wait3A_892 = arith.constant 0 : i32
    %dma_wait3A_893 = arith.constant 0 : i32
    %dma_wait3A_894 = tpu.memref_slice %arg4[%add3A_737, %dma_wait3A_892, %dma_wait3A_893] : memref<640x128x128xf32, #tpu.memory_space<hbm>> -> memref<1x128x128xf32, #tpu.memory_space<hbm>>
    %dma_wait3A_895 = tpu.memref_squeeze %dma_wait3A_894 : memref<1x128x128xf32, #tpu.memory_space<hbm>> -> memref<128x128xf32, #tpu.memory_space<hbm>>
    %dma_wait3A_896 = arith.constant 0 : i32
    %dma_wait3A_897 = arith.constant 0 : i32
    %dma_wait3A_898 = tpu.memref_slice %arg6[%dma_wait3A_883, %dma_wait3A_896, %dma_wait3A_897] : memref<6x128x128xf32, #tpu.memory_space<vmem>> -> memref<1x128x128xf32, #tpu.memory_space<vmem>>
    %dma_wait3A_899 = tpu.memref_squeeze %dma_wait3A_898 : memref<1x128x128xf32, #tpu.memory_space<vmem>> -> memref<128x128xf32, #tpu.memory_space<vmem>>
    tpu.wait_dma2 semaphore(%arg8 : memref<!tpu.dma_semaphore, #tpu.memory_space<semaphore_mem>>) src(%dma_wait3A_899 : memref<128x128xf32, #tpu.memory_space<vmem>>) dst(%dma_wait3A_895 : memref<128x128xf32, #tpu.memory_space<hbm>>)
    %dma_start3A_900 = arith.constant 17 : i32
    %dma_start3A_901 = arith.constant 0 : i32
    %dma_start3A_902 = arith.constant 5 : i32
    %dma_start3A_903 = arith.constant 0 : i32
    %dma_start3A_904 = arith.constant 0 : i32
    %dma_start3A_905 = tpu.memref_slice %arg6[%dma_start3A_902, %dma_start3A_903, %dma_start3A_904] : memref<6x128x128xf32, #tpu.memory_space<vmem>> -> memref<1x128x128xf32, #tpu.memory_space<vmem>>
    %dma_start3A_906 = tpu.memref_squeeze %dma_start3A_905 : memref<1x128x128xf32, #tpu.memory_space<vmem>> -> memref<128x128xf32, #tpu.memory_space<vmem>>
    %dma_start3A_907 = arith.constant 0 : i32
    %dma_start3A_908 = tpu.memref_slice %arg5[%dma_start3A_900, %dma_start3A_901, %dma_start3A_907] : memref<20x1x128xi32, #tpu.memory_space<vmem>> -> memref<1x1x128xi32, #tpu.memory_space<vmem>>
    %dma_start3A_909 = tpu.memref_squeeze %dma_start3A_908 : memref<1x1x128xi32, #tpu.memory_space<vmem>> -> memref<128xi32, #tpu.memory_space<vmem>>
    %dma_start3A_910 = arith.constant 0 : i32
    %dma_start3A_911 = arith.constant 0 : i32
    %dma_start3A_912 = tpu.memref_slice %arg2[%dma_start3A_910, %dma_start3A_911] : memref<21013x128xf32, #tpu.memory_space<hbm>> -> memref<21013x128xf32, #tpu.memory_space<hbm>>
    tpu.enqueue_indirect_dma source(%dma_start3A_912 : memref<21013x128xf32, #tpu.memory_space<hbm>>) target(%dma_start3A_906 : memref<128x128xf32, #tpu.memory_space<vmem>>) offsets(%dma_start3A_909 : memref<128xi32, #tpu.memory_space<vmem>>) semaphore(%arg7 : memref<!tpu.dma_semaphore, #tpu.memory_space<semaphore_mem>>)
    %dma_wait3A_913 = arith.constant 14 : i32
    %dma_wait3A_914 = arith.constant 0 : i32
    %dma_wait3A_915 = arith.constant 2 : i32
    %dma_wait3A_916 = arith.constant 0 : i32
    %dma_wait3A_917 = arith.constant 0 : i32
    %dma_wait3A_918 = tpu.memref_slice %arg6[%dma_wait3A_915, %dma_wait3A_916, %dma_wait3A_917] : memref<6x128x128xf32, #tpu.memory_space<vmem>> -> memref<1x128x128xf32, #tpu.memory_space<vmem>>
    %dma_wait3A_919 = tpu.memref_squeeze %dma_wait3A_918 : memref<1x128x128xf32, #tpu.memory_space<vmem>> -> memref<128x128xf32, #tpu.memory_space<vmem>>
    %dma_wait3A_920 = arith.constant 0 : i32
    %dma_wait3A_921 = tpu.memref_slice %arg5[%dma_wait3A_913, %dma_wait3A_914, %dma_wait3A_920] : memref<20x1x128xi32, #tpu.memory_space<vmem>> -> memref<1x1x128xi32, #tpu.memory_space<vmem>>
    %dma_wait3A_922 = tpu.memref_squeeze %dma_wait3A_921 : memref<1x1x128xi32, #tpu.memory_space<vmem>> -> memref<128xi32, #tpu.memory_space<vmem>>
    %dma_wait3A_923 = arith.constant 0 : i32
    %dma_wait3A_924 = arith.constant 0 : i32
    %dma_wait3A_925 = tpu.memref_slice %arg2[%dma_wait3A_923, %dma_wait3A_924] : memref<21013x128xf32, #tpu.memory_space<hbm>> -> memref<21013x128xf32, #tpu.memory_space<hbm>>
    tpu.wait_indirect_dma semaphore(%arg7 : memref<!tpu.dma_semaphore, #tpu.memory_space<semaphore_mem>>) src(%dma_wait3A_925 : memref<21013x128xf32, #tpu.memory_space<hbm>>) dst(%dma_wait3A_919 : memref<128x128xf32, #tpu.memory_space<vmem>>)
    %mul3A_926 = arith.constant 20 : i32
    %mul3A_927 = arith.muli %add3A, %mul3A_926 : i32
    %add3A_928 = arith.constant 14 : i32
    %add3A_929 = arith.addi %mul3A_927, %add3A_928 : i32
    %dma_start3A_930 = arith.constant 2 : i32
    %dma_start3A_931 = arith.constant 0 : i32
    %dma_start3A_932 = arith.constant 0 : i32
    %dma_start3A_933 = tpu.memref_slice %arg6[%dma_start3A_930, %dma_start3A_931, %dma_start3A_932] : memref<6x128x128xf32, #tpu.memory_space<vmem>> -> memref<1x128x128xf32, #tpu.memory_space<vmem>>
    %dma_start3A_934 = tpu.memref_squeeze %dma_start3A_933 : memref<1x128x128xf32, #tpu.memory_space<vmem>> -> memref<128x128xf32, #tpu.memory_space<vmem>>
    %dma_start3A_935 = arith.constant 0 : i32
    %dma_start3A_936 = arith.constant 0 : i32
    %dma_start3A_937 = tpu.memref_slice %arg4[%add3A_929, %dma_start3A_935, %dma_start3A_936] : memref<640x128x128xf32, #tpu.memory_space<hbm>> -> memref<1x128x128xf32, #tpu.memory_space<hbm>>
    %dma_start3A_938 = tpu.memref_squeeze %dma_start3A_937 : memref<1x128x128xf32, #tpu.memory_space<hbm>> -> memref<128x128xf32, #tpu.memory_space<hbm>>
    %dma_start3A_939 = arith.constant 0 : i32
    %dma_start3A_940 = arith.constant 0 : i32
    %dma_start3A_941 = tpu.memref_slice %arg4[%add3A_929, %dma_start3A_939, %dma_start3A_940] : memref<640x128x128xf32, #tpu.memory_space<hbm>> -> memref<1x128x128xf32, #tpu.memory_space<hbm>>
    %dma_start3A_942 = tpu.memref_squeeze %dma_start3A_941 : memref<1x128x128xf32, #tpu.memory_space<hbm>> -> memref<128x128xf32, #tpu.memory_space<hbm>>
    %dma_start3A_943 = arith.constant 0 : i32
    %dma_start3A_944 = arith.constant 0 : i32
    %dma_start3A_945 = tpu.memref_slice %arg6[%dma_start3A_930, %dma_start3A_943, %dma_start3A_944] : memref<6x128x128xf32, #tpu.memory_space<vmem>> -> memref<1x128x128xf32, #tpu.memory_space<vmem>>
    %dma_start3A_946 = tpu.memref_squeeze %dma_start3A_945 : memref<1x128x128xf32, #tpu.memory_space<vmem>> -> memref<128x128xf32, #tpu.memory_space<vmem>>
    tpu.enqueue_dma source(%dma_start3A_946 : memref<128x128xf32, #tpu.memory_space<vmem>>) target(%dma_start3A_942 : memref<128x128xf32, #tpu.memory_space<hbm>>) target_semaphore(%arg8 : memref<!tpu.dma_semaphore, #tpu.memory_space<semaphore_mem>>)
    %dma_wait3A_947 = arith.constant 0 : i32
    %dma_wait3A_948 = arith.constant 0 : i32
    %dma_wait3A_949 = arith.constant 0 : i32
    %dma_wait3A_950 = tpu.memref_slice %arg6[%dma_wait3A_947, %dma_wait3A_948, %dma_wait3A_949] : memref<6x128x128xf32, #tpu.memory_space<vmem>> -> memref<1x128x128xf32, #tpu.memory_space<vmem>>
    %dma_wait3A_951 = tpu.memref_squeeze %dma_wait3A_950 : memref<1x128x128xf32, #tpu.memory_space<vmem>> -> memref<128x128xf32, #tpu.memory_space<vmem>>
    %dma_wait3A_952 = arith.constant 0 : i32
    %dma_wait3A_953 = arith.constant 0 : i32
    %dma_wait3A_954 = tpu.memref_slice %arg4[%add3A_801, %dma_wait3A_952, %dma_wait3A_953] : memref<640x128x128xf32, #tpu.memory_space<hbm>> -> memref<1x128x128xf32, #tpu.memory_space<hbm>>
    %dma_wait3A_955 = tpu.memref_squeeze %dma_wait3A_954 : memref<1x128x128xf32, #tpu.memory_space<hbm>> -> memref<128x128xf32, #tpu.memory_space<hbm>>
    %dma_wait3A_956 = arith.constant 0 : i32
    %dma_wait3A_957 = arith.constant 0 : i32
    %dma_wait3A_958 = tpu.memref_slice %arg4[%add3A_801, %dma_wait3A_956, %dma_wait3A_957] : memref<640x128x128xf32, #tpu.memory_space<hbm>> -> memref<1x128x128xf32, #tpu.memory_space<hbm>>
    %dma_wait3A_959 = tpu.memref_squeeze %dma_wait3A_958 : memref<1x128x128xf32, #tpu.memory_space<hbm>> -> memref<128x128xf32, #tpu.memory_space<hbm>>
    %dma_wait3A_960 = arith.constant 0 : i32
    %dma_wait3A_961 = arith.constant 0 : i32
    %dma_wait3A_962 = tpu.memref_slice %arg6[%dma_wait3A_947, %dma_wait3A_960, %dma_wait3A_961] : memref<6x128x128xf32, #tpu.memory_space<vmem>> -> memref<1x128x128xf32, #tpu.memory_space<vmem>>
    %dma_wait3A_963 = tpu.memref_squeeze %dma_wait3A_962 : memref<1x128x128xf32, #tpu.memory_space<vmem>> -> memref<128x128xf32, #tpu.memory_space<vmem>>
    tpu.wait_dma2 semaphore(%arg8 : memref<!tpu.dma_semaphore, #tpu.memory_space<semaphore_mem>>) src(%dma_wait3A_963 : memref<128x128xf32, #tpu.memory_space<vmem>>) dst(%dma_wait3A_959 : memref<128x128xf32, #tpu.memory_space<hbm>>)
    %dma_start3A_964 = arith.constant 18 : i32
    %dma_start3A_965 = arith.constant 0 : i32
    %dma_start3A_966 = arith.constant 0 : i32
    %dma_start3A_967 = arith.constant 0 : i32
    %dma_start3A_968 = arith.constant 0 : i32
    %dma_start3A_969 = tpu.memref_slice %arg6[%dma_start3A_966, %dma_start3A_967, %dma_start3A_968] : memref<6x128x128xf32, #tpu.memory_space<vmem>> -> memref<1x128x128xf32, #tpu.memory_space<vmem>>
    %dma_start3A_970 = tpu.memref_squeeze %dma_start3A_969 : memref<1x128x128xf32, #tpu.memory_space<vmem>> -> memref<128x128xf32, #tpu.memory_space<vmem>>
    %dma_start3A_971 = arith.constant 0 : i32
    %dma_start3A_972 = tpu.memref_slice %arg5[%dma_start3A_964, %dma_start3A_965, %dma_start3A_971] : memref<20x1x128xi32, #tpu.memory_space<vmem>> -> memref<1x1x128xi32, #tpu.memory_space<vmem>>
    %dma_start3A_973 = tpu.memref_squeeze %dma_start3A_972 : memref<1x1x128xi32, #tpu.memory_space<vmem>> -> memref<128xi32, #tpu.memory_space<vmem>>
    %dma_start3A_974 = arith.constant 0 : i32
    %dma_start3A_975 = arith.constant 0 : i32
    %dma_start3A_976 = tpu.memref_slice %arg2[%dma_start3A_974, %dma_start3A_975] : memref<21013x128xf32, #tpu.memory_space<hbm>> -> memref<21013x128xf32, #tpu.memory_space<hbm>>
    tpu.enqueue_indirect_dma source(%dma_start3A_976 : memref<21013x128xf32, #tpu.memory_space<hbm>>) target(%dma_start3A_970 : memref<128x128xf32, #tpu.memory_space<vmem>>) offsets(%dma_start3A_973 : memref<128xi32, #tpu.memory_space<vmem>>) semaphore(%arg7 : memref<!tpu.dma_semaphore, #tpu.memory_space<semaphore_mem>>)
    %dma_wait3A_977 = arith.constant 15 : i32
    %dma_wait3A_978 = arith.constant 0 : i32
    %dma_wait3A_979 = arith.constant 3 : i32
    %dma_wait3A_980 = arith.constant 0 : i32
    %dma_wait3A_981 = arith.constant 0 : i32
    %dma_wait3A_982 = tpu.memref_slice %arg6[%dma_wait3A_979, %dma_wait3A_980, %dma_wait3A_981] : memref<6x128x128xf32, #tpu.memory_space<vmem>> -> memref<1x128x128xf32, #tpu.memory_space<vmem>>
    %dma_wait3A_983 = tpu.memref_squeeze %dma_wait3A_982 : memref<1x128x128xf32, #tpu.memory_space<vmem>> -> memref<128x128xf32, #tpu.memory_space<vmem>>
    %dma_wait3A_984 = arith.constant 0 : i32
    %dma_wait3A_985 = tpu.memref_slice %arg5[%dma_wait3A_977, %dma_wait3A_978, %dma_wait3A_984] : memref<20x1x128xi32, #tpu.memory_space<vmem>> -> memref<1x1x128xi32, #tpu.memory_space<vmem>>
    %dma_wait3A_986 = tpu.memref_squeeze %dma_wait3A_985 : memref<1x1x128xi32, #tpu.memory_space<vmem>> -> memref<128xi32, #tpu.memory_space<vmem>>
    %dma_wait3A_987 = arith.constant 0 : i32
    %dma_wait3A_988 = arith.constant 0 : i32
    %dma_wait3A_989 = tpu.memref_slice %arg2[%dma_wait3A_987, %dma_wait3A_988] : memref<21013x128xf32, #tpu.memory_space<hbm>> -> memref<21013x128xf32, #tpu.memory_space<hbm>>
    tpu.wait_indirect_dma semaphore(%arg7 : memref<!tpu.dma_semaphore, #tpu.memory_space<semaphore_mem>>) src(%dma_wait3A_989 : memref<21013x128xf32, #tpu.memory_space<hbm>>) dst(%dma_wait3A_983 : memref<128x128xf32, #tpu.memory_space<vmem>>)
    %mul3A_990 = arith.constant 20 : i32
    %mul3A_991 = arith.muli %add3A, %mul3A_990 : i32
    %add3A_992 = arith.constant 15 : i32
    %add3A_993 = arith.addi %mul3A_991, %add3A_992 : i32
    %dma_start3A_994 = arith.constant 3 : i32
    %dma_start3A_995 = arith.constant 0 : i32
    %dma_start3A_996 = arith.constant 0 : i32
    %dma_start3A_997 = tpu.memref_slice %arg6[%dma_start3A_994, %dma_start3A_995, %dma_start3A_996] : memref<6x128x128xf32, #tpu.memory_space<vmem>> -> memref<1x128x128xf32, #tpu.memory_space<vmem>>
    %dma_start3A_998 = tpu.memref_squeeze %dma_start3A_997 : memref<1x128x128xf32, #tpu.memory_space<vmem>> -> memref<128x128xf32, #tpu.memory_space<vmem>>
    %dma_start3A_999 = arith.constant 0 : i32
    %dma_start3A_1000 = arith.constant 0 : i32
    %dma_start3A_1001 = tpu.memref_slice %arg4[%add3A_993, %dma_start3A_999, %dma_start3A_1000] : memref<640x128x128xf32, #tpu.memory_space<hbm>> -> memref<1x128x128xf32, #tpu.memory_space<hbm>>
    %dma_start3A_1002 = tpu.memref_squeeze %dma_start3A_1001 : memref<1x128x128xf32, #tpu.memory_space<hbm>> -> memref<128x128xf32, #tpu.memory_space<hbm>>
    %dma_start3A_1003 = arith.constant 0 : i32
    %dma_start3A_1004 = arith.constant 0 : i32
    %dma_start3A_1005 = tpu.memref_slice %arg4[%add3A_993, %dma_start3A_1003, %dma_start3A_1004] : memref<640x128x128xf32, #tpu.memory_space<hbm>> -> memref<1x128x128xf32, #tpu.memory_space<hbm>>
    %dma_start3A_1006 = tpu.memref_squeeze %dma_start3A_1005 : memref<1x128x128xf32, #tpu.memory_space<hbm>> -> memref<128x128xf32, #tpu.memory_space<hbm>>
    %dma_start3A_1007 = arith.constant 0 : i32
    %dma_start3A_1008 = arith.constant 0 : i32
    %dma_start3A_1009 = tpu.memref_slice %arg6[%dma_start3A_994, %dma_start3A_1007, %dma_start3A_1008] : memref<6x128x128xf32, #tpu.memory_space<vmem>> -> memref<1x128x128xf32, #tpu.memory_space<vmem>>
    %dma_start3A_1010 = tpu.memref_squeeze %dma_start3A_1009 : memref<1x128x128xf32, #tpu.memory_space<vmem>> -> memref<128x128xf32, #tpu.memory_space<vmem>>
    tpu.enqueue_dma source(%dma_start3A_1010 : memref<128x128xf32, #tpu.memory_space<vmem>>) target(%dma_start3A_1006 : memref<128x128xf32, #tpu.memory_space<hbm>>) target_semaphore(%arg8 : memref<!tpu.dma_semaphore, #tpu.memory_space<semaphore_mem>>)
    %dma_wait3A_1011 = arith.constant 1 : i32
    %dma_wait3A_1012 = arith.constant 0 : i32
    %dma_wait3A_1013 = arith.constant 0 : i32
    %dma_wait3A_1014 = tpu.memref_slice %arg6[%dma_wait3A_1011, %dma_wait3A_1012, %dma_wait3A_1013] : memref<6x128x128xf32, #tpu.memory_space<vmem>> -> memref<1x128x128xf32, #tpu.memory_space<vmem>>
    %dma_wait3A_1015 = tpu.memref_squeeze %dma_wait3A_1014 : memref<1x128x128xf32, #tpu.memory_space<vmem>> -> memref<128x128xf32, #tpu.memory_space<vmem>>
    %dma_wait3A_1016 = arith.constant 0 : i32
    %dma_wait3A_1017 = arith.constant 0 : i32
    %dma_wait3A_1018 = tpu.memref_slice %arg4[%add3A_865, %dma_wait3A_1016, %dma_wait3A_1017] : memref<640x128x128xf32, #tpu.memory_space<hbm>> -> memref<1x128x128xf32, #tpu.memory_space<hbm>>
    %dma_wait3A_1019 = tpu.memref_squeeze %dma_wait3A_1018 : memref<1x128x128xf32, #tpu.memory_space<hbm>> -> memref<128x128xf32, #tpu.memory_space<hbm>>
    %dma_wait3A_1020 = arith.constant 0 : i32
    %dma_wait3A_1021 = arith.constant 0 : i32
    %dma_wait3A_1022 = tpu.memref_slice %arg4[%add3A_865, %dma_wait3A_1020, %dma_wait3A_1021] : memref<640x128x128xf32, #tpu.memory_space<hbm>> -> memref<1x128x128xf32, #tpu.memory_space<hbm>>
    %dma_wait3A_1023 = tpu.memref_squeeze %dma_wait3A_1022 : memref<1x128x128xf32, #tpu.memory_space<hbm>> -> memref<128x128xf32, #tpu.memory_space<hbm>>
    %dma_wait3A_1024 = arith.constant 0 : i32
    %dma_wait3A_1025 = arith.constant 0 : i32
    %dma_wait3A_1026 = tpu.memref_slice %arg6[%dma_wait3A_1011, %dma_wait3A_1024, %dma_wait3A_1025] : memref<6x128x128xf32, #tpu.memory_space<vmem>> -> memref<1x128x128xf32, #tpu.memory_space<vmem>>
    %dma_wait3A_1027 = tpu.memref_squeeze %dma_wait3A_1026 : memref<1x128x128xf32, #tpu.memory_space<vmem>> -> memref<128x128xf32, #tpu.memory_space<vmem>>
    tpu.wait_dma2 semaphore(%arg8 : memref<!tpu.dma_semaphore, #tpu.memory_space<semaphore_mem>>) src(%dma_wait3A_1027 : memref<128x128xf32, #tpu.memory_space<vmem>>) dst(%dma_wait3A_1023 : memref<128x128xf32, #tpu.memory_space<hbm>>)
    %dma_start3A_1028 = arith.constant 19 : i32
    %dma_start3A_1029 = arith.constant 0 : i32
    %dma_start3A_1030 = arith.constant 1 : i32
    %dma_start3A_1031 = arith.constant 0 : i32
    %dma_start3A_1032 = arith.constant 0 : i32
    %dma_start3A_1033 = tpu.memref_slice %arg6[%dma_start3A_1030, %dma_start3A_1031, %dma_start3A_1032] : memref<6x128x128xf32, #tpu.memory_space<vmem>> -> memref<1x128x128xf32, #tpu.memory_space<vmem>>
    %dma_start3A_1034 = tpu.memref_squeeze %dma_start3A_1033 : memref<1x128x128xf32, #tpu.memory_space<vmem>> -> memref<128x128xf32, #tpu.memory_space<vmem>>
    %dma_start3A_1035 = arith.constant 0 : i32
    %dma_start3A_1036 = tpu.memref_slice %arg5[%dma_start3A_1028, %dma_start3A_1029, %dma_start3A_1035] : memref<20x1x128xi32, #tpu.memory_space<vmem>> -> memref<1x1x128xi32, #tpu.memory_space<vmem>>
    %dma_start3A_1037 = tpu.memref_squeeze %dma_start3A_1036 : memref<1x1x128xi32, #tpu.memory_space<vmem>> -> memref<128xi32, #tpu.memory_space<vmem>>
    %dma_start3A_1038 = arith.constant 0 : i32
    %dma_start3A_1039 = arith.constant 0 : i32
    %dma_start3A_1040 = tpu.memref_slice %arg2[%dma_start3A_1038, %dma_start3A_1039] : memref<21013x128xf32, #tpu.memory_space<hbm>> -> memref<21013x128xf32, #tpu.memory_space<hbm>>
    tpu.enqueue_indirect_dma source(%dma_start3A_1040 : memref<21013x128xf32, #tpu.memory_space<hbm>>) target(%dma_start3A_1034 : memref<128x128xf32, #tpu.memory_space<vmem>>) offsets(%dma_start3A_1037 : memref<128xi32, #tpu.memory_space<vmem>>) semaphore(%arg7 : memref<!tpu.dma_semaphore, #tpu.memory_space<semaphore_mem>>)
    %dma_wait3A_1041 = arith.constant 16 : i32
    %dma_wait3A_1042 = arith.constant 0 : i32
    %dma_wait3A_1043 = arith.constant 4 : i32
    %dma_wait3A_1044 = arith.constant 0 : i32
    %dma_wait3A_1045 = arith.constant 0 : i32
    %dma_wait3A_1046 = tpu.memref_slice %arg6[%dma_wait3A_1043, %dma_wait3A_1044, %dma_wait3A_1045] : memref<6x128x128xf32, #tpu.memory_space<vmem>> -> memref<1x128x128xf32, #tpu.memory_space<vmem>>
    %dma_wait3A_1047 = tpu.memref_squeeze %dma_wait3A_1046 : memref<1x128x128xf32, #tpu.memory_space<vmem>> -> memref<128x128xf32, #tpu.memory_space<vmem>>
    %dma_wait3A_1048 = arith.constant 0 : i32
    %dma_wait3A_1049 = tpu.memref_slice %arg5[%dma_wait3A_1041, %dma_wait3A_1042, %dma_wait3A_1048] : memref<20x1x128xi32, #tpu.memory_space<vmem>> -> memref<1x1x128xi32, #tpu.memory_space<vmem>>
    %dma_wait3A_1050 = tpu.memref_squeeze %dma_wait3A_1049 : memref<1x1x128xi32, #tpu.memory_space<vmem>> -> memref<128xi32, #tpu.memory_space<vmem>>
    %dma_wait3A_1051 = arith.constant 0 : i32
    %dma_wait3A_1052 = arith.constant 0 : i32
    %dma_wait3A_1053 = tpu.memref_slice %arg2[%dma_wait3A_1051, %dma_wait3A_1052] : memref<21013x128xf32, #tpu.memory_space<hbm>> -> memref<21013x128xf32, #tpu.memory_space<hbm>>
    tpu.wait_indirect_dma semaphore(%arg7 : memref<!tpu.dma_semaphore, #tpu.memory_space<semaphore_mem>>) src(%dma_wait3A_1053 : memref<21013x128xf32, #tpu.memory_space<hbm>>) dst(%dma_wait3A_1047 : memref<128x128xf32, #tpu.memory_space<vmem>>)
    %mul3A_1054 = arith.constant 20 : i32
    %mul3A_1055 = arith.muli %add3A, %mul3A_1054 : i32
    %add3A_1056 = arith.constant 16 : i32
    %add3A_1057 = arith.addi %mul3A_1055, %add3A_1056 : i32
    %dma_start3A_1058 = arith.constant 4 : i32
    %dma_start3A_1059 = arith.constant 0 : i32
    %dma_start3A_1060 = arith.constant 0 : i32
    %dma_start3A_1061 = tpu.memref_slice %arg6[%dma_start3A_1058, %dma_start3A_1059, %dma_start3A_1060] : memref<6x128x128xf32, #tpu.memory_space<vmem>> -> memref<1x128x128xf32, #tpu.memory_space<vmem>>
    %dma_start3A_1062 = tpu.memref_squeeze %dma_start3A_1061 : memref<1x128x128xf32, #tpu.memory_space<vmem>> -> memref<128x128xf32, #tpu.memory_space<vmem>>
    %dma_start3A_1063 = arith.constant 0 : i32
    %dma_start3A_1064 = arith.constant 0 : i32
    %dma_start3A_1065 = tpu.memref_slice %arg4[%add3A_1057, %dma_start3A_1063, %dma_start3A_1064] : memref<640x128x128xf32, #tpu.memory_space<hbm>> -> memref<1x128x128xf32, #tpu.memory_space<hbm>>
    %dma_start3A_1066 = tpu.memref_squeeze %dma_start3A_1065 : memref<1x128x128xf32, #tpu.memory_space<hbm>> -> memref<128x128xf32, #tpu.memory_space<hbm>>
    %dma_start3A_1067 = arith.constant 0 : i32
    %dma_start3A_1068 = arith.constant 0 : i32
    %dma_start3A_1069 = tpu.memref_slice %arg4[%add3A_1057, %dma_start3A_1067, %dma_start3A_1068] : memref<640x128x128xf32, #tpu.memory_space<hbm>> -> memref<1x128x128xf32, #tpu.memory_space<hbm>>
    %dma_start3A_1070 = tpu.memref_squeeze %dma_start3A_1069 : memref<1x128x128xf32, #tpu.memory_space<hbm>> -> memref<128x128xf32, #tpu.memory_space<hbm>>
    %dma_start3A_1071 = arith.constant 0 : i32
    %dma_start3A_1072 = arith.constant 0 : i32
    %dma_start3A_1073 = tpu.memref_slice %arg6[%dma_start3A_1058, %dma_start3A_1071, %dma_start3A_1072] : memref<6x128x128xf32, #tpu.memory_space<vmem>> -> memref<1x128x128xf32, #tpu.memory_space<vmem>>
    %dma_start3A_1074 = tpu.memref_squeeze %dma_start3A_1073 : memref<1x128x128xf32, #tpu.memory_space<vmem>> -> memref<128x128xf32, #tpu.memory_space<vmem>>
    tpu.enqueue_dma source(%dma_start3A_1074 : memref<128x128xf32, #tpu.memory_space<vmem>>) target(%dma_start3A_1070 : memref<128x128xf32, #tpu.memory_space<hbm>>) target_semaphore(%arg8 : memref<!tpu.dma_semaphore, #tpu.memory_space<semaphore_mem>>)
    %dma_wait3A_1075 = arith.constant 17 : i32
    %dma_wait3A_1076 = arith.constant 0 : i32
    %dma_wait3A_1077 = arith.constant 5 : i32
    %dma_wait3A_1078 = arith.constant 0 : i32
    %dma_wait3A_1079 = arith.constant 0 : i32
    %dma_wait3A_1080 = tpu.memref_slice %arg6[%dma_wait3A_1077, %dma_wait3A_1078, %dma_wait3A_1079] : memref<6x128x128xf32, #tpu.memory_space<vmem>> -> memref<1x128x128xf32, #tpu.memory_space<vmem>>
    %dma_wait3A_1081 = tpu.memref_squeeze %dma_wait3A_1080 : memref<1x128x128xf32, #tpu.memory_space<vmem>> -> memref<128x128xf32, #tpu.memory_space<vmem>>
    %dma_wait3A_1082 = arith.constant 0 : i32
    %dma_wait3A_1083 = tpu.memref_slice %arg5[%dma_wait3A_1075, %dma_wait3A_1076, %dma_wait3A_1082] : memref<20x1x128xi32, #tpu.memory_space<vmem>> -> memref<1x1x128xi32, #tpu.memory_space<vmem>>
    %dma_wait3A_1084 = tpu.memref_squeeze %dma_wait3A_1083 : memref<1x1x128xi32, #tpu.memory_space<vmem>> -> memref<128xi32, #tpu.memory_space<vmem>>
    %dma_wait3A_1085 = arith.constant 0 : i32
    %dma_wait3A_1086 = arith.constant 0 : i32
    %dma_wait3A_1087 = tpu.memref_slice %arg2[%dma_wait3A_1085, %dma_wait3A_1086] : memref<21013x128xf32, #tpu.memory_space<hbm>> -> memref<21013x128xf32, #tpu.memory_space<hbm>>
    tpu.wait_indirect_dma semaphore(%arg7 : memref<!tpu.dma_semaphore, #tpu.memory_space<semaphore_mem>>) src(%dma_wait3A_1087 : memref<21013x128xf32, #tpu.memory_space<hbm>>) dst(%dma_wait3A_1081 : memref<128x128xf32, #tpu.memory_space<vmem>>)
    %mul3A_1088 = arith.constant 20 : i32
    %mul3A_1089 = arith.muli %add3A, %mul3A_1088 : i32
    %add3A_1090 = arith.constant 17 : i32
    %add3A_1091 = arith.addi %mul3A_1089, %add3A_1090 : i32
    %dma_start3A_1092 = arith.constant 5 : i32
    %dma_start3A_1093 = arith.constant 0 : i32
    %dma_start3A_1094 = arith.constant 0 : i32
    %dma_start3A_1095 = tpu.memref_slice %arg6[%dma_start3A_1092, %dma_start3A_1093, %dma_start3A_1094] : memref<6x128x128xf32, #tpu.memory_space<vmem>> -> memref<1x128x128xf32, #tpu.memory_space<vmem>>
    %dma_start3A_1096 = tpu.memref_squeeze %dma_start3A_1095 : memref<1x128x128xf32, #tpu.memory_space<vmem>> -> memref<128x128xf32, #tpu.memory_space<vmem>>
    %dma_start3A_1097 = arith.constant 0 : i32
    %dma_start3A_1098 = arith.constant 0 : i32
    %dma_start3A_1099 = tpu.memref_slice %arg4[%add3A_1091, %dma_start3A_1097, %dma_start3A_1098] : memref<640x128x128xf32, #tpu.memory_space<hbm>> -> memref<1x128x128xf32, #tpu.memory_space<hbm>>
    %dma_start3A_1100 = tpu.memref_squeeze %dma_start3A_1099 : memref<1x128x128xf32, #tpu.memory_space<hbm>> -> memref<128x128xf32, #tpu.memory_space<hbm>>
    %dma_start3A_1101 = arith.constant 0 : i32
    %dma_start3A_1102 = arith.constant 0 : i32
    %dma_start3A_1103 = tpu.memref_slice %arg4[%add3A_1091, %dma_start3A_1101, %dma_start3A_1102] : memref<640x128x128xf32, #tpu.memory_space<hbm>> -> memref<1x128x128xf32, #tpu.memory_space<hbm>>
    %dma_start3A_1104 = tpu.memref_squeeze %dma_start3A_1103 : memref<1x128x128xf32, #tpu.memory_space<hbm>> -> memref<128x128xf32, #tpu.memory_space<hbm>>
    %dma_start3A_1105 = arith.constant 0 : i32
    %dma_start3A_1106 = arith.constant 0 : i32
    %dma_start3A_1107 = tpu.memref_slice %arg6[%dma_start3A_1092, %dma_start3A_1105, %dma_start3A_1106] : memref<6x128x128xf32, #tpu.memory_space<vmem>> -> memref<1x128x128xf32, #tpu.memory_space<vmem>>
    %dma_start3A_1108 = tpu.memref_squeeze %dma_start3A_1107 : memref<1x128x128xf32, #tpu.memory_space<vmem>> -> memref<128x128xf32, #tpu.memory_space<vmem>>
    tpu.enqueue_dma source(%dma_start3A_1108 : memref<128x128xf32, #tpu.memory_space<vmem>>) target(%dma_start3A_1104 : memref<128x128xf32, #tpu.memory_space<hbm>>) target_semaphore(%arg8 : memref<!tpu.dma_semaphore, #tpu.memory_space<semaphore_mem>>)
    %dma_wait3A_1109 = arith.constant 18 : i32
    %dma_wait3A_1110 = arith.constant 0 : i32
    %dma_wait3A_1111 = arith.constant 0 : i32
    %dma_wait3A_1112 = arith.constant 0 : i32
    %dma_wait3A_1113 = arith.constant 0 : i32
    %dma_wait3A_1114 = tpu.memref_slice %arg6[%dma_wait3A_1111, %dma_wait3A_1112, %dma_wait3A_1113] : memref<6x128x128xf32, #tpu.memory_space<vmem>> -> memref<1x128x128xf32, #tpu.memory_space<vmem>>
    %dma_wait3A_1115 = tpu.memref_squeeze %dma_wait3A_1114 : memref<1x128x128xf32, #tpu.memory_space<vmem>> -> memref<128x128xf32, #tpu.memory_space<vmem>>
    %dma_wait3A_1116 = arith.constant 0 : i32
    %dma_wait3A_1117 = tpu.memref_slice %arg5[%dma_wait3A_1109, %dma_wait3A_1110, %dma_wait3A_1116] : memref<20x1x128xi32, #tpu.memory_space<vmem>> -> memref<1x1x128xi32, #tpu.memory_space<vmem>>
    %dma_wait3A_1118 = tpu.memref_squeeze %dma_wait3A_1117 : memref<1x1x128xi32, #tpu.memory_space<vmem>> -> memref<128xi32, #tpu.memory_space<vmem>>
    %dma_wait3A_1119 = arith.constant 0 : i32
    %dma_wait3A_1120 = arith.constant 0 : i32
    %dma_wait3A_1121 = tpu.memref_slice %arg2[%dma_wait3A_1119, %dma_wait3A_1120] : memref<21013x128xf32, #tpu.memory_space<hbm>> -> memref<21013x128xf32, #tpu.memory_space<hbm>>
    tpu.wait_indirect_dma semaphore(%arg7 : memref<!tpu.dma_semaphore, #tpu.memory_space<semaphore_mem>>) src(%dma_wait3A_1121 : memref<21013x128xf32, #tpu.memory_space<hbm>>) dst(%dma_wait3A_1115 : memref<128x128xf32, #tpu.memory_space<vmem>>)
    %mul3A_1122 = arith.constant 20 : i32
    %mul3A_1123 = arith.muli %add3A, %mul3A_1122 : i32
    %add3A_1124 = arith.constant 18 : i32
    %add3A_1125 = arith.addi %mul3A_1123, %add3A_1124 : i32
    %dma_start3A_1126 = arith.constant 0 : i32
    %dma_start3A_1127 = arith.constant 0 : i32
    %dma_start3A_1128 = arith.constant 0 : i32
    %dma_start3A_1129 = tpu.memref_slice %arg6[%dma_start3A_1126, %dma_start3A_1127, %dma_start3A_1128] : memref<6x128x128xf32, #tpu.memory_space<vmem>> -> memref<1x128x128xf32, #tpu.memory_space<vmem>>
    %dma_start3A_1130 = tpu.memref_squeeze %dma_start3A_1129 : memref<1x128x128xf32, #tpu.memory_space<vmem>> -> memref<128x128xf32, #tpu.memory_space<vmem>>
    %dma_start3A_1131 = arith.constant 0 : i32
    %dma_start3A_1132 = arith.constant 0 : i32
    %dma_start3A_1133 = tpu.memref_slice %arg4[%add3A_1125, %dma_start3A_1131, %dma_start3A_1132] : memref<640x128x128xf32, #tpu.memory_space<hbm>> -> memref<1x128x128xf32, #tpu.memory_space<hbm>>
    %dma_start3A_1134 = tpu.memref_squeeze %dma_start3A_1133 : memref<1x128x128xf32, #tpu.memory_space<hbm>> -> memref<128x128xf32, #tpu.memory_space<hbm>>
    %dma_start3A_1135 = arith.constant 0 : i32
    %dma_start3A_1136 = arith.constant 0 : i32
    %dma_start3A_1137 = tpu.memref_slice %arg4[%add3A_1125, %dma_start3A_1135, %dma_start3A_1136] : memref<640x128x128xf32, #tpu.memory_space<hbm>> -> memref<1x128x128xf32, #tpu.memory_space<hbm>>
    %dma_start3A_1138 = tpu.memref_squeeze %dma_start3A_1137 : memref<1x128x128xf32, #tpu.memory_space<hbm>> -> memref<128x128xf32, #tpu.memory_space<hbm>>
    %dma_start3A_1139 = arith.constant 0 : i32
    %dma_start3A_1140 = arith.constant 0 : i32
    %dma_start3A_1141 = tpu.memref_slice %arg6[%dma_start3A_1126, %dma_start3A_1139, %dma_start3A_1140] : memref<6x128x128xf32, #tpu.memory_space<vmem>> -> memref<1x128x128xf32, #tpu.memory_space<vmem>>
    %dma_start3A_1142 = tpu.memref_squeeze %dma_start3A_1141 : memref<1x128x128xf32, #tpu.memory_space<vmem>> -> memref<128x128xf32, #tpu.memory_space<vmem>>
    tpu.enqueue_dma source(%dma_start3A_1142 : memref<128x128xf32, #tpu.memory_space<vmem>>) target(%dma_start3A_1138 : memref<128x128xf32, #tpu.memory_space<hbm>>) target_semaphore(%arg8 : memref<!tpu.dma_semaphore, #tpu.memory_space<semaphore_mem>>)
    %dma_wait3A_1143 = arith.constant 19 : i32
    %dma_wait3A_1144 = arith.constant 0 : i32
    %dma_wait3A_1145 = arith.constant 1 : i32
    %dma_wait3A_1146 = arith.constant 0 : i32
    %dma_wait3A_1147 = arith.constant 0 : i32
    %dma_wait3A_1148 = tpu.memref_slice %arg6[%dma_wait3A_1145, %dma_wait3A_1146, %dma_wait3A_1147] : memref<6x128x128xf32, #tpu.memory_space<vmem>> -> memref<1x128x128xf32, #tpu.memory_space<vmem>>
    %dma_wait3A_1149 = tpu.memref_squeeze %dma_wait3A_1148 : memref<1x128x128xf32, #tpu.memory_space<vmem>> -> memref<128x128xf32, #tpu.memory_space<vmem>>
    %dma_wait3A_1150 = arith.constant 0 : i32
    %dma_wait3A_1151 = tpu.memref_slice %arg5[%dma_wait3A_1143, %dma_wait3A_1144, %dma_wait3A_1150] : memref<20x1x128xi32, #tpu.memory_space<vmem>> -> memref<1x1x128xi32, #tpu.memory_space<vmem>>
    %dma_wait3A_1152 = tpu.memref_squeeze %dma_wait3A_1151 : memref<1x1x128xi32, #tpu.memory_space<vmem>> -> memref<128xi32, #tpu.memory_space<vmem>>
    %dma_wait3A_1153 = arith.constant 0 : i32
    %dma_wait3A_1154 = arith.constant 0 : i32
    %dma_wait3A_1155 = tpu.memref_slice %arg2[%dma_wait3A_1153, %dma_wait3A_1154] : memref<21013x128xf32, #tpu.memory_space<hbm>> -> memref<21013x128xf32, #tpu.memory_space<hbm>>
    tpu.wait_indirect_dma semaphore(%arg7 : memref<!tpu.dma_semaphore, #tpu.memory_space<semaphore_mem>>) src(%dma_wait3A_1155 : memref<21013x128xf32, #tpu.memory_space<hbm>>) dst(%dma_wait3A_1149 : memref<128x128xf32, #tpu.memory_space<vmem>>)
    %mul3A_1156 = arith.constant 20 : i32
    %mul3A_1157 = arith.muli %add3A, %mul3A_1156 : i32
    %add3A_1158 = arith.constant 19 : i32
    %add3A_1159 = arith.addi %mul3A_1157, %add3A_1158 : i32
    %dma_start3A_1160 = arith.constant 1 : i32
    %dma_start3A_1161 = arith.constant 0 : i32
    %dma_start3A_1162 = arith.constant 0 : i32
    %dma_start3A_1163 = tpu.memref_slice %arg6[%dma_start3A_1160, %dma_start3A_1161, %dma_start3A_1162] : memref<6x128x128xf32, #tpu.memory_space<vmem>> -> memref<1x128x128xf32, #tpu.memory_space<vmem>>
    %dma_start3A_1164 = tpu.memref_squeeze %dma_start3A_1163 : memref<1x128x128xf32, #tpu.memory_space<vmem>> -> memref<128x128xf32, #tpu.memory_space<vmem>>
    %dma_start3A_1165 = arith.constant 0 : i32
    %dma_start3A_1166 = arith.constant 0 : i32
    %dma_start3A_1167 = tpu.memref_slice %arg4[%add3A_1159, %dma_start3A_1165, %dma_start3A_1166] : memref<640x128x128xf32, #tpu.memory_space<hbm>> -> memref<1x128x128xf32, #tpu.memory_space<hbm>>
    %dma_start3A_1168 = tpu.memref_squeeze %dma_start3A_1167 : memref<1x128x128xf32, #tpu.memory_space<hbm>> -> memref<128x128xf32, #tpu.memory_space<hbm>>
    %dma_start3A_1169 = arith.constant 0 : i32
    %dma_start3A_1170 = arith.constant 0 : i32
    %dma_start3A_1171 = tpu.memref_slice %arg4[%add3A_1159, %dma_start3A_1169, %dma_start3A_1170] : memref<640x128x128xf32, #tpu.memory_space<hbm>> -> memref<1x128x128xf32, #tpu.memory_space<hbm>>
    %dma_start3A_1172 = tpu.memref_squeeze %dma_start3A_1171 : memref<1x128x128xf32, #tpu.memory_space<hbm>> -> memref<128x128xf32, #tpu.memory_space<hbm>>
    %dma_start3A_1173 = arith.constant 0 : i32
    %dma_start3A_1174 = arith.constant 0 : i32
    %dma_start3A_1175 = tpu.memref_slice %arg6[%dma_start3A_1160, %dma_start3A_1173, %dma_start3A_1174] : memref<6x128x128xf32, #tpu.memory_space<vmem>> -> memref<1x128x128xf32, #tpu.memory_space<vmem>>
    %dma_start3A_1176 = tpu.memref_squeeze %dma_start3A_1175 : memref<1x128x128xf32, #tpu.memory_space<vmem>> -> memref<128x128xf32, #tpu.memory_space<vmem>>
    tpu.enqueue_dma source(%dma_start3A_1176 : memref<128x128xf32, #tpu.memory_space<vmem>>) target(%dma_start3A_1172 : memref<128x128xf32, #tpu.memory_space<hbm>>) target_semaphore(%arg8 : memref<!tpu.dma_semaphore, #tpu.memory_space<semaphore_mem>>)
    %dma_wait3A_1177 = arith.constant 2 : i32
    %dma_wait3A_1178 = arith.constant 0 : i32
    %dma_wait3A_1179 = arith.constant 0 : i32
    %dma_wait3A_1180 = tpu.memref_slice %arg6[%dma_wait3A_1177, %dma_wait3A_1178, %dma_wait3A_1179] : memref<6x128x128xf32, #tpu.memory_space<vmem>> -> memref<1x128x128xf32, #tpu.memory_space<vmem>>
    %dma_wait3A_1181 = tpu.memref_squeeze %dma_wait3A_1180 : memref<1x128x128xf32, #tpu.memory_space<vmem>> -> memref<128x128xf32, #tpu.memory_space<vmem>>
    %dma_wait3A_1182 = arith.constant 0 : i32
    %dma_wait3A_1183 = arith.constant 0 : i32
    %dma_wait3A_1184 = tpu.memref_slice %arg4[%add3A_929, %dma_wait3A_1182, %dma_wait3A_1183] : memref<640x128x128xf32, #tpu.memory_space<hbm>> -> memref<1x128x128xf32, #tpu.memory_space<hbm>>
    %dma_wait3A_1185 = tpu.memref_squeeze %dma_wait3A_1184 : memref<1x128x128xf32, #tpu.memory_space<hbm>> -> memref<128x128xf32, #tpu.memory_space<hbm>>
    %dma_wait3A_1186 = arith.constant 0 : i32
    %dma_wait3A_1187 = arith.constant 0 : i32
    %dma_wait3A_1188 = tpu.memref_slice %arg4[%add3A_929, %dma_wait3A_1186, %dma_wait3A_1187] : memref<640x128x128xf32, #tpu.memory_space<hbm>> -> memref<1x128x128xf32, #tpu.memory_space<hbm>>
    %dma_wait3A_1189 = tpu.memref_squeeze %dma_wait3A_1188 : memref<1x128x128xf32, #tpu.memory_space<hbm>> -> memref<128x128xf32, #tpu.memory_space<hbm>>
    %dma_wait3A_1190 = arith.constant 0 : i32
    %dma_wait3A_1191 = arith.constant 0 : i32
    %dma_wait3A_1192 = tpu.memref_slice %arg6[%dma_wait3A_1177, %dma_wait3A_1190, %dma_wait3A_1191] : memref<6x128x128xf32, #tpu.memory_space<vmem>> -> memref<1x128x128xf32, #tpu.memory_space<vmem>>
    %dma_wait3A_1193 = tpu.memref_squeeze %dma_wait3A_1192 : memref<1x128x128xf32, #tpu.memory_space<vmem>> -> memref<128x128xf32, #tpu.memory_space<vmem>>
    tpu.wait_dma2 semaphore(%arg8 : memref<!tpu.dma_semaphore, #tpu.memory_space<semaphore_mem>>) src(%dma_wait3A_1193 : memref<128x128xf32, #tpu.memory_space<vmem>>) dst(%dma_wait3A_1189 : memref<128x128xf32, #tpu.memory_space<hbm>>)
    %dma_wait3A_1194 = arith.constant 3 : i32
    %dma_wait3A_1195 = arith.constant 0 : i32
    %dma_wait3A_1196 = arith.constant 0 : i32
    %dma_wait3A_1197 = tpu.memref_slice %arg6[%dma_wait3A_1194, %dma_wait3A_1195, %dma_wait3A_1196] : memref<6x128x128xf32, #tpu.memory_space<vmem>> -> memref<1x128x128xf32, #tpu.memory_space<vmem>>
    %dma_wait3A_1198 = tpu.memref_squeeze %dma_wait3A_1197 : memref<1x128x128xf32, #tpu.memory_space<vmem>> -> memref<128x128xf32, #tpu.memory_space<vmem>>
    %dma_wait3A_1199 = arith.constant 0 : i32
    %dma_wait3A_1200 = arith.constant 0 : i32
    %dma_wait3A_1201 = tpu.memref_slice %arg4[%add3A_993, %dma_wait3A_1199, %dma_wait3A_1200] : memref<640x128x128xf32, #tpu.memory_space<hbm>> -> memref<1x128x128xf32, #tpu.memory_space<hbm>>
    %dma_wait3A_1202 = tpu.memref_squeeze %dma_wait3A_1201 : memref<1x128x128xf32, #tpu.memory_space<hbm>> -> memref<128x128xf32, #tpu.memory_space<hbm>>
    %dma_wait3A_1203 = arith.constant 0 : i32
    %dma_wait3A_1204 = arith.constant 0 : i32
    %dma_wait3A_1205 = tpu.memref_slice %arg4[%add3A_993, %dma_wait3A_1203, %dma_wait3A_1204] : memref<640x128x128xf32, #tpu.memory_space<hbm>> -> memref<1x128x128xf32, #tpu.memory_space<hbm>>
    %dma_wait3A_1206 = tpu.memref_squeeze %dma_wait3A_1205 : memref<1x128x128xf32, #tpu.memory_space<hbm>> -> memref<128x128xf32, #tpu.memory_space<hbm>>
    %dma_wait3A_1207 = arith.constant 0 : i32
    %dma_wait3A_1208 = arith.constant 0 : i32
    %dma_wait3A_1209 = tpu.memref_slice %arg6[%dma_wait3A_1194, %dma_wait3A_1207, %dma_wait3A_1208] : memref<6x128x128xf32, #tpu.memory_space<vmem>> -> memref<1x128x128xf32, #tpu.memory_space<vmem>>
    %dma_wait3A_1210 = tpu.memref_squeeze %dma_wait3A_1209 : memref<1x128x128xf32, #tpu.memory_space<vmem>> -> memref<128x128xf32, #tpu.memory_space<vmem>>
    tpu.wait_dma2 semaphore(%arg8 : memref<!tpu.dma_semaphore, #tpu.memory_space<semaphore_mem>>) src(%dma_wait3A_1210 : memref<128x128xf32, #tpu.memory_space<vmem>>) dst(%dma_wait3A_1206 : memref<128x128xf32, #tpu.memory_space<hbm>>)
    %dma_wait3A_1211 = arith.constant 4 : i32
    %dma_wait3A_1212 = arith.constant 0 : i32
    %dma_wait3A_1213 = arith.constant 0 : i32
    %dma_wait3A_1214 = tpu.memref_slice %arg6[%dma_wait3A_1211, %dma_wait3A_1212, %dma_wait3A_1213] : memref<6x128x128xf32, #tpu.memory_space<vmem>> -> memref<1x128x128xf32, #tpu.memory_space<vmem>>
    %dma_wait3A_1215 = tpu.memref_squeeze %dma_wait3A_1214 : memref<1x128x128xf32, #tpu.memory_space<vmem>> -> memref<128x128xf32, #tpu.memory_space<vmem>>
    %dma_wait3A_1216 = arith.constant 0 : i32
    %dma_wait3A_1217 = arith.constant 0 : i32
    %dma_wait3A_1218 = tpu.memref_slice %arg4[%add3A_1057, %dma_wait3A_1216, %dma_wait3A_1217] : memref<640x128x128xf32, #tpu.memory_space<hbm>> -> memref<1x128x128xf32, #tpu.memory_space<hbm>>
    %dma_wait3A_1219 = tpu.memref_squeeze %dma_wait3A_1218 : memref<1x128x128xf32, #tpu.memory_space<hbm>> -> memref<128x128xf32, #tpu.memory_space<hbm>>
    %dma_wait3A_1220 = arith.constant 0 : i32
    %dma_wait3A_1221 = arith.constant 0 : i32
    %dma_wait3A_1222 = tpu.memref_slice %arg4[%add3A_1057, %dma_wait3A_1220, %dma_wait3A_1221] : memref<640x128x128xf32, #tpu.memory_space<hbm>> -> memref<1x128x128xf32, #tpu.memory_space<hbm>>
    %dma_wait3A_1223 = tpu.memref_squeeze %dma_wait3A_1222 : memref<1x128x128xf32, #tpu.memory_space<hbm>> -> memref<128x128xf32, #tpu.memory_space<hbm>>
    %dma_wait3A_1224 = arith.constant 0 : i32
    %dma_wait3A_1225 = arith.constant 0 : i32
    %dma_wait3A_1226 = tpu.memref_slice %arg6[%dma_wait3A_1211, %dma_wait3A_1224, %dma_wait3A_1225] : memref<6x128x128xf32, #tpu.memory_space<vmem>> -> memref<1x128x128xf32, #tpu.memory_space<vmem>>
    %dma_wait3A_1227 = tpu.memref_squeeze %dma_wait3A_1226 : memref<1x128x128xf32, #tpu.memory_space<vmem>> -> memref<128x128xf32, #tpu.memory_space<vmem>>
    tpu.wait_dma2 semaphore(%arg8 : memref<!tpu.dma_semaphore, #tpu.memory_space<semaphore_mem>>) src(%dma_wait3A_1227 : memref<128x128xf32, #tpu.memory_space<vmem>>) dst(%dma_wait3A_1223 : memref<128x128xf32, #tpu.memory_space<hbm>>)
    %dma_wait3A_1228 = arith.constant 5 : i32
    %dma_wait3A_1229 = arith.constant 0 : i32
    %dma_wait3A_1230 = arith.constant 0 : i32
    %dma_wait3A_1231 = tpu.memref_slice %arg6[%dma_wait3A_1228, %dma_wait3A_1229, %dma_wait3A_1230] : memref<6x128x128xf32, #tpu.memory_space<vmem>> -> memref<1x128x128xf32, #tpu.memory_space<vmem>>
    %dma_wait3A_1232 = tpu.memref_squeeze %dma_wait3A_1231 : memref<1x128x128xf32, #tpu.memory_space<vmem>> -> memref<128x128xf32, #tpu.memory_space<vmem>>
    %dma_wait3A_1233 = arith.constant 0 : i32
    %dma_wait3A_1234 = arith.constant 0 : i32
    %dma_wait3A_1235 = tpu.memref_slice %arg4[%add3A_1091, %dma_wait3A_1233, %dma_wait3A_1234] : memref<640x128x128xf32, #tpu.memory_space<hbm>> -> memref<1x128x128xf32, #tpu.memory_space<hbm>>
    %dma_wait3A_1236 = tpu.memref_squeeze %dma_wait3A_1235 : memref<1x128x128xf32, #tpu.memory_space<hbm>> -> memref<128x128xf32, #tpu.memory_space<hbm>>
    %dma_wait3A_1237 = arith.constant 0 : i32
    %dma_wait3A_1238 = arith.constant 0 : i32
    %dma_wait3A_1239 = tpu.memref_slice %arg4[%add3A_1091, %dma_wait3A_1237, %dma_wait3A_1238] : memref<640x128x128xf32, #tpu.memory_space<hbm>> -> memref<1x128x128xf32, #tpu.memory_space<hbm>>
    %dma_wait3A_1240 = tpu.memref_squeeze %dma_wait3A_1239 : memref<1x128x128xf32, #tpu.memory_space<hbm>> -> memref<128x128xf32, #tpu.memory_space<hbm>>
    %dma_wait3A_1241 = arith.constant 0 : i32
    %dma_wait3A_1242 = arith.constant 0 : i32
    %dma_wait3A_1243 = tpu.memref_slice %arg6[%dma_wait3A_1228, %dma_wait3A_1241, %dma_wait3A_1242] : memref<6x128x128xf32, #tpu.memory_space<vmem>> -> memref<1x128x128xf32, #tpu.memory_space<vmem>>
    %dma_wait3A_1244 = tpu.memref_squeeze %dma_wait3A_1243 : memref<1x128x128xf32, #tpu.memory_space<vmem>> -> memref<128x128xf32, #tpu.memory_space<vmem>>
    tpu.wait_dma2 semaphore(%arg8 : memref<!tpu.dma_semaphore, #tpu.memory_space<semaphore_mem>>) src(%dma_wait3A_1244 : memref<128x128xf32, #tpu.memory_space<vmem>>) dst(%dma_wait3A_1240 : memref<128x128xf32, #tpu.memory_space<hbm>>)
    %dma_wait3A_1245 = arith.constant 0 : i32
    %dma_wait3A_1246 = arith.constant 0 : i32
    %dma_wait3A_1247 = arith.constant 0 : i32
    %dma_wait3A_1248 = tpu.memref_slice %arg6[%dma_wait3A_1245, %dma_wait3A_1246, %dma_wait3A_1247] : memref<6x128x128xf32, #tpu.memory_space<vmem>> -> memref<1x128x128xf32, #tpu.memory_space<vmem>>
    %dma_wait3A_1249 = tpu.memref_squeeze %dma_wait3A_1248 : memref<1x128x128xf32, #tpu.memory_space<vmem>> -> memref<128x128xf32, #tpu.memory_space<vmem>>
    %dma_wait3A_1250 = arith.constant 0 : i32
    %dma_wait3A_1251 = arith.constant 0 : i32
    %dma_wait3A_1252 = tpu.memref_slice %arg4[%add3A_1125, %dma_wait3A_1250, %dma_wait3A_1251] : memref<640x128x128xf32, #tpu.memory_space<hbm>> -> memref<1x128x128xf32, #tpu.memory_space<hbm>>
    %dma_wait3A_1253 = tpu.memref_squeeze %dma_wait3A_1252 : memref<1x128x128xf32, #tpu.memory_space<hbm>> -> memref<128x128xf32, #tpu.memory_space<hbm>>
    %dma_wait3A_1254 = arith.constant 0 : i32
    %dma_wait3A_1255 = arith.constant 0 : i32
    %dma_wait3A_1256 = tpu.memref_slice %arg4[%add3A_1125, %dma_wait3A_1254, %dma_wait3A_1255] : memref<640x128x128xf32, #tpu.memory_space<hbm>> -> memref<1x128x128xf32, #tpu.memory_space<hbm>>
    %dma_wait3A_1257 = tpu.memref_squeeze %dma_wait3A_1256 : memref<1x128x128xf32, #tpu.memory_space<hbm>> -> memref<128x128xf32, #tpu.memory_space<hbm>>
    %dma_wait3A_1258 = arith.constant 0 : i32
    %dma_wait3A_1259 = arith.constant 0 : i32
    %dma_wait3A_1260 = tpu.memref_slice %arg6[%dma_wait3A_1245, %dma_wait3A_1258, %dma_wait3A_1259] : memref<6x128x128xf32, #tpu.memory_space<vmem>> -> memref<1x128x128xf32, #tpu.memory_space<vmem>>
    %dma_wait3A_1261 = tpu.memref_squeeze %dma_wait3A_1260 : memref<1x128x128xf32, #tpu.memory_space<vmem>> -> memref<128x128xf32, #tpu.memory_space<vmem>>
    tpu.wait_dma2 semaphore(%arg8 : memref<!tpu.dma_semaphore, #tpu.memory_space<semaphore_mem>>) src(%dma_wait3A_1261 : memref<128x128xf32, #tpu.memory_space<vmem>>) dst(%dma_wait3A_1257 : memref<128x128xf32, #tpu.memory_space<hbm>>)
    %dma_wait3A_1262 = arith.constant 1 : i32
    %dma_wait3A_1263 = arith.constant 0 : i32
    %dma_wait3A_1264 = arith.constant 0 : i32
    %dma_wait3A_1265 = tpu.memref_slice %arg6[%dma_wait3A_1262, %dma_wait3A_1263, %dma_wait3A_1264] : memref<6x128x128xf32, #tpu.memory_space<vmem>> -> memref<1x128x128xf32, #tpu.memory_space<vmem>>
    %dma_wait3A_1266 = tpu.memref_squeeze %dma_wait3A_1265 : memref<1x128x128xf32, #tpu.memory_space<vmem>> -> memref<128x128xf32, #tpu.memory_space<vmem>>
    %dma_wait3A_1267 = arith.constant 0 : i32
    %dma_wait3A_1268 = arith.constant 0 : i32
    %dma_wait3A_1269 = tpu.memref_slice %arg4[%add3A_1159, %dma_wait3A_1267, %dma_wait3A_1268] : memref<640x128x128xf32, #tpu.memory_space<hbm>> -> memref<1x128x128xf32, #tpu.memory_space<hbm>>
    %dma_wait3A_1270 = tpu.memref_squeeze %dma_wait3A_1269 : memref<1x128x128xf32, #tpu.memory_space<hbm>> -> memref<128x128xf32, #tpu.memory_space<hbm>>
    %dma_wait3A_1271 = arith.constant 0 : i32
    %dma_wait3A_1272 = arith.constant 0 : i32
    %dma_wait3A_1273 = tpu.memref_slice %arg4[%add3A_1159, %dma_wait3A_1271, %dma_wait3A_1272] : memref<640x128x128xf32, #tpu.memory_space<hbm>> -> memref<1x128x128xf32, #tpu.memory_space<hbm>>
    %dma_wait3A_1274 = tpu.memref_squeeze %dma_wait3A_1273 : memref<1x128x128xf32, #tpu.memory_space<hbm>> -> memref<128x128xf32, #tpu.memory_space<hbm>>
    %dma_wait3A_1275 = arith.constant 0 : i32
    %dma_wait3A_1276 = arith.constant 0 : i32
    %dma_wait3A_1277 = tpu.memref_slice %arg6[%dma_wait3A_1262, %dma_wait3A_1275, %dma_wait3A_1276] : memref<6x128x128xf32, #tpu.memory_space<vmem>> -> memref<1x128x128xf32, #tpu.memory_space<vmem>>
    %dma_wait3A_1278 = tpu.memref_squeeze %dma_wait3A_1277 : memref<1x128x128xf32, #tpu.memory_space<vmem>> -> memref<128x128xf32, #tpu.memory_space<vmem>>
    tpu.wait_dma2 semaphore(%arg8 : memref<!tpu.dma_semaphore, #tpu.memory_space<semaphore_mem>>) src(%dma_wait3A_1278 : memref<128x128xf32, #tpu.memory_space<vmem>>) dst(%dma_wait3A_1274 : memref<128x128xf32, #tpu.memory_space<hbm>>)
    return
  }
}

module attributes {stable_mosaic.version = 14 : i64} {
  func.func @_mlp_kernel(%arg0: i32, %arg1: memref<5x4096x128xf32, #tpu.memory_space<vmem>>, %arg2: memref<5x128x100xf32, #tpu.memory_space<vmem>>, %arg3: memref<1x100xf32, #tpu.memory_space<vmem>>, %arg4: memref<100x5xf32, #tpu.memory_space<vmem>>, %arg5: memref<1x5xf32, #tpu.memory_space<vmem>>, %arg6: memref<4096x5xf32, #tpu.memory_space<vmem>>) attributes {dimension_semantics = [#tpu.dimension_semantics<arbitrary>], iteration_bounds = array<i64: 4>, scalar_prefetch = 0 : i64, scratch_operands = 0 : i64, tpu.core_type = #tpu.core_type<tc>, window_params = [{transform_indices = @transform_0, window_bounds = array<i64: 5, 4096, 128>}, {pipeline_mode = #tpu.pipeline_mode<synchronous>, transform_indices = @transform_1, window_bounds = array<i64: 5, 128, 100>}, {pipeline_mode = #tpu.pipeline_mode<synchronous>, transform_indices = @transform_2, window_bounds = array<i64: 1, 100>}, {pipeline_mode = #tpu.pipeline_mode<synchronous>, transform_indices = @transform_3, window_bounds = array<i64: 100, 5>}, {pipeline_mode = #tpu.pipeline_mode<synchronous>, transform_indices = @transform_4, window_bounds = array<i64: 1, 5>}, {transform_indices = @transform_5, window_bounds = array<i64: 4096, 5>}]} {
    %get3A = arith.constant 0 : index
    %get3A_0 = arith.constant 0 : index
    %get3A_1 = arith.constant 0 : index
    %get3A_2 = vector.load %arg1[%get3A, %get3A_0, %get3A_1] : memref<5x4096x128xf32, #tpu.memory_space<vmem>>, vector<1x4096x128xf32>
    %get3A_3 = vector.shape_cast %get3A_2 : vector<1x4096x128xf32> to vector<4096x128xf32>
    %get3A_4 = arith.constant 0 : index
    %get3A_5 = arith.constant 0 : index
    %get3A_6 = arith.constant 0 : index
    %get3A_7 = vector.load %arg2[%get3A_4, %get3A_5, %get3A_6] : memref<5x128x100xf32, #tpu.memory_space<vmem>>, vector<1x128x100xf32>
    %get3A_8 = vector.shape_cast %get3A_7 : vector<1x128x100xf32> to vector<128x100xf32>
    %dot_general3A = arith.constant dense<0.000000e+00> : vector<4096x100xf32>
    %dot_general3A_9 = tpu.matmul %get3A_3, %get3A_8, %dot_general3A {dimension_numbers = #tpu.dot_dimension_numbers<[1], [0], [0], [1], [0, 0, 1, 1], [], []>, transpose_lhs_hint = false} : vector<4096x128xf32>, vector<128x100xf32>, vector<4096x100xf32> -> vector<4096x100xf32>
    %get3A_10 = arith.constant 1 : index
    %get3A_11 = arith.constant 0 : index
    %get3A_12 = arith.constant 0 : index
    %get3A_13 = vector.load %arg1[%get3A_10, %get3A_11, %get3A_12] : memref<5x4096x128xf32, #tpu.memory_space<vmem>>, vector<1x4096x128xf32>
    %get3A_14 = vector.shape_cast %get3A_13 : vector<1x4096x128xf32> to vector<4096x128xf32>
    %get3A_15 = arith.constant 1 : index
    %get3A_16 = arith.constant 0 : index
    %get3A_17 = arith.constant 0 : index
    %get3A_18 = vector.load %arg2[%get3A_15, %get3A_16, %get3A_17] : memref<5x128x100xf32, #tpu.memory_space<vmem>>, vector<1x128x100xf32>
    %get3A_19 = vector.shape_cast %get3A_18 : vector<1x128x100xf32> to vector<128x100xf32>
    %dot_general3A_20 = arith.constant dense<0.000000e+00> : vector<4096x100xf32>
    %dot_general3A_21 = tpu.matmul %get3A_14, %get3A_19, %dot_general3A_20 {dimension_numbers = #tpu.dot_dimension_numbers<[1], [0], [0], [1], [0, 0, 1, 1], [], []>, transpose_lhs_hint = false} : vector<4096x128xf32>, vector<128x100xf32>, vector<4096x100xf32> -> vector<4096x100xf32>
    %add3A = arith.addf %dot_general3A_9, %dot_general3A_21 : vector<4096x100xf32>
    %get3A_22 = arith.constant 2 : index
    %get3A_23 = arith.constant 0 : index
    %get3A_24 = arith.constant 0 : index
    %get3A_25 = vector.load %arg1[%get3A_22, %get3A_23, %get3A_24] : memref<5x4096x128xf32, #tpu.memory_space<vmem>>, vector<1x4096x128xf32>
    %get3A_26 = vector.shape_cast %get3A_25 : vector<1x4096x128xf32> to vector<4096x128xf32>
    %get3A_27 = arith.constant 2 : index
    %get3A_28 = arith.constant 0 : index
    %get3A_29 = arith.constant 0 : index
    %get3A_30 = vector.load %arg2[%get3A_27, %get3A_28, %get3A_29] : memref<5x128x100xf32, #tpu.memory_space<vmem>>, vector<1x128x100xf32>
    %get3A_31 = vector.shape_cast %get3A_30 : vector<1x128x100xf32> to vector<128x100xf32>
    %dot_general3A_32 = arith.constant dense<0.000000e+00> : vector<4096x100xf32>
    %dot_general3A_33 = tpu.matmul %get3A_26, %get3A_31, %dot_general3A_32 {dimension_numbers = #tpu.dot_dimension_numbers<[1], [0], [0], [1], [0, 0, 1, 1], [], []>, transpose_lhs_hint = false} : vector<4096x128xf32>, vector<128x100xf32>, vector<4096x100xf32> -> vector<4096x100xf32>
    %add3A_34 = arith.addf %add3A, %dot_general3A_33 : vector<4096x100xf32>
    %get3A_35 = arith.constant 3 : index
    %get3A_36 = arith.constant 0 : index
    %get3A_37 = arith.constant 0 : index
    %get3A_38 = vector.load %arg1[%get3A_35, %get3A_36, %get3A_37] : memref<5x4096x128xf32, #tpu.memory_space<vmem>>, vector<1x4096x128xf32>
    %get3A_39 = vector.shape_cast %get3A_38 : vector<1x4096x128xf32> to vector<4096x128xf32>
    %get3A_40 = arith.constant 3 : index
    %get3A_41 = arith.constant 0 : index
    %get3A_42 = arith.constant 0 : index
    %get3A_43 = vector.load %arg2[%get3A_40, %get3A_41, %get3A_42] : memref<5x128x100xf32, #tpu.memory_space<vmem>>, vector<1x128x100xf32>
    %get3A_44 = vector.shape_cast %get3A_43 : vector<1x128x100xf32> to vector<128x100xf32>
    %dot_general3A_45 = arith.constant dense<0.000000e+00> : vector<4096x100xf32>
    %dot_general3A_46 = tpu.matmul %get3A_39, %get3A_44, %dot_general3A_45 {dimension_numbers = #tpu.dot_dimension_numbers<[1], [0], [0], [1], [0, 0, 1, 1], [], []>, transpose_lhs_hint = false} : vector<4096x128xf32>, vector<128x100xf32>, vector<4096x100xf32> -> vector<4096x100xf32>
    %add3A_47 = arith.addf %add3A_34, %dot_general3A_46 : vector<4096x100xf32>
    %get3A_48 = arith.constant 4 : index
    %get3A_49 = arith.constant 0 : index
    %get3A_50 = arith.constant 0 : index
    %get3A_51 = vector.load %arg1[%get3A_48, %get3A_49, %get3A_50] : memref<5x4096x128xf32, #tpu.memory_space<vmem>>, vector<1x4096x128xf32>
    %get3A_52 = vector.shape_cast %get3A_51 : vector<1x4096x128xf32> to vector<4096x128xf32>
    %get3A_53 = arith.constant 4 : index
    %get3A_54 = arith.constant 0 : index
    %get3A_55 = arith.constant 0 : index
    %get3A_56 = vector.load %arg2[%get3A_53, %get3A_54, %get3A_55] : memref<5x128x100xf32, #tpu.memory_space<vmem>>, vector<1x128x100xf32>
    %get3A_57 = vector.shape_cast %get3A_56 : vector<1x128x100xf32> to vector<128x100xf32>
    %dot_general3A_58 = arith.constant dense<0.000000e+00> : vector<4096x100xf32>
    %dot_general3A_59 = tpu.matmul %get3A_52, %get3A_57, %dot_general3A_58 {dimension_numbers = #tpu.dot_dimension_numbers<[1], [0], [0], [1], [0, 0, 1, 1], [], []>, transpose_lhs_hint = false} : vector<4096x128xf32>, vector<128x100xf32>, vector<4096x100xf32> -> vector<4096x100xf32>
    %add3A_60 = arith.addf %add3A_47, %dot_general3A_59 : vector<4096x100xf32>
    %get3A_61 = arith.constant 0 : index
    %get3A_62 = arith.constant 0 : index
    %get3A_63 = vector.load %arg3[%get3A_61, %get3A_62] : memref<1x100xf32, #tpu.memory_space<vmem>>, vector<1x100xf32>
    %add3A_64 = vector.broadcast %get3A_63 : vector<1x100xf32> to vector<4096x100xf32>
    %add3A_65 = arith.addf %add3A_60, %add3A_64 : vector<4096x100xf32>
    %tanh3A = math.tanh %add3A_65 : vector<4096x100xf32>
    %get3A_66 = arith.constant 0 : index
    %get3A_67 = arith.constant 0 : index
    %get3A_68 = vector.load %arg4[%get3A_66, %get3A_67] : memref<100x5xf32, #tpu.memory_space<vmem>>, vector<100x5xf32>
    %dot_general3A_69 = arith.constant dense<0.000000e+00> : vector<4096x5xf32>
    %dot_general3A_70 = tpu.matmul %tanh3A, %get3A_68, %dot_general3A_69 {dimension_numbers = #tpu.dot_dimension_numbers<[1], [0], [0], [1], [0, 0, 1, 1], [], []>, transpose_lhs_hint = false} : vector<4096x100xf32>, vector<100x5xf32>, vector<4096x5xf32> -> vector<4096x5xf32>
    %get3A_71 = arith.constant 0 : index
    %get3A_72 = arith.constant 0 : index
    %get3A_73 = vector.load %arg5[%get3A_71, %get3A_72] : memref<1x5xf32, #tpu.memory_space<vmem>>, vector<1x5xf32>
    %add3A_74 = vector.broadcast %get3A_73 : vector<1x5xf32> to vector<4096x5xf32>
    %add3A_75 = arith.addf %dot_general3A_70, %add3A_74 : vector<4096x5xf32>
    %swap3A = arith.constant 0 : index
    %swap3A_76 = arith.constant 0 : index
    %swap3A_77 = vector.load %arg6[%swap3A, %swap3A_76] : memref<4096x5xf32, #tpu.memory_space<vmem>>, vector<4096x5xf32>
    tpu.vector_store %arg6[%swap3A, %swap3A_76], %add3A_75 {strides = array<i32>} : memref<4096x5xf32, #tpu.memory_space<vmem>>, vector<4096x5xf32>,
    return
  }
  func.func @transform_0(%arg0: i32) -> (i32, i32, i32) {
    %c0_i32 = arith.constant 0 : i32
    %c0_i32_0 = arith.constant 0 : i32
    %c0_i32_1 = arith.constant 0 : i32
    return %c0_i32, %arg0, %c0_i32_0 : i32, i32, i32
  }
  func.func @transform_1(%arg0: i32) -> (i32, i32, i32) {
    %c0_i32 = arith.constant 0 : i32
    %c0_i32_0 = arith.constant 0 : i32
    %c0_i32_1 = arith.constant 0 : i32
    %c0_i32_2 = arith.constant 0 : i32
    return %c0_i32, %c0_i32_0, %c0_i32_1 : i32, i32, i32
  }
  func.func @transform_2(%arg0: i32) -> (i32, i32) {
    %c0_i32 = arith.constant 0 : i32
    %c0_i32_0 = arith.constant 0 : i32
    %c0_i32_1 = arith.constant 0 : i32
    return %c0_i32, %c0_i32_0 : i32, i32
  }
  func.func @transform_3(%arg0: i32) -> (i32, i32) {
    %c0_i32 = arith.constant 0 : i32
    %c0_i32_0 = arith.constant 0 : i32
    %c0_i32_1 = arith.constant 0 : i32
    return %c0_i32, %c0_i32_0 : i32, i32
  }
  func.func @transform_4(%arg0: i32) -> (i32, i32) {
    %c0_i32 = arith.constant 0 : i32
    %c0_i32_0 = arith.constant 0 : i32
    %c0_i32_1 = arith.constant 0 : i32
    return %c0_i32, %c0_i32_0 : i32, i32
  }
  func.func @transform_5(%arg0: i32) -> (i32, i32) {
    %c0_i32 = arith.constant 0 : i32
    %c0_i32_0 = arith.constant 0 : i32
    return %arg0, %c0_i32 : i32, i32
  }
}

</mosaic_0001>

<sc_bundles>
// kernel: kernel.4.cloned.1.call-start
scs
__scs_entry_jumppad:
0x0: {  	(pc) =	sbr.rel $0x88, $3  }
0x1: {  	(tag) =	ssettag $0x0;
	lr =	simm.s32 $0x1  }
0x2: {  	[smem:$0x3F9B] =	sst lr;
	_ =	strace $0xD0000000  }
0x3: {  	_ = 	snop  }
0x4: {  	_ = 	snop  }
0x5: {  	_ = 	snop  }
0x6: {  	_ = 	snop  }
0x7: {  	_ = 	snop  }
__scs_overlays_trampoline_lowered:
0x8: {  	[smem:$0x3FAA] =	sst s0  }
0x9: {  	[smem:$0x3FAB] =	sst s1  }
0xa: {  	[smem:$0x3FAC] =	sst s2  }
0xb: {  	[smem:$0x3FAD] =	sst s3  }
0xc: {  	[smem:$0x3FAE] =	sst s4  }
0xd: {  	[smem:$0x3FAF] =	sst s5  }
0xe: {  	[smem:$0x3FB0] =	sst s6  }
0xf: {  	[smem:$0x3FB1] =	sst s7  }
0x10: {  	[smem:$0x3FB2] =	sst s8  }
0x11: {  	[smem:$0x3FB3] =	sst s9;
	s0 =	simm.s32 @!p0 $0x0  }
0x12: {  	s1 =	sld [smem:$0x3F99];
	s0 =	simm.s32 @p0 $0x1  }
0x13: {  	[smem:$0x3FB4] =	sst s0;
	s0 =	simm.s32 @!p1 $0x0  }
0x14: {  	s2 =	sld [smem:$0x3F98];
	s0 =	simm.s32 @p1 $0x1  }
0x15: {  	[smem:$0x3FB5] =	sst s0;
	s0 =	simm.s32 @!p2 $0x0  }
0x16: {  	s3 =	sld [smem:$0x3FDB];
	s0 =	simm.s32 @p2 $0x1  }
0x17: {  	s4 =	simm.s32 $0x1BF5;
	[smem:$0x3FB7] =	sst s0  }
0x18: {  	s0 =	sld [smem:$0x3F9A];
	_ =	swait.ge [sflag:s4], $0x0  }
0x19: {  	s7 =	sld [smem:$0x3F9B]  }
0x1a: {  	s8 =	sadd.s32 $0xFFFFE003, lr  }
0x1b: {  	s9 =	sadd.s32 $0xFFFFFEF7, lr;
	s5 =	simm.s32 $0xFFFFFFFF;
	p2 =	slt.u32 s8, $0xFFFFF086  }
0x1c: {  	p1 =	slt.u32 s9, $0xF7A;
	s5 =	simm.s32 @!p2 $0x0  }
0x1d: {  	s5 =	simm.s32 @p1 $0x1;
	p0 =	seq.s32 s7, s2  }
0x1e: {  	s7 =	smul.u32 @!p0 $0xF7A, s2;
	p2 =	seq.s32 @!p0 s5, $0x0  }
0x1f: {  	s9 =	smul.u32 $0xF7A, s1;
	s8 =	simm.s32 @!p0 $0x1BF5;
	p2 =	por !p2, p0  }
0x20: {  	[sflag:s8] =	ssyncset.s32 @!p0 $0xFFFFF086;
	s6 =	sadd.s32 @!p0 s3, s7;
	s7 =	simm.s32 @!p0 $0x108  }
0x21: {  	s3 =	sadd.s32 s3, s9;
	s6 =	sadd.s32 @!p0 $0x88, s6;
	s7 =	simm.s32 @p2 $0x1082  }
0x22: {  	[simem:s7], [sflag:s8] =	dma.local @!p0 [hbm:s6], $0xF7A  }
0x23: {  	s9 =	sor.u32 $0xD0000000, s2;
	s6 =	simm.s32 $0x108;
	_ =	swait.ge @!p0 [sflag:s8], $0x0  }
0x24: {  	s3 =	sadd.s32 $0x88, s3;
	s6 =	simm.s32 @!p1 $0x1082;
	[sflag:s4] =	ssyncset.s32 $0xFFFFF086  }
0x25: {  	[simem:s6], [sflag:s4] =	dma.local [hbm:s3], $0xF7A  }
0x26: {  	[smem:$0x3F9B] =	sst s1;
	(tag) =	ssettag s2;
	_ =	strace s9  }
0x27: {  	s1 =	sld [smem:$0x3FAB]  }
0x28: {  	s2 =	sld [smem:$0x3FAC]  }
0x29: {  	s4 =	sld [smem:$0x3FAE]  }
0x2a: {  	p0 =	seq.s32 s5, $0x0;
	s5 =	sld [smem:$0x3FAF]  }
0x2b: {  	s6 =	sld [smem:$0x3FB0]  }
0x2c: {  	s7 =	sld [smem:$0x3FB1]  }
0x2d: {  	s3 =	simm.s32 $0x108;
	s8 =	sld [smem:$0x3FB2]  }
0x2e: {  	s3 =	simm.s32 @!p0 $0x1082;
	s9 =	sld [smem:$0x3FB3]  }
0x2f: {  	lr =	sadd.s32 s0, s3;
	s0 =	sld [smem:$0x3FAA]  }
0x30: {  	s3 =	sld [smem:$0x3FAD]  }
0x31: {  	[smem:$0x3FB6] =	sst s10  }
0x32: {  	s10 =	sld [smem:$0x3FB4];
	_ =	sdelay $0x3  }
0x33: {  	p0 =	seq.s32 s10, $0x1;
	s10 =	sld [smem:$0x3FB6];
	_ =	sdelay $0x3  }
0x34: {  	[smem:$0x3FB6] =	sst s10  }
0x35: {  	s10 =	sld [smem:$0x3FB5];
	_ =	sdelay $0x3  }
0x36: {  	p1 =	seq.s32 s10, $0x1;
	s10 =	sld [smem:$0x3FB6];
	_ =	sdelay $0x3  }
0x37: {  	[smem:$0x3FB6] =	sst s10  }
0x38: {  	s10 =	sld [smem:$0x3FB7]  }
0x39: {  	_ = 	snop;
	(pc) =	sbr.ind lr, $3  }
0x3a: {  	_ = 	snop  }
0x3b: {  	_ = 	snop  }
0x3c: {  	p2 =	seq.s32 s10, $0x1;
	s10 =	sld [smem:$0x3FB6]  }
0x3d: {  	_ =	shalt  }
0x3e: {  	_ =	shalt  }
0x3f: {  	_ =	shalt  }
0x40: {  	_ =	shalt  }
0x41: {  	_ =	shalt  }
0x42: {  	_ =	shalt  }
0x43: {  	_ =	shalt  }
0x44: {  	_ =	shalt  }
0x45: {  	_ =	shalt  }
0x46: {  	_ =	shalt  }
0x47: {  	_ =	shalt  }
0x48: {  	_ =	shalt  }
0x49: {  	_ =	shalt  }
0x4a: {  	_ =	shalt  }
0x4b: {  	_ =	shalt  }
0x4c: {  	_ =	shalt  }
0x4d: {  	_ =	shalt  }
0x4e: {  	_ =	shalt  }
0x4f: {  	_ =	shalt  }
0x50: {  	_ =	shalt  }
0x51: {  	_ =	shalt  }
0x52: {  	_ =	shalt  }
0x53: {  	_ =	shalt  }
0x54: {  	_ =	shalt  }
0x55: {  	_ =	shalt  }
0x56: {  	_ =	shalt  }
0x57: {  	_ =	shalt  }
0x58: {  	_ =	shalt  }
0x59: {  	_ =	shalt  }
0x5a: {  	_ =	shalt  }
0x5b: {  	_ =	shalt  }
0x5c: {  	_ =	shalt  }
0x5d: {  	_ =	shalt  }
0x5e: {  	_ =	shalt  }
0x5f: {  	_ =	shalt  }
0x60: {  	_ =	shalt  }
0x61: {  	_ =	shalt  }
0x62: {  	_ =	shalt  }
0x63: {  	_ =	shalt  }
0x64: {  	_ =	shalt  }
0x65: {  	_ =	shalt  }
0x66: {  	_ =	shalt  }
0x67: {  	_ =	shalt  }
0x68: {  	_ =	shalt  }
0x69: {  	_ =	shalt  }
0x6a: {  	_ =	shalt  }
0x6b: {  	_ =	shalt  }
0x6c: {  	_ =	shalt  }
0x6d: {  	_ =	shalt  }
0x6e: {  	_ =	shalt  }
0x6f: {  	_ =	shalt  }
0x70: {  	_ =	shalt  }
0x71: {  	_ =	shalt  }
0x72: {  	_ =	shalt  }
0x73: {  	_ =	shalt  }
0x74: {  	_ =	shalt  }
0x75: {  	_ =	shalt  }
0x76: {  	_ =	shalt  }
0x77: {  	_ =	shalt  }
0x78: {  	_ =	shalt  }
0x79: {  	_ =	shalt  }
0x7a: {  	_ =	shalt  }
0x7b: {  	_ =	shalt  }
0x7c: {  	_ =	shalt  }
0x7d: {  	_ =	shalt  }
0x7e: {  	_ =	shalt  }
0x7f: {  	_ =	shalt  }
0x80: {  	_ =	shalt  }
0x81: {  	_ =	shalt  }
0x82: {  	_ =	shalt  }
0x83: {  	_ =	shalt  }
0x84: {  	_ =	shalt  }
0x85: {  	_ =	shalt  }
0x86: {  	_ =	shalt  }
0x87: {  	_ =	shalt  }
.Lfunc_end0:
.L_simem_size_0:
called_computation_lowered:
.L_overlay_start_0:
0x88: {  	s2 =	sld [smem:$0x3FD9]  }
0x89: {  	s3 =	sld [smem:$0x3FFE];
	_ =	sdelay $0x1  }
0x8a: {  	s1 =	srdreg.scid  }
0x8b: {  	s0 =	sand.u32 $0x1, s1  }
0x8c: {  	s17 =	sshll.u32 s0, $0xA;
	s2 =	sadd.s32 s3, s2  }
0x8d: {  	s2 =	sadd.s32 s2, s17  }
0x8e: {  	[smem:$0x3FC2] =	sst s2  }
0x8f: {  	_ = 	snop  }
0x90: {  	s2 =	sld [smem:$0x3FD0];
	(tm) =	ssettm $0x1  }
0x91: {  	s18 =	sld [smem:$0x3FFB];
	_ =	sdelay $0x3  }
0x92: {  	_ =	strace s18  }
0x93: {  	s3 =	sld [smem:$0x3FFC];
	_ =	sdelay $0x3  }
0x94: {  	_ =	strace s3  }
0x95: {  	s3 =	sld [smem:$0x3FFD];
	_ =	sdelay $0x3  }
0x96: {  	_ =	strace s3  }
0x97: {  	_ =	strace $0x8FFFFFFF  }
0x98: {  	s19 =	sld [smem:$0x3FDB];
	_ =	sdelay $0x1  }
0x99: {  	s4 =	simm.s32 $_scs_section_size  }
0x9a: {  	s5 =	simm.s32 $_size__tile_overlayer_lowered;
	s6 =	simm.s32 $_tile_overlayer_lowered  }
0x9b: {  	s22 =	simm.s32 $0x1BFF;
	s21 =	sshll.u32 s6, $0x1;
	s3 =	sadd.s32 s4, s19  }
0x9c: {  	s7 =	simm.s32 $0x0;
	s20 =	sshll.u32 s5, $0x1;
	s5 =	sadd.s32 s21, s3  }
0x9d: {  	[timem:s7], [sflag:s22] =	dma.local [hbm:s5], s20  }
0x9e: {  	_ =	swait.ge [sflag:s22], s20  }
0x9f: {  	s4 =	ssub.s32 $0x0, s20;
	[sflag:s22] =	ssyncset.done $0x0  }
0xa0: {  	[sflag:s22] =	ssyncadd.s32 s4;
	_ =	sdelay $0x1  }
0xa1: {  	s23 =	simm.s32 $0x1B8B  }
0xa2: {  	_ =	swait.ge [sflag:s23], $0x1  }
0xa3: {  	[sflag:s23] =	ssyncset.done $0x0  }
0xa4: {  	s25 =	simm.s32 $0x1B8E;
	s24 =	sld [smem:$0x3FFE];
	[sflag:s23] =	ssyncadd.s32 $0xFFFFFFFF  }
0xa5: {  	s26 =	simm.s32 $execute0_lowered;
	[smem:$0x3FD2] =	sst s25  }
0xa6: {  	s5 =	sshll.u32 s26, $0x1;
	_ =	strace $0x80000046;
	[dreg:$0x1] =	wrdreg $0xFFFFFFFF  }
0xa7: {  	s28 =	simm.s32 $_size_execute0_lowered;
	s3 =	sadd.s32 s3, s5;
	[dreg:$0x0] =	wrdreg $0x0  }
0xa8: {  	s5 =	sshll.u32 s28, $0x1;
	[dreg:$0x2] =	wrdreg s3  }
0xa9: {  	[dreg:$0x3] =	wrdreg s5  }
0xaa: {  	[dreg:$0x4] =	wrdreg $0xC0  }
0xab: {  	_ =	task [dreg:s7], $0x5FFFF  }
0xac: {  	[dreg:$0x1] =	wrdreg $0xFFFFFFFF  }
0xad: {  	[dreg:$0x0] =	wrdreg $0x60  }
0xae: {  	[dreg:$0x2] =	wrdreg s24  }
0xaf: {  	[dreg:$0x3] =	wrdreg s2  }
0xb0: {  	[dreg:$0x4] =	wrdreg $0x9  }
0xb1: {  	_ =	task.clear_ibuf [dreg:s7], $0x5FFFF;
	_ =	strace $0x90000046  }
0xb2: {  	s29 =	simm.s32 $0x9;
	_ =	strace $0x80000048  }
0xb3: {  	_ =	swait.ge [sflag:s29], $0x1  }
0xb4: {  	[sflag:s29] =	ssyncadd.s32 $0xFFFFFFFF  }
0xb5: {  	_ =	strace $0x90000048  }
0xb6: {  	_ =	sfence  }
0xb7: {  	s30 =	sld [smem:$0x0];
	_ =	sdelay $0x2  }
0xb8: {  	s31 =	sshll.u32 s1, $0xD;
	s1 =	sshrl.u32 s1, $0x2  }
0xb9: {  	s3 =	sand.u32 $0x4000, s31;
	s1 =	sadd.s32 s1, s30  }
0xba: {  	s0 =	sor.u32 s3, s0;
	s1 =	sshll.u32 s1, $0x11  }
0xbb: {  	s0 =	sor.u32 s1, s0  }
0xbc: {  	s0 =	sadd.s32 $0x8F2B, s0  }
0xbd: {  	[sflag:s0] =	ssyncadd.remote.s32 $0x1  }
0xbe: {  	_ =	sfence.sel $0xFFFF  }
0xbf: {  	[dreg:$0x0] =	wrdreg $0xFFFFFFFF;
	(pc) =	sbr.abs _section_cstart, $3  }
0xc0: {  	[dreg:$0x1] =	wrdreg $0xFFFFFFFF  }
0xc1: {  	_ =	task.clear_ibuf [dreg:s7], $0x2FFFF;
	_ =	strace $0x9FFFFFFF  }
0xc2: {  	(tm) =	ssettm $0x7FFFFFFF  }
0xc3: {  	_ =	shalt  }
tec
execute0_lowered:
.L_overlay_start_1:
0x0: {  	(tag) =	ssettag $0x1  }
0x1: {  	s0 =	srdreg.scid;
	s13 =	stileid.u32  }
0x2: {  	s1 =	rddreg [dreg:$0x0];
	s0 =	sand.u32 $0x1, s0;
	s2 =	sshll.u32 s13, $0x1  }
0x3: {  	s3 =	rddreg [dreg:$0x1];
	s4 =	sor.u32 s0, s2  }
0x4: {  	s7 =	sadd.s32 $0x53000, s1;
	s2 =	simm.s32 $0x0;
	s5 =	smul.u32 $0x140, s4  }
0x5: {  	s0 =	ssub.s32 $0x2, s0;
	[smem:$0x7FF] =	sst s2;
	s6 =	smul.u32 $0xA000, s4  }
0x6: {  	s4 =	smul.u32 $0x50000, s4;
	s22 =	sshrl.u32 s0, $0x1;
	_ =	strace $0x80000047  }
0x7: {  	s0 =	ssub.s32 s0, s22;
	s3 =	sadd.s32 s3, s5;
	s20 =	sadd.s32 s7, s6  }
0x8: {  	s4 =	sshrl.u32 s4, $0x3;
	[dreg:$0x3] =	wrdreg s3;
	s25 =	sadd.s32 $0x800, s20  }
0x9: {  	s0 =	smax.u32 s0, $0x1;
	s26 =	sadd.s32 $0x1000, s20;
	[dreg:$0x4] =	wrdreg s25  }
0xa: {  	s5 =	sadd.s32 $0x1800, s20;
	s4 =	sadd.s32 s7, s4;
	[dreg:$0x5] =	wrdreg s26  }
0xb: {  	p1 =	sne.s32 s0, $0x1;
	[dreg:$0x6] =	wrdreg s5;
	s6 =	sadd.s32 $0x2000, s4  }
0xc: {  	s5 =	sadd.s32 $0xE00, s1;
	s1 =	sadd.s32 $0xFFFFFFFF, s0;
	s0 =	rddreg [dreg:$0x3]  }
0xd: {  	s7 =	sadd.s32 $0x2800, s4;
	[dreg:$0x7] =	wrdreg s6  }
0xe: {  	s8 =	sadd.s32 $0x3000, s4;
	[dreg:$0x8] =	wrdreg s7  }
0xf: {  	s9 =	sadd.s32 $0x3800, s4;
	[dreg:$0x9] =	wrdreg s8  }
0x10: {  	s10 =	sadd.s32 $0x4000, s4;
	[dreg:$0xa] =	wrdreg s9  }
0x11: {  	s11 =	sadd.s32 $0x4800, s4;
	[dreg:$0xb] =	wrdreg s10  }
0x12: {  	s12 =	sadd.s32 $0x5000, s4;
	[dreg:$0xc] =	wrdreg s11  }
0x13: {  	s14 =	sadd.s32 $0x5800, s4;
	[dreg:$0xd] =	wrdreg s12  }
0x14: {  	s30 =	simm.s32 $0x3;
	s15 =	sadd.s32 $0x6000, s4;
	[dreg:$0xe] =	wrdreg s14  }
0x15: {  	s31 =	simm.s32 $0x280;
	s16 =	sadd.s32 $0x6800, s4;
	[dreg:$0xf] =	wrdreg s15  }
0x16: {  	s29 =	simm.s32 $0x300;
	s17 =	sadd.s32 $0x7000, s4;
	[dreg:$0x10] =	wrdreg s16  }
0x17: {  	s28 =	simm.s32 $0x380;
	s18 =	sadd.s32 $0x7800, s4;
	[dreg:$0x11] =	wrdreg s17  }
0x18: {  	p0 =	por $0x0, $0x0;
	s19 =	sadd.s32 $0x8000, s4;
	[dreg:$0x12] =	wrdreg s18  }
0x19: {  	s22 =	simm.s32 $0x600;
	s21 =	sadd.s32 $0x8800, s4;
	[dreg:$0x13] =	wrdreg s19  }
0x1a: {  	s3 =	simm.s32 $0x2;
	s23 =	sadd.s32 $0x9000, s4;
	[dreg:$0x14] =	wrdreg s21  }
0x1b: {  	s24 =	sadd.s32 $0x9800, s4;
	s25 =	simm.s32 $0x100;
	[dreg:$0x15] =	wrdreg s23  }
0x1c: {  	s4 =	simm.s32 $0x4A00;
	s26 =	simm.s32 $0x180;
	[dreg:$0x16] =	wrdreg s24  }
0x1d: {  	s8 =	simm.s32 $0x80;
	s6 =	simm.s32 $0xA00;
	[dreg:$0x17] =	wrdreg s25  }
0x1e: {  	s12 =	simm.s32 $0x8A00;
	[dreg:$0x18] =	wrdreg s26;
	s11 =	simm.s32 $0xCA00  }
.Ltmp0:
0x1f: {  	s7 =	simm.s32 $0x1;
	s10 =	simm.s32 $0x10A00;
	(pc) =	sbr.rel @!p1 .LBB2_1-.Ltmp0, $4  }
0x20: {  	s9 =	simm.s32 $0x14A00;
	s26 =	simm.s32 $0x400;
	s25 =	simm.s32 $0x480  }
0x21: {  	s24 =	simm.s32 $0x500;
	s23 =	simm.s32 $0x580;
	s21 =	simm.s32 $0x680  }
0x22: {  	s19 =	simm.s32 $0x700;
	s18 =	simm.s32 $0x780;
	s17 =	simm.s32 $0x800  }
0x23: {  	s16 =	simm.s32 $0x880;
	s15 =	simm.s32 $0x900;
	s14 =	simm.s32 $0x980  }
0x24: {  	[tilespmem:s2], [sflag:$0x3] =	stream.linear.gather [hbm4b:s0+s2], $0xA00, $0x38;
	[tilespmem:$0x18A00] =	vst v63  }
0x25: {  	_ =	swait.ge [sflag:s30], $0xA00  }
0x26: {  	[sflag:s30] =	ssyncset.done $0x0  }
0x27: {  	[sflag:s30] =	ssyncadd.s32 $0xFFFFF600  }
0x28: {  	[tilespmem:s6], [sflag:$0x1] =	stream.indirect.gather [hbm4b:s5+s8], $0x80, s2, s8, $0xb8;
	[tilespmem:$0x18A00] =	vst v63  }
0x29: {  	_ = 	snop  }
0x2a: {  	[tilespmem:s4], [sflag:$0x1] =	stream.indirect.gather [hbm4b:s5+s8], $0x80, s8, s8, $0xb8;
	[tilespmem:$0x18A00] =	vst v63  }
0x2b: {  	s0 =	rddreg [dreg:$0x17]  }
0x2c: {  	[tilespmem:s12], [sflag:$0x1] =	stream.indirect.gather [hbm4b:s5+s8], $0x80, s0, s8, $0xb8;
	[tilespmem:$0x18A00] =	vst v63  }
0x2d: {  	s13 =	smov.u32 s1;
	s1 =	rddreg [dreg:$0x18]  }
0x2e: {  	[tilespmem:s11], [sflag:$0x1] =	stream.indirect.gather [hbm4b:s5+s8], $0x80, s1, s8, $0xb8;
	[tilespmem:$0x18A00] =	vst v63  }
0x2f: {  	_ =	swait.ge [sflag:s7], $0x4000  }
0x30: {  	[sflag:s7] =	ssyncset.done $0x0  }
0x31: {  	[sflag:s7] =	ssyncadd.s32 $0xFFFFC000  }
0x32: {  	[hbm4b:s20+s2] =	stream.linear.scatter [tilespmem:s6], [sflag:$0x2], $0x4000, $0x38;
	[tilespmem:$0x18A00] =	vst v63  }
0x33: {  	s1 =	simm.s32 $0x200  }
0x34: {  	[tilespmem:s10], [sflag:$0x1] =	stream.indirect.gather [hbm4b:s5+s8], $0x80, s1, s8, $0xb8;
	[tilespmem:$0x18A00] =	vst v63  }
0x35: {  	_ =	swait.ge [sflag:s7], $0x4000  }
0x36: {  	[sflag:s7] =	ssyncset.done $0x0  }
0x37: {  	s1 =	rddreg [dreg:$0x4];
	[sflag:s7] =	ssyncadd.s32 $0xFFFFC000  }
0x38: {  	[hbm4b:s1+s2] =	stream.linear.scatter [tilespmem:s4], [sflag:$0x2], $0x4000, $0x38;
	[tilespmem:$0x18A00] =	vst v63  }
0x39: {  	_ = 	snop  }
0x3a: {  	[tilespmem:s9], [sflag:$0x1] =	stream.indirect.gather [hbm4b:s5+s8], $0x80, s31, s8, $0xb8;
	[tilespmem:$0x18A00] =	vst v63  }
0x3b: {  	_ =	swait.ge [sflag:s7], $0x4000  }
0x3c: {  	[sflag:s7] =	ssyncset.done $0x0  }
0x3d: {  	s1 =	rddreg [dreg:$0x5];
	[sflag:s7] =	ssyncadd.s32 $0xFFFFC000  }
0x3e: {  	[hbm4b:s1+s2] =	stream.linear.scatter [tilespmem:s12], [sflag:$0x2], $0x4000, $0x38;
	[tilespmem:$0x18A00] =	vst v63  }
0x3f: {  	_ =	swait.ge [sflag:s3], $0x4000  }
0x40: {  	[sflag:s3] =	ssyncset.done $0x0  }
0x41: {  	[sflag:s3] =	ssyncadd.s32 $0xFFFFC000  }
0x42: {  	[tilespmem:s6], [sflag:$0x1] =	stream.indirect.gather [hbm4b:s5+s8], $0x80, s29, s8, $0xb8;
	[tilespmem:$0x18A00] =	vst v63  }
0x43: {  	_ =	swait.ge [sflag:s7], $0x4000  }
0x44: {  	[sflag:s7] =	ssyncset.done $0x0  }
0x45: {  	s1 =	rddreg [dreg:$0x6];
	[sflag:s7] =	ssyncadd.s32 $0xFFFFC000  }
0x46: {  	[hbm4b:s1+s2] =	stream.linear.scatter [tilespmem:s11], [sflag:$0x2], $0x4000, $0x38;
	[tilespmem:$0x18A00] =	vst v63  }
0x47: {  	_ =	swait.ge [sflag:s3], $0x4000  }
0x48: {  	[sflag:s3] =	ssyncset.done $0x0  }
0x49: {  	[sflag:s3] =	ssyncadd.s32 $0xFFFFC000  }
0x4a: {  	[tilespmem:s4], [sflag:$0x1] =	stream.indirect.gather [hbm4b:s5+s8], $0x80, s28, s8, $0xb8;
	[tilespmem:$0x18A00] =	vst v63  }
0x4b: {  	_ =	swait.ge [sflag:s7], $0x4000  }
0x4c: {  	[sflag:s7] =	ssyncset.done $0x0  }
0x4d: {  	s1 =	rddreg [dreg:$0x7];
	[sflag:s7] =	ssyncadd.s32 $0xFFFFC000  }
0x4e: {  	[hbm4b:s1+s2] =	stream.linear.scatter [tilespmem:s10], [sflag:$0x2], $0x4000, $0x38;
	[tilespmem:$0x18A00] =	vst v63  }
0x4f: {  	_ =	swait.ge [sflag:s3], $0x4000  }
0x50: {  	[sflag:s3] =	ssyncset.done $0x0  }
0x51: {  	[sflag:s3] =	ssyncadd.s32 $0xFFFFC000  }
0x52: {  	[tilespmem:s12], [sflag:$0x1] =	stream.indirect.gather [hbm4b:s5+s8], $0x80, s26, s8, $0xb8;
	[tilespmem:$0x18A00] =	vst v63  }
0x53: {  	_ =	swait.ge [sflag:s7], $0x4000  }
0x54: {  	[sflag:s7] =	ssyncset.done $0x0  }
0x55: {  	s1 =	rddreg [dreg:$0x8];
	[sflag:s7] =	ssyncadd.s32 $0xFFFFC000  }
0x56: {  	[hbm4b:s1+s2] =	stream.linear.scatter [tilespmem:s9], [sflag:$0x2], $0x4000, $0x38;
	[tilespmem:$0x18A00] =	vst v63  }
0x57: {  	_ =	swait.ge [sflag:s3], $0x4000  }
0x58: {  	[sflag:s3] =	ssyncset.done $0x0  }
0x59: {  	[sflag:s3] =	ssyncadd.s32 $0xFFFFC000  }
0x5a: {  	[tilespmem:s11], [sflag:$0x1] =	stream.indirect.gather [hbm4b:s5+s8], $0x80, s25, s8, $0xb8;
	[tilespmem:$0x18A00] =	vst v63  }
0x5b: {  	_ =	swait.ge [sflag:s7], $0x4000  }
0x5c: {  	[sflag:s7] =	ssyncset.done $0x0  }
0x5d: {  	s1 =	rddreg [dreg:$0x9];
	[sflag:s7] =	ssyncadd.s32 $0xFFFFC000  }
0x5e: {  	[hbm4b:s1+s2] =	stream.linear.scatter [tilespmem:s6], [sflag:$0x2], $0x4000, $0x38;
	[tilespmem:$0x18A00] =	vst v63  }
0x5f: {  	_ =	swait.ge [sflag:s3], $0x4000  }
0x60: {  	[sflag:s3] =	ssyncset.done $0x0  }
0x61: {  	[sflag:s3] =	ssyncadd.s32 $0xFFFFC000  }
0x62: {  	[tilespmem:s10], [sflag:$0x1] =	stream.indirect.gather [hbm4b:s5+s8], $0x80, s24, s8, $0xb8;
	[tilespmem:$0x18A00] =	vst v63  }
0x63: {  	_ =	swait.ge [sflag:s7], $0x4000  }
0x64: {  	[sflag:s7] =	ssyncset.done $0x0  }
0x65: {  	s1 =	rddreg [dreg:$0xa];
	[sflag:s7] =	ssyncadd.s32 $0xFFFFC000  }
0x66: {  	[hbm4b:s1+s2] =	stream.linear.scatter [tilespmem:s4], [sflag:$0x2], $0x4000, $0x38;
	[tilespmem:$0x18A00] =	vst v63  }
0x67: {  	_ =	swait.ge [sflag:s3], $0x4000  }
0x68: {  	[sflag:s3] =	ssyncset.done $0x0  }
0x69: {  	[sflag:s3] =	ssyncadd.s32 $0xFFFFC000  }
0x6a: {  	[tilespmem:s9], [sflag:$0x1] =	stream.indirect.gather [hbm4b:s5+s8], $0x80, s23, s8, $0xb8;
	[tilespmem:$0x18A00] =	vst v63  }
0x6b: {  	_ =	swait.ge [sflag:s7], $0x4000  }
0x6c: {  	[sflag:s7] =	ssyncset.done $0x0  }
0x6d: {  	s1 =	rddreg [dreg:$0xb];
	[sflag:s7] =	ssyncadd.s32 $0xFFFFC000  }
0x6e: {  	[hbm4b:s1+s2] =	stream.linear.scatter [tilespmem:s12], [sflag:$0x2], $0x4000, $0x38;
	[tilespmem:$0x18A00] =	vst v63  }
0x6f: {  	_ =	swait.ge [sflag:s3], $0x4000  }
0x70: {  	[sflag:s3] =	ssyncset.done $0x0  }
0x71: {  	[sflag:s3] =	ssyncadd.s32 $0xFFFFC000  }
0x72: {  	[tilespmem:s6], [sflag:$0x1] =	stream.indirect.gather [hbm4b:s5+s8], $0x80, s22, s8, $0xb8;
	[tilespmem:$0x18A00] =	vst v63  }
0x73: {  	_ =	swait.ge [sflag:s7], $0x4000  }
0x74: {  	[sflag:s7] =	ssyncset.done $0x0  }
0x75: {  	s1 =	rddreg [dreg:$0xc];
	[sflag:s7] =	ssyncadd.s32 $0xFFFFC000  }
0x76: {  	[hbm4b:s1+s2] =	stream.linear.scatter [tilespmem:s11], [sflag:$0x2], $0x4000, $0x38;
	[tilespmem:$0x18A00] =	vst v63  }
0x77: {  	_ =	swait.ge [sflag:s3], $0x4000  }
0x78: {  	[sflag:s3] =	ssyncset.done $0x0  }
0x79: {  	[sflag:s3] =	ssyncadd.s32 $0xFFFFC000  }
0x7a: {  	[tilespmem:s4], [sflag:$0x1] =	stream.indirect.gather [hbm4b:s5+s8], $0x80, s21, s8, $0xb8;
	[tilespmem:$0x18A00] =	vst v63  }
0x7b: {  	_ =	swait.ge [sflag:s7], $0x4000  }
0x7c: {  	[sflag:s7] =	ssyncset.done $0x0  }
0x7d: {  	s1 =	rddreg [dreg:$0xd];
	[sflag:s7] =	ssyncadd.s32 $0xFFFFC000  }
0x7e: {  	[hbm4b:s1+s2] =	stream.linear.scatter [tilespmem:s10], [sflag:$0x2], $0x4000, $0x38;
	[tilespmem:$0x18A00] =	vst v63  }
0x7f: {  	_ =	swait.ge [sflag:s3], $0x4000  }
0x80: {  	[sflag:s3] =	ssyncset.done $0x0  }
0x81: {  	[sflag:s3] =	ssyncadd.s32 $0xFFFFC000  }
0x82: {  	[tilespmem:s12], [sflag:$0x1] =	stream.indirect.gather [hbm4b:s5+s8], $0x80, s19, s8, $0xb8;
	[tilespmem:$0x18A00] =	vst v63  }
0x83: {  	_ =	swait.ge [sflag:s7], $0x4000  }
0x84: {  	[sflag:s7] =	ssyncset.done $0x0  }
0x85: {  	s1 =	rddreg [dreg:$0xe];
	[sflag:s7] =	ssyncadd.s32 $0xFFFFC000  }
0x86: {  	[hbm4b:s1+s2] =	stream.linear.scatter [tilespmem:s9], [sflag:$0x2], $0x4000, $0x38;
	[tilespmem:$0x18A00] =	vst v63  }
0x87: {  	_ =	swait.ge [sflag:s3], $0x4000  }
0x88: {  	[sflag:s3] =	ssyncset.done $0x0  }
0x89: {  	[sflag:s3] =	ssyncadd.s32 $0xFFFFC000  }
0x8a: {  	[tilespmem:s11], [sflag:$0x1] =	stream.indirect.gather [hbm4b:s5+s8], $0x80, s18, s8, $0xb8;
	[tilespmem:$0x18A00] =	vst v63  }
0x8b: {  	_ =	swait.ge [sflag:s7], $0x4000  }
0x8c: {  	[sflag:s7] =	ssyncset.done $0x0  }
0x8d: {  	s1 =	rddreg [dreg:$0xf];
	[sflag:s7] =	ssyncadd.s32 $0xFFFFC000  }
0x8e: {  	[hbm4b:s1+s2] =	stream.linear.scatter [tilespmem:s6], [sflag:$0x2], $0x4000, $0x38;
	[tilespmem:$0x18A00] =	vst v63  }
0x8f: {  	_ =	swait.ge [sflag:s3], $0x4000  }
0x90: {  	[sflag:s3] =	ssyncset.done $0x0  }
0x91: {  	[sflag:s3] =	ssyncadd.s32 $0xFFFFC000  }
0x92: {  	[tilespmem:s10], [sflag:$0x1] =	stream.indirect.gather [hbm4b:s5+s8], $0x80, s17, s8, $0xb8;
	[tilespmem:$0x18A00] =	vst v63  }
0x93: {  	_ =	swait.ge [sflag:s7], $0x4000  }
0x94: {  	[sflag:s7] =	ssyncset.done $0x0  }
0x95: {  	s1 =	rddreg [dreg:$0x10];
	[sflag:s7] =	ssyncadd.s32 $0xFFFFC000  }
0x96: {  	[hbm4b:s1+s2] =	stream.linear.scatter [tilespmem:s4], [sflag:$0x2], $0x4000, $0x38;
	[tilespmem:$0x18A00] =	vst v63  }
0x97: {  	_ =	swait.ge [sflag:s3], $0x4000  }
0x98: {  	[sflag:s3] =	ssyncset.done $0x0  }
0x99: {  	[sflag:s3] =	ssyncadd.s32 $0xFFFFC000  }
0x9a: {  	[tilespmem:s9], [sflag:$0x1] =	stream.indirect.gather [hbm4b:s5+s8], $0x80, s16, s8, $0xb8;
	[tilespmem:$0x18A00] =	vst v63  }
0x9b: {  	_ =	swait.ge [sflag:s7], $0x4000  }
0x9c: {  	[sflag:s7] =	ssyncset.done $0x0  }
0x9d: {  	s1 =	rddreg [dreg:$0x11];
	[sflag:s7] =	ssyncadd.s32 $0xFFFFC000  }
0x9e: {  	[hbm4b:s1+s2] =	stream.linear.scatter [tilespmem:s12], [sflag:$0x2], $0x4000, $0x38;
	[tilespmem:$0x18A00] =	vst v63  }
0x9f: {  	_ =	swait.ge [sflag:s3], $0x4000  }
0xa0: {  	[sflag:s3] =	ssyncset.done $0x0  }
0xa1: {  	[sflag:s3] =	ssyncadd.s32 $0xFFFFC000  }
0xa2: {  	[tilespmem:s6], [sflag:$0x1] =	stream.indirect.gather [hbm4b:s5+s8], $0x80, s15, s8, $0xb8;
	[tilespmem:$0x18A00] =	vst v63  }
0xa3: {  	_ =	swait.ge [sflag:s7], $0x4000  }
0xa4: {  	[sflag:s7] =	ssyncset.done $0x0  }
0xa5: {  	s1 =	rddreg [dreg:$0x12];
	[sflag:s7] =	ssyncadd.s32 $0xFFFFC000  }
0xa6: {  	[hbm4b:s1+s2] =	stream.linear.scatter [tilespmem:s11], [sflag:$0x2], $0x4000, $0x38;
	[tilespmem:$0x18A00] =	vst v63  }
0xa7: {  	_ =	swait.ge [sflag:s3], $0x4000  }
0xa8: {  	[sflag:s3] =	ssyncset.done $0x0  }
0xa9: {  	[sflag:s3] =	ssyncadd.s32 $0xFFFFC000  }
0xaa: {  	[tilespmem:s4], [sflag:$0x1] =	stream.indirect.gather [hbm4b:s5+s8], $0x80, s14, s8, $0xb8;
	[tilespmem:$0x18A00] =	vst v63  }
0xab: {  	_ =	swait.ge [sflag:s7], $0x4000  }
0xac: {  	[sflag:s7] =	ssyncset.done $0x0  }
0xad: {  	s1 =	rddreg [dreg:$0x13];
	[sflag:s7] =	ssyncadd.s32 $0xFFFFC000  }
0xae: {  	[hbm4b:s1+s2] =	stream.linear.scatter [tilespmem:s10], [sflag:$0x2], $0x4000, $0x38;
	[tilespmem:$0x18A00] =	vst v63  }
0xaf: {  	_ =	swait.ge [sflag:s7], $0x4000  }
0xb0: {  	[sflag:s7] =	ssyncset.done $0x0  }
0xb1: {  	s1 =	rddreg [dreg:$0x14];
	[sflag:s7] =	ssyncadd.s32 $0xFFFFC000  }
0xb2: {  	[hbm4b:s1+s2] =	stream.linear.scatter [tilespmem:s9], [sflag:$0x2], $0x4000, $0x38;
	[tilespmem:$0x18A00] =	vst v63  }
0xb3: {  	_ =	swait.ge [sflag:s7], $0x4000  }
0xb4: {  	[sflag:s7] =	ssyncset.done $0x0  }
0xb5: {  	s1 =	rddreg [dreg:$0x15];
	[sflag:s7] =	ssyncadd.s32 $0xFFFFC000  }
0xb6: {  	[hbm4b:s1+s2] =	stream.linear.scatter [tilespmem:s6], [sflag:$0x2], $0x4000, $0x38;
	[tilespmem:$0x18A00] =	vst v63  }
0xb7: {  	_ =	swait.ge [sflag:s7], $0x4000  }
0xb8: {  	[sflag:s7] =	ssyncset.done $0x0  }
0xb9: {  	s1 =	rddreg [dreg:$0x16];
	[sflag:s7] =	ssyncadd.s32 $0xFFFFC000  }
0xba: {  	[hbm4b:s1+s2] =	stream.linear.scatter [tilespmem:s4], [sflag:$0x2], $0x4000, $0x38;
	[tilespmem:$0x18A00] =	vst v63  }
0xbb: {  	_ =	swait.ge [sflag:s3], $0x4000  }
0xbc: {  	[sflag:s3] =	ssyncset.done $0x0  }
0xbd: {  	[sflag:s3] =	ssyncadd.s32 $0xFFFFC000  }
0xbe: {  	_ =	swait.ge [sflag:s3], $0x4000  }
0xbf: {  	[sflag:s3] =	ssyncset.done $0x0  }
0xc0: {  	[sflag:s3] =	ssyncadd.s32 $0xFFFFC000  }
0xc1: {  	_ =	swait.ge [sflag:s3], $0x4000  }
0xc2: {  	[sflag:s3] =	ssyncset.done $0x0  }
0xc3: {  	[sflag:s3] =	ssyncadd.s32 $0xFFFFC000  }
0xc4: {  	_ =	swait.ge [sflag:s3], $0x4000  }
0xc5: {  	[sflag:s3] =	ssyncset.done $0x0  }
0xc6: {  	p1 =	sne.s32 s13, $0x1;
	[sflag:s3] =	ssyncadd.s32 $0xFFFFC000  }
.Ltmp1:
0xc7: {  	_ =	swait.ge [sflag:s3], $0x4000;
	(pc) =	sbr.rel @!p1 .LBB2_3-.Ltmp1, $4  }
0xc8: {  	[sflag:s3] =	ssyncset.done $0x0  }
0xc9: {  	[sflag:s3] =	ssyncadd.s32 $0xFFFFC000  }
0xca: {  	p0 =	por $0x1, $0x1;
	_ =	swait.ge [sflag:s3], $0x4000  }
0xcb: {  	s1 =	sadd.s32 $0xFFFFFFFF, s13;
	s0 =	rddreg [dreg:$0x3];
	[sflag:s3] =	ssyncset.done $0x0  }
.LBB2_4:
0xcc: {  	[sflag:s3] =	ssyncadd.s32 $0xFFFFC000  }
0xcd: {  	[tilespmem:s2], [sflag:$0x3] =	stream.linear.gather [hbm4b:s0+s2], $0xA00, $0x38;
	[tilespmem:$0x18A00] =	vst v63  }
0xce: {  	_ =	swait.ge [sflag:s30], $0xA00  }
0xcf: {  	[sflag:s30] =	ssyncset.done $0x0  }
0xd0: {  	[sflag:s30] =	ssyncadd.s32 $0xFFFFF600  }
0xd1: {  	[tilespmem:s6], [sflag:$0x1] =	stream.indirect.gather [hbm4b:s5+s8], $0x80, s2, s8, $0xb8;
	[tilespmem:$0x18A00] =	vst v63  }
0xd2: {  	_ = 	snop  }
0xd3: {  	[tilespmem:s4], [sflag:$0x1] =	stream.indirect.gather [hbm4b:s5+s8], $0x80, s8, s8, $0xb8;
	[tilespmem:$0x18A00] =	vst v63  }
0xd4: {  	s0 =	rddreg [dreg:$0x17]  }
0xd5: {  	[tilespmem:s12], [sflag:$0x1] =	stream.indirect.gather [hbm4b:s5+s8], $0x80, s0, s8, $0xb8;
	[tilespmem:$0x18A00] =	vst v63  }
0xd6: {  	s13 =	rddreg [dreg:$0x18]  }
0xd7: {  	[tilespmem:s11], [sflag:$0x1] =	stream.indirect.gather [hbm4b:s5+s8], $0x80, s13, s8, $0xb8;
	[tilespmem:$0x18A00] =	vst v63  }
0xd8: {  	_ =	swait.ge [sflag:s7], $0x4000  }
0xd9: {  	[sflag:s7] =	ssyncset.done $0x0  }
0xda: {  	[sflag:s7] =	ssyncadd.s32 $0xFFFFC000  }
0xdb: {  	[hbm4b:s20+s2] =	stream.linear.scatter [tilespmem:s6], [sflag:$0x2], $0x4000, $0x38;
	[tilespmem:$0x18A00] =	vst v63  }
0xdc: {  	s13 =	simm.s32 $0x200  }
0xdd: {  	[tilespmem:s10], [sflag:$0x1] =	stream.indirect.gather [hbm4b:s5+s8], $0x80, s13, s8, $0xb8;
	[tilespmem:$0x18A00] =	vst v63  }
0xde: {  	_ =	swait.ge [sflag:s7], $0x4000  }
0xdf: {  	[sflag:s7] =	ssyncset.done $0x0  }
0xe0: {  	s13 =	rddreg [dreg:$0x4];
	[sflag:s7] =	ssyncadd.s32 $0xFFFFC000  }
0xe1: {  	[hbm4b:s13+s2] =	stream.linear.scatter [tilespmem:s4], [sflag:$0x2], $0x4000, $0x38;
	[tilespmem:$0x18A00] =	vst v63  }
0xe2: {  	_ = 	snop  }
0xe3: {  	[tilespmem:s9], [sflag:$0x1] =	stream.indirect.gather [hbm4b:s5+s8], $0x80, s31, s8, $0xb8;
	[tilespmem:$0x18A00] =	vst v63  }
0xe4: {  	_ =	swait.ge [sflag:s7], $0x4000  }
0xe5: {  	[sflag:s7] =	ssyncset.done $0x0  }
0xe6: {  	s13 =	rddreg [dreg:$0x5];
	[sflag:s7] =	ssyncadd.s32 $0xFFFFC000  }
0xe7: {  	[hbm4b:s13+s2] =	stream.linear.scatter [tilespmem:s12], [sflag:$0x2], $0x4000, $0x38;
	[tilespmem:$0x18A00] =	vst v63  }
0xe8: {  	_ =	swait.ge [sflag:s3], $0x4000  }
0xe9: {  	[sflag:s3] =	ssyncset.done $0x0  }
0xea: {  	[sflag:s3] =	ssyncadd.s32 $0xFFFFC000  }
0xeb: {  	[tilespmem:s6], [sflag:$0x1] =	stream.indirect.gather [hbm4b:s5+s8], $0x80, s29, s8, $0xb8;
	[tilespmem:$0x18A00] =	vst v63  }
0xec: {  	_ =	swait.ge [sflag:s7], $0x4000  }
0xed: {  	[sflag:s7] =	ssyncset.done $0x0  }
0xee: {  	s13 =	rddreg [dreg:$0x6];
	[sflag:s7] =	ssyncadd.s32 $0xFFFFC000  }
0xef: {  	[hbm4b:s13+s2] =	stream.linear.scatter [tilespmem:s11], [sflag:$0x2], $0x4000, $0x38;
	[tilespmem:$0x18A00] =	vst v63  }
0xf0: {  	_ =	swait.ge [sflag:s3], $0x4000  }
0xf1: {  	[sflag:s3] =	ssyncset.done $0x0  }
0xf2: {  	[sflag:s3] =	ssyncadd.s32 $0xFFFFC000  }
0xf3: {  	[tilespmem:s4], [sflag:$0x1] =	stream.indirect.gather [hbm4b:s5+s8], $0x80, s28, s8, $0xb8;
	[tilespmem:$0x18A00] =	vst v63  }
0xf4: {  	_ =	swait.ge [sflag:s7], $0x4000  }
0xf5: {  	[sflag:s7] =	ssyncset.done $0x0  }
0xf6: {  	s13 =	rddreg [dreg:$0x7];
	[sflag:s7] =	ssyncadd.s32 $0xFFFFC000  }
0xf7: {  	[hbm4b:s13+s2] =	stream.linear.scatter [tilespmem:s10], [sflag:$0x2], $0x4000, $0x38;
	[tilespmem:$0x18A00] =	vst v63  }
0xf8: {  	_ =	swait.ge [sflag:s3], $0x4000  }
0xf9: {  	[sflag:s3] =	ssyncset.done $0x0  }
0xfa: {  	[sflag:s3] =	ssyncadd.s32 $0xFFFFC000  }
0xfb: {  	[tilespmem:s12], [sflag:$0x1] =	stream.indirect.gather [hbm4b:s5+s8], $0x80, s26, s8, $0xb8;
	[tilespmem:$0x18A00] =	vst v63  }
0xfc: {  	_ =	swait.ge [sflag:s7], $0x4000  }
0xfd: {  	[sflag:s7] =	ssyncset.done $0x0  }
0xfe: {  	s13 =	rddreg [dreg:$0x8];
	[sflag:s7] =	ssyncadd.s32 $0xFFFFC000  }
0xff: {  	[hbm4b:s13+s2] =	stream.linear.scatter [tilespmem:s9], [sflag:$0x2], $0x4000, $0x38;
	[tilespmem:$0x18A00] =	vst v63  }
0x100: {  	_ =	swait.ge [sflag:s3], $0x4000  }
0x101: {  	[sflag:s3] =	ssyncset.done $0x0  }
0x102: {  	[sflag:s3] =	ssyncadd.s32 $0xFFFFC000  }
0x103: {  	[tilespmem:s11], [sflag:$0x1] =	stream.indirect.gather [hbm4b:s5+s8], $0x80, s25, s8, $0xb8;
	[tilespmem:$0x18A00] =	vst v63  }
0x104: {  	_ =	swait.ge [sflag:s7], $0x4000  }
0x105: {  	[sflag:s7] =	ssyncset.done $0x0  }
0x106: {  	s13 =	rddreg [dreg:$0x9];
	[sflag:s7] =	ssyncadd.s32 $0xFFFFC000  }
0x107: {  	[hbm4b:s13+s2] =	stream.linear.scatter [tilespmem:s6], [sflag:$0x2], $0x4000, $0x38;
	[tilespmem:$0x18A00] =	vst v63  }
0x108: {  	_ =	swait.ge [sflag:s3], $0x4000  }
0x109: {  	[sflag:s3] =	ssyncset.done $0x0  }
0x10a: {  	[sflag:s3] =	ssyncadd.s32 $0xFFFFC000  }
0x10b: {  	[tilespmem:s10], [sflag:$0x1] =	stream.indirect.gather [hbm4b:s5+s8], $0x80, s24, s8, $0xb8;
	[tilespmem:$0x18A00] =	vst v63  }
0x10c: {  	_ =	swait.ge [sflag:s7], $0x4000  }
0x10d: {  	[sflag:s7] =	ssyncset.done $0x0  }
0x10e: {  	s13 =	rddreg [dreg:$0xa];
	[sflag:s7] =	ssyncadd.s32 $0xFFFFC000  }
0x10f: {  	[hbm4b:s13+s2] =	stream.linear.scatter [tilespmem:s4], [sflag:$0x2], $0x4000, $0x38;
	[tilespmem:$0x18A00] =	vst v63  }
0x110: {  	_ =	swait.ge [sflag:s3], $0x4000  }
0x111: {  	[sflag:s3] =	ssyncset.done $0x0  }
0x112: {  	[sflag:s3] =	ssyncadd.s32 $0xFFFFC000  }
0x113: {  	[tilespmem:s9], [sflag:$0x1] =	stream.indirect.gather [hbm4b:s5+s8], $0x80, s23, s8, $0xb8;
	[tilespmem:$0x18A00] =	vst v63  }
0x114: {  	_ =	swait.ge [sflag:s7], $0x4000  }
0x115: {  	[sflag:s7] =	ssyncset.done $0x0  }
0x116: {  	s13 =	rddreg [dreg:$0xb];
	[sflag:s7] =	ssyncadd.s32 $0xFFFFC000  }
0x117: {  	[hbm4b:s13+s2] =	stream.linear.scatter [tilespmem:s12], [sflag:$0x2], $0x4000, $0x38;
	[tilespmem:$0x18A00] =	vst v63  }
0x118: {  	_ =	swait.ge [sflag:s3], $0x4000  }
0x119: {  	[sflag:s3] =	ssyncset.done $0x0  }
0x11a: {  	[sflag:s3] =	ssyncadd.s32 $0xFFFFC000  }
0x11b: {  	[tilespmem:s6], [sflag:$0x1] =	stream.indirect.gather [hbm4b:s5+s8], $0x80, s22, s8, $0xb8;
	[tilespmem:$0x18A00] =	vst v63  }
0x11c: {  	_ =	swait.ge [sflag:s7], $0x4000  }
0x11d: {  	[sflag:s7] =	ssyncset.done $0x0  }
0x11e: {  	s13 =	rddreg [dreg:$0xc];
	[sflag:s7] =	ssyncadd.s32 $0xFFFFC000  }
0x11f: {  	[hbm4b:s13+s2] =	stream.linear.scatter [tilespmem:s11], [sflag:$0x2], $0x4000, $0x38;
	[tilespmem:$0x18A00] =	vst v63  }
0x120: {  	_ =	swait.ge [sflag:s3], $0x4000  }
0x121: {  	[sflag:s3] =	ssyncset.done $0x0  }
0x122: {  	[sflag:s3] =	ssyncadd.s32 $0xFFFFC000  }
0x123: {  	[tilespmem:s4], [sflag:$0x1] =	stream.indirect.gather [hbm4b:s5+s8], $0x80, s21, s8, $0xb8;
	[tilespmem:$0x18A00] =	vst v63  }
0x124: {  	_ =	swait.ge [sflag:s7], $0x4000  }
0x125: {  	[sflag:s7] =	ssyncset.done $0x0  }
0x126: {  	s13 =	rddreg [dreg:$0xd];
	[sflag:s7] =	ssyncadd.s32 $0xFFFFC000  }
0x127: {  	[hbm4b:s13+s2] =	stream.linear.scatter [tilespmem:s10], [sflag:$0x2], $0x4000, $0x38;
	[tilespmem:$0x18A00] =	vst v63  }
0x128: {  	_ =	swait.ge [sflag:s3], $0x4000  }
0x129: {  	[sflag:s3] =	ssyncset.done $0x0  }
0x12a: {  	[sflag:s3] =	ssyncadd.s32 $0xFFFFC000  }
0x12b: {  	[tilespmem:s12], [sflag:$0x1] =	stream.indirect.gather [hbm4b:s5+s8], $0x80, s19, s8, $0xb8;
	[tilespmem:$0x18A00] =	vst v63  }
0x12c: {  	_ =	swait.ge [sflag:s7], $0x4000  }
0x12d: {  	[sflag:s7] =	ssyncset.done $0x0  }
0x12e: {  	s13 =	rddreg [dreg:$0xe];
	[sflag:s7] =	ssyncadd.s32 $0xFFFFC000  }
0x12f: {  	[hbm4b:s13+s2] =	stream.linear.scatter [tilespmem:s9], [sflag:$0x2], $0x4000, $0x38;
	[tilespmem:$0x18A00] =	vst v63  }
0x130: {  	_ =	swait.ge [sflag:s3], $0x4000  }
0x131: {  	[sflag:s3] =	ssyncset.done $0x0  }
0x132: {  	[sflag:s3] =	ssyncadd.s32 $0xFFFFC000  }
0x133: {  	[tilespmem:s11], [sflag:$0x1] =	stream.indirect.gather [hbm4b:s5+s8], $0x80, s18, s8, $0xb8;
	[tilespmem:$0x18A00] =	vst v63  }
0x134: {  	_ =	swait.ge [sflag:s7], $0x4000  }
0x135: {  	[sflag:s7] =	ssyncset.done $0x0  }
0x136: {  	s13 =	rddreg [dreg:$0xf];
	[sflag:s7] =	ssyncadd.s32 $0xFFFFC000  }
0x137: {  	[hbm4b:s13+s2] =	stream.linear.scatter [tilespmem:s6], [sflag:$0x2], $0x4000, $0x38;
	[tilespmem:$0x18A00] =	vst v63  }
0x138: {  	_ =	swait.ge [sflag:s3], $0x4000  }
0x139: {  	[sflag:s3] =	ssyncset.done $0x0  }
0x13a: {  	[sflag:s3] =	ssyncadd.s32 $0xFFFFC000  }
0x13b: {  	[tilespmem:s10], [sflag:$0x1] =	stream.indirect.gather [hbm4b:s5+s8], $0x80, s17, s8, $0xb8;
	[tilespmem:$0x18A00] =	vst v63  }
0x13c: {  	_ =	swait.ge [sflag:s7], $0x4000  }
0x13d: {  	[sflag:s7] =	ssyncset.done $0x0  }
0x13e: {  	s13 =	rddreg [dreg:$0x10];
	[sflag:s7] =	ssyncadd.s32 $0xFFFFC000  }
0x13f: {  	[hbm4b:s13+s2] =	stream.linear.scatter [tilespmem:s4], [sflag:$0x2], $0x4000, $0x38;
	[tilespmem:$0x18A00] =	vst v63  }
0x140: {  	_ =	swait.ge [sflag:s3], $0x4000  }
0x141: {  	[sflag:s3] =	ssyncset.done $0x0  }
0x142: {  	[sflag:s3] =	ssyncadd.s32 $0xFFFFC000  }
0x143: {  	[tilespmem:s9], [sflag:$0x1] =	stream.indirect.gather [hbm4b:s5+s8], $0x80, s16, s8, $0xb8;
	[tilespmem:$0x18A00] =	vst v63  }
0x144: {  	_ =	swait.ge [sflag:s7], $0x4000  }
0x145: {  	[sflag:s7] =	ssyncset.done $0x0  }
0x146: {  	s13 =	rddreg [dreg:$0x11];
	[sflag:s7] =	ssyncadd.s32 $0xFFFFC000  }
0x147: {  	[hbm4b:s13+s2] =	stream.linear.scatter [tilespmem:s12], [sflag:$0x2], $0x4000, $0x38;
	[tilespmem:$0x18A00] =	vst v63  }
0x148: {  	_ =	swait.ge [sflag:s3], $0x4000  }
0x149: {  	[sflag:s3] =	ssyncset.done $0x0  }
0x14a: {  	[sflag:s3] =	ssyncadd.s32 $0xFFFFC000  }
0x14b: {  	[tilespmem:s6], [sflag:$0x1] =	stream.indirect.gather [hbm4b:s5+s8], $0x80, s15, s8, $0xb8;
	[tilespmem:$0x18A00] =	vst v63  }
0x14c: {  	_ =	swait.ge [sflag:s7], $0x4000  }
0x14d: {  	[sflag:s7] =	ssyncset.done $0x0  }
0x14e: {  	s13 =	rddreg [dreg:$0x12];
	[sflag:s7] =	ssyncadd.s32 $0xFFFFC000  }
0x14f: {  	[hbm4b:s13+s2] =	stream.linear.scatter [tilespmem:s11], [sflag:$0x2], $0x4000, $0x38;
	[tilespmem:$0x18A00] =	vst v63  }
0x150: {  	_ =	swait.ge [sflag:s3], $0x4000  }
0x151: {  	[sflag:s3] =	ssyncset.done $0x0  }
0x152: {  	[sflag:s3] =	ssyncadd.s32 $0xFFFFC000  }
0x153: {  	[tilespmem:s4], [sflag:$0x1] =	stream.indirect.gather [hbm4b:s5+s8], $0x80, s14, s8, $0xb8;
	[tilespmem:$0x18A00] =	vst v63  }
0x154: {  	_ =	swait.ge [sflag:s7], $0x4000  }
0x155: {  	[sflag:s7] =	ssyncset.done $0x0  }
0x156: {  	s13 =	rddreg [dreg:$0x13];
	[sflag:s7] =	ssyncadd.s32 $0xFFFFC000  }
0x157: {  	[hbm4b:s13+s2] =	stream.linear.scatter [tilespmem:s10], [sflag:$0x2], $0x4000, $0x38;
	[tilespmem:$0x18A00] =	vst v63  }
0x158: {  	_ =	swait.ge [sflag:s7], $0x4000  }
0x159: {  	[sflag:s7] =	ssyncset.done $0x0  }
0x15a: {  	s13 =	rddreg [dreg:$0x14];
	[sflag:s7] =	ssyncadd.s32 $0xFFFFC000  }
0x15b: {  	[hbm4b:s13+s2] =	stream.linear.scatter [tilespmem:s9], [sflag:$0x2], $0x4000, $0x38;
	[tilespmem:$0x18A00] =	vst v63  }
0x15c: {  	_ =	swait.ge [sflag:s7], $0x4000  }
0x15d: {  	[sflag:s7] =	ssyncset.done $0x0  }
0x15e: {  	s13 =	rddreg [dreg:$0x15];
	[sflag:s7] =	ssyncadd.s32 $0xFFFFC000  }
0x15f: {  	[hbm4b:s13+s2] =	stream.linear.scatter [tilespmem:s6], [sflag:$0x2], $0x4000, $0x38;
	[tilespmem:$0x18A00] =	vst v63  }
0x160: {  	_ =	swait.ge [sflag:s7], $0x4000  }
0x161: {  	[sflag:s7] =	ssyncset.done $0x0  }
0x162: {  	s13 =	rddreg [dreg:$0x16];
	[sflag:s7] =	ssyncadd.s32 $0xFFFFC000  }
0x163: {  	[hbm4b:s13+s2] =	stream.linear.scatter [tilespmem:s4], [sflag:$0x2], $0x4000, $0x38;
	[tilespmem:$0x18A00] =	vst v63  }
0x164: {  	_ =	swait.ge [sflag:s3], $0x4000  }
0x165: {  	[sflag:s3] =	ssyncset.done $0x0  }
0x166: {  	[sflag:s3] =	ssyncadd.s32 $0xFFFFC000  }
0x167: {  	_ =	swait.ge [sflag:s3], $0x4000  }
0x168: {  	[sflag:s3] =	ssyncset.done $0x0  }
0x169: {  	[sflag:s3] =	ssyncadd.s32 $0xFFFFC000  }
0x16a: {  	_ =	swait.ge [sflag:s3], $0x4000  }
0x16b: {  	[sflag:s3] =	ssyncset.done $0x0  }
0x16c: {  	[sflag:s3] =	ssyncadd.s32 $0xFFFFC000  }
0x16d: {  	_ =	swait.ge [sflag:s3], $0x4000  }
0x16e: {  	[sflag:s3] =	ssyncset.done $0x0  }
0x16f: {  	p1 =	sne.s32 s1, $0x1;
	[sflag:s3] =	ssyncadd.s32 $0xFFFFC000  }
.Ltmp2:
0x170: {  	_ =	swait.ge [sflag:s3], $0x4000;
	(pc) =	sbr.rel @p1 .LBB2_4-.Ltmp2, $4  }
0x171: {  	[sflag:s3] =	ssyncset.done $0x0  }
0x172: {  	[sflag:s3] =	ssyncadd.s32 $0xFFFFC000  }
0x173: {  	_ =	swait.ge [sflag:s3], $0x4000  }
0x174: {  	s1 =	sadd.s32 $0xFFFFFFFF, s1;
	s0 =	rddreg [dreg:$0x3];
	[sflag:s3] =	ssyncset.done $0x0  }
0x175: {  	s14 =	simm.s32 $0x200  }
0x176: {  	s31 =	simm.s32 $0x280;
	s29 =	simm.s32 $0x300;
	s28 =	simm.s32 $0x380  }
0x177: {  	s26 =	simm.s32 $0x400;
	s25 =	simm.s32 $0x480;
	s24 =	simm.s32 $0x500  }
0x178: {  	s23 =	simm.s32 $0x580;
	s22 =	simm.s32 $0x600;
	s21 =	simm.s32 $0x680  }
0x179: {  	s19 =	simm.s32 $0x700;
	s18 =	simm.s32 $0x780;
	s17 =	simm.s32 $0x800  }
0x17a: {  	s16 =	simm.s32 $0x880;
	s15 =	simm.s32 $0x900;
	s13 =	stileid.u32  }
.LBB2_6:
0x17b: {  	[sflag:s3] =	ssyncadd.s32 @p0 $0xFFFFC000  }
0x17c: {  	[tilespmem:s2], [sflag:$0x3] =	stream.linear.gather [hbm4b:s0+s2], $0xA00, $0x38;
	[tilespmem:$0x18A00] =	vst v63  }
0x17d: {  	_ =	swait.ge [sflag:s30], $0xA00  }
0x17e: {  	[sflag:s30] =	ssyncset.done $0x0  }
0x17f: {  	[sflag:s30] =	ssyncadd.s32 $0xFFFFF600  }
0x180: {  	[tilespmem:s6], [sflag:$0x1] =	stream.indirect.gather [hbm4b:s5+s8], $0x80, s2, s8, $0xb8;
	[tilespmem:$0x18A00] =	vst v63  }
0x181: {  	_ = 	snop  }
0x182: {  	[tilespmem:s4], [sflag:$0x1] =	stream.indirect.gather [hbm4b:s5+s8], $0x80, s8, s8, $0xb8;
	[tilespmem:$0x18A00] =	vst v63  }
0x183: {  	s30 =	rddreg [dreg:$0x17]  }
0x184: {  	[tilespmem:s12], [sflag:$0x1] =	stream.indirect.gather [hbm4b:s5+s8], $0x80, s30, s8, $0xb8;
	[tilespmem:$0x18A00] =	vst v63  }
0x185: {  	s1 =	rddreg [dreg:$0x18]  }
0x186: {  	[tilespmem:s11], [sflag:$0x1] =	stream.indirect.gather [hbm4b:s5+s8], $0x80, s1, s8, $0xb8;
	[tilespmem:$0x18A00] =	vst v63  }
0x187: {  	_ =	swait.ge [sflag:s7], $0x4000  }
0x188: {  	[sflag:s7] =	ssyncset.done $0x0  }
0x189: {  	[sflag:s7] =	ssyncadd.s32 $0xFFFFC000  }
0x18a: {  	[hbm4b:s20+s2] =	stream.linear.scatter [tilespmem:s6], [sflag:$0x2], $0x4000, $0x38;
	[tilespmem:$0x18A00] =	vst v63  }
0x18b: {  	_ = 	snop  }
0x18c: {  	[tilespmem:s10], [sflag:$0x1] =	stream.indirect.gather [hbm4b:s5+s8], $0x80, s14, s8, $0xb8;
	[tilespmem:$0x18A00] =	vst v63  }
0x18d: {  	_ =	swait.ge [sflag:s7], $0x4000  }
0x18e: {  	[sflag:s7] =	ssyncset.done $0x0  }
0x18f: {  	s1 =	rddreg [dreg:$0x4];
	[sflag:s7] =	ssyncadd.s32 $0xFFFFC000  }
0x190: {  	[hbm4b:s1+s2] =	stream.linear.scatter [tilespmem:s4], [sflag:$0x2], $0x4000, $0x38;
	[tilespmem:$0x18A00] =	vst v63  }
0x191: {  	_ = 	snop  }
0x192: {  	[tilespmem:s9], [sflag:$0x1] =	stream.indirect.gather [hbm4b:s5+s8], $0x80, s31, s8, $0xb8;
	[tilespmem:$0x18A00] =	vst v63  }
0x193: {  	_ =	swait.ge [sflag:s7], $0x4000  }
0x194: {  	[sflag:s7] =	ssyncset.done $0x0  }
0x195: {  	s14 =	rddreg [dreg:$0x5];
	[sflag:s7] =	ssyncadd.s32 $0xFFFFC000  }
0x196: {  	[hbm4b:s14+s2] =	stream.linear.scatter [tilespmem:s12], [sflag:$0x2], $0x4000, $0x38;
	[tilespmem:$0x18A00] =	vst v63  }
0x197: {  	_ =	swait.ge [sflag:s3], $0x4000  }
0x198: {  	[sflag:s3] =	ssyncset.done $0x0  }
0x199: {  	[sflag:s3] =	ssyncadd.s32 $0xFFFFC000  }
0x19a: {  	[tilespmem:s6], [sflag:$0x1] =	stream.indirect.gather [hbm4b:s5+s8], $0x80, s29, s8, $0xb8;
	[tilespmem:$0x18A00] =	vst v63  }
0x19b: {  	_ =	swait.ge [sflag:s7], $0x4000  }
0x19c: {  	[sflag:s7] =	ssyncset.done $0x0  }
0x19d: {  	s20 =	rddreg [dreg:$0x6];
	[sflag:s7] =	ssyncadd.s32 $0xFFFFC000  }
0x19e: {  	[hbm4b:s20+s2] =	stream.linear.scatter [tilespmem:s11], [sflag:$0x2], $0x4000, $0x38;
	[tilespmem:$0x18A00] =	vst v63  }
0x19f: {  	_ =	swait.ge [sflag:s3], $0x4000  }
0x1a0: {  	[sflag:s3] =	ssyncset.done $0x0  }
0x1a1: {  	[sflag:s3] =	ssyncadd.s32 $0xFFFFC000  }
0x1a2: {  	[tilespmem:s4], [sflag:$0x1] =	stream.indirect.gather [hbm4b:s5+s8], $0x80, s28, s8, $0xb8;
	[tilespmem:$0x18A00] =	vst v63  }
0x1a3: {  	_ =	swait.ge [sflag:s7], $0x4000  }
0x1a4: {  	[sflag:s7] =	ssyncset.done $0x0  }
0x1a5: {  	s28 =	rddreg [dreg:$0x7];
	[sflag:s7] =	ssyncadd.s32 $0xFFFFC000  }
0x1a6: {  	[hbm4b:s28+s2] =	stream.linear.scatter [tilespmem:s10], [sflag:$0x2], $0x4000, $0x38;
	[tilespmem:$0x18A00] =	vst v63  }
0x1a7: {  	_ =	swait.ge [sflag:s3], $0x4000  }
0x1a8: {  	[sflag:s3] =	ssyncset.done $0x0  }
0x1a9: {  	[sflag:s3] =	ssyncadd.s32 $0xFFFFC000  }
0x1aa: {  	[tilespmem:s12], [sflag:$0x1] =	stream.indirect.gather [hbm4b:s5+s8], $0x80, s26, s8, $0xb8;
	[tilespmem:$0x18A00] =	vst v63  }
0x1ab: {  	_ =	swait.ge [sflag:s7], $0x4000  }
0x1ac: {  	[sflag:s7] =	ssyncset.done $0x0  }
0x1ad: {  	s29 =	rddreg [dreg:$0x8];
	[sflag:s7] =	ssyncadd.s32 $0xFFFFC000  }
0x1ae: {  	[hbm4b:s29+s2] =	stream.linear.scatter [tilespmem:s9], [sflag:$0x2], $0x4000, $0x38;
	[tilespmem:$0x18A00] =	vst v63  }
0x1af: {  	_ =	swait.ge [sflag:s3], $0x4000  }
0x1b0: {  	[sflag:s3] =	ssyncset.done $0x0  }
0x1b1: {  	[sflag:s3] =	ssyncadd.s32 $0xFFFFC000  }
0x1b2: {  	[tilespmem:s11], [sflag:$0x1] =	stream.indirect.gather [hbm4b:s5+s8], $0x80, s25, s8, $0xb8;
	[tilespmem:$0x18A00] =	vst v63  }
0x1b3: {  	_ =	swait.ge [sflag:s7], $0x4000  }
0x1b4: {  	[sflag:s7] =	ssyncset.done $0x0  }
0x1b5: {  	s30 =	rddreg [dreg:$0x9];
	[sflag:s7] =	ssyncadd.s32 $0xFFFFC000  }
0x1b6: {  	[hbm4b:s30+s2] =	stream.linear.scatter [tilespmem:s6], [sflag:$0x2], $0x4000, $0x38;
	[tilespmem:$0x18A00] =	vst v63  }
0x1b7: {  	_ =	swait.ge [sflag:s3], $0x4000  }
0x1b8: {  	[sflag:s3] =	ssyncset.done $0x0  }
0x1b9: {  	[sflag:s3] =	ssyncadd.s32 $0xFFFFC000  }
0x1ba: {  	[tilespmem:s10], [sflag:$0x1] =	stream.indirect.gather [hbm4b:s5+s8], $0x80, s24, s8, $0xb8;
	[tilespmem:$0x18A00] =	vst v63  }
0x1bb: {  	_ =	swait.ge [sflag:s7], $0x4000  }
0x1bc: {  	[sflag:s7] =	ssyncset.done $0x0  }
0x1bd: {  	s31 =	rddreg [dreg:$0xa];
	[sflag:s7] =	ssyncadd.s32 $0xFFFFC000  }
0x1be: {  	[hbm4b:s31+s2] =	stream.linear.scatter [tilespmem:s4], [sflag:$0x2], $0x4000, $0x38;
	[tilespmem:$0x18A00] =	vst v63  }
0x1bf: {  	_ =	swait.ge [sflag:s3], $0x4000  }
0x1c0: {  	[sflag:s3] =	ssyncset.done $0x0  }
0x1c1: {  	[sflag:s3] =	ssyncadd.s32 $0xFFFFC000  }
0x1c2: {  	[tilespmem:s9], [sflag:$0x1] =	stream.indirect.gather [hbm4b:s5+s8], $0x80, s23, s8, $0xb8;
	[tilespmem:$0x18A00] =	vst v63  }
0x1c3: {  	_ =	swait.ge [sflag:s7], $0x4000  }
0x1c4: {  	[sflag:s7] =	ssyncset.done $0x0  }
0x1c5: {  	s1 =	rddreg [dreg:$0xb];
	[sflag:s7] =	ssyncadd.s32 $0xFFFFC000  }
0x1c6: {  	[hbm4b:s1+s2] =	stream.linear.scatter [tilespmem:s12], [sflag:$0x2], $0x4000, $0x38;
	[tilespmem:$0x18A00] =	vst v63  }
0x1c7: {  	_ =	swait.ge [sflag:s3], $0x4000  }
0x1c8: {  	[sflag:s3] =	ssyncset.done $0x0  }
0x1c9: {  	[sflag:s3] =	ssyncadd.s32 $0xFFFFC000  }
0x1ca: {  	[tilespmem:s6], [sflag:$0x1] =	stream.indirect.gather [hbm4b:s5+s8], $0x80, s22, s8, $0xb8;
	[tilespmem:$0x18A00] =	vst v63  }
0x1cb: {  	_ =	swait.ge [sflag:s7], $0x4000  }
0x1cc: {  	[sflag:s7] =	ssyncset.done $0x0  }
0x1cd: {  	s14 =	rddreg [dreg:$0xc];
	[sflag:s7] =	ssyncadd.s32 $0xFFFFC000  }
0x1ce: {  	[hbm4b:s14+s2] =	stream.linear.scatter [tilespmem:s11], [sflag:$0x2], $0x4000, $0x38;
	[tilespmem:$0x18A00] =	vst v63  }
0x1cf: {  	_ =	swait.ge [sflag:s3], $0x4000  }
0x1d0: {  	[sflag:s3] =	ssyncset.done $0x0  }
0x1d1: {  	[sflag:s3] =	ssyncadd.s32 $0xFFFFC000  }
0x1d2: {  	[tilespmem:s4], [sflag:$0x1] =	stream.indirect.gather [hbm4b:s5+s8], $0x80, s21, s8, $0xb8;
	[tilespmem:$0x18A00] =	vst v63  }
0x1d3: {  	_ =	swait.ge [sflag:s7], $0x4000  }
0x1d4: {  	[sflag:s7] =	ssyncset.done $0x0  }
0x1d5: {  	s20 =	rddreg [dreg:$0xd];
	[sflag:s7] =	ssyncadd.s32 $0xFFFFC000  }
0x1d6: {  	[hbm4b:s20+s2] =	stream.linear.scatter [tilespmem:s10], [sflag:$0x2], $0x4000, $0x38;
	[tilespmem:$0x18A00] =	vst v63  }
0x1d7: {  	_ =	swait.ge [sflag:s3], $0x4000  }
0x1d8: {  	[sflag:s3] =	ssyncset.done $0x0  }
0x1d9: {  	[sflag:s3] =	ssyncadd.s32 $0xFFFFC000  }
0x1da: {  	[tilespmem:s12], [sflag:$0x1] =	stream.indirect.gather [hbm4b:s5+s8], $0x80, s19, s8, $0xb8;
	[tilespmem:$0x18A00] =	vst v63  }
0x1db: {  	_ =	swait.ge [sflag:s7], $0x4000  }
0x1dc: {  	[sflag:s7] =	ssyncset.done $0x0  }
0x1dd: {  	s21 =	rddreg [dreg:$0xe];
	[sflag:s7] =	ssyncadd.s32 $0xFFFFC000  }
0x1de: {  	[hbm4b:s21+s2] =	stream.linear.scatter [tilespmem:s9], [sflag:$0x2], $0x4000, $0x38;
	[tilespmem:$0x18A00] =	vst v63  }
0x1df: {  	_ =	swait.ge [sflag:s3], $0x4000  }
0x1e0: {  	[sflag:s3] =	ssyncset.done $0x0  }
0x1e1: {  	[sflag:s3] =	ssyncadd.s32 $0xFFFFC000  }
0x1e2: {  	[tilespmem:s11], [sflag:$0x1] =	stream.indirect.gather [hbm4b:s5+s8], $0x80, s18, s8, $0xb8;
	[tilespmem:$0x18A00] =	vst v63  }
0x1e3: {  	_ =	swait.ge [sflag:s7], $0x4000  }
0x1e4: {  	[sflag:s7] =	ssyncset.done $0x0  }
0x1e5: {  	s22 =	rddreg [dreg:$0xf];
	[sflag:s7] =	ssyncadd.s32 $0xFFFFC000  }
0x1e6: {  	[hbm4b:s22+s2] =	stream.linear.scatter [tilespmem:s6], [sflag:$0x2], $0x4000, $0x38;
	[tilespmem:$0x18A00] =	vst v63  }
0x1e7: {  	_ =	swait.ge [sflag:s3], $0x4000  }
0x1e8: {  	[sflag:s3] =	ssyncset.done $0x0  }
0x1e9: {  	[sflag:s3] =	ssyncadd.s32 $0xFFFFC000  }
0x1ea: {  	[tilespmem:s10], [sflag:$0x1] =	stream.indirect.gather [hbm4b:s5+s8], $0x80, s17, s8, $0xb8;
	[tilespmem:$0x18A00] =	vst v63  }
0x1eb: {  	_ =	swait.ge [sflag:s7], $0x4000  }
0x1ec: {  	[sflag:s7] =	ssyncset.done $0x0  }
0x1ed: {  	s23 =	rddreg [dreg:$0x10];
	[sflag:s7] =	ssyncadd.s32 $0xFFFFC000  }
0x1ee: {  	[hbm4b:s23+s2] =	stream.linear.scatter [tilespmem:s4], [sflag:$0x2], $0x4000, $0x38;
	[tilespmem:$0x18A00] =	vst v63  }
0x1ef: {  	_ =	swait.ge [sflag:s3], $0x4000  }
0x1f0: {  	[sflag:s3] =	ssyncset.done $0x0  }
0x1f1: {  	[sflag:s3] =	ssyncadd.s32 $0xFFFFC000  }
0x1f2: {  	[tilespmem:s9], [sflag:$0x1] =	stream.indirect.gather [hbm4b:s5+s8], $0x80, s16, s8, $0xb8;
	[tilespmem:$0x18A00] =	vst v63  }
0x1f3: {  	_ =	swait.ge [sflag:s7], $0x4000  }
0x1f4: {  	[sflag:s7] =	ssyncset.done $0x0  }
0x1f5: {  	s24 =	rddreg [dreg:$0x11];
	[sflag:s7] =	ssyncadd.s32 $0xFFFFC000  }
0x1f6: {  	[hbm4b:s24+s2] =	stream.linear.scatter [tilespmem:s12], [sflag:$0x2], $0x4000, $0x38;
	[tilespmem:$0x18A00] =	vst v63  }
0x1f7: {  	_ =	swait.ge [sflag:s3], $0x4000  }
0x1f8: {  	[sflag:s3] =	ssyncset.done $0x0  }
0x1f9: {  	[sflag:s3] =	ssyncadd.s32 $0xFFFFC000  }
0x1fa: {  	[tilespmem:s6], [sflag:$0x1] =	stream.indirect.gather [hbm4b:s5+s8], $0x80, s15, s8, $0xb8;
	[tilespmem:$0x18A00] =	vst v63  }
0x1fb: {  	_ =	swait.ge [sflag:s7], $0x4000  }
0x1fc: {  	[sflag:s7] =	ssyncset.done $0x0  }
0x1fd: {  	s25 =	rddreg [dreg:$0x12];
	[sflag:s7] =	ssyncadd.s32 $0xFFFFC000  }
0x1fe: {  	[hbm4b:s25+s2] =	stream.linear.scatter [tilespmem:s11], [sflag:$0x2], $0x4000, $0x38;
	[tilespmem:$0x18A00] =	vst v63  }
0x1ff: {  	_ =	swait.ge [sflag:s3], $0x4000  }
0x200: {  	[sflag:s3] =	ssyncset.done $0x0  }
0x201: {  	s26 =	simm.s32 $0x980;
	[sflag:s3] =	ssyncadd.s32 $0xFFFFC000  }
0x202: {  	[tilespmem:s4], [sflag:$0x1] =	stream.indirect.gather [hbm4b:s5+s8], $0x80, s26, s8, $0xb8;
	[tilespmem:$0x18A00] =	vst v63  }
0x203: {  	_ =	swait.ge [sflag:s7], $0x4000  }
0x204: {  	[sflag:s7] =	ssyncset.done $0x0  }
0x205: {  	s28 =	rddreg [dreg:$0x13];
	[sflag:s7] =	ssyncadd.s32 $0xFFFFC000  }
0x206: {  	[hbm4b:s28+s2] =	stream.linear.scatter [tilespmem:s10], [sflag:$0x2], $0x4000, $0x38;
	[tilespmem:$0x18A00] =	vst v63  }
0x207: {  	_ =	swait.ge [sflag:s7], $0x4000  }
0x208: {  	[sflag:s7] =	ssyncset.done $0x0  }
0x209: {  	s29 =	rddreg [dreg:$0x14];
	[sflag:s7] =	ssyncadd.s32 $0xFFFFC000  }
0x20a: {  	[hbm4b:s29+s2] =	stream.linear.scatter [tilespmem:s9], [sflag:$0x2], $0x4000, $0x38;
	[tilespmem:$0x18A00] =	vst v63  }
0x20b: {  	_ =	swait.ge [sflag:s7], $0x4000  }
0x20c: {  	[sflag:s7] =	ssyncset.done $0x0  }
0x20d: {  	s30 =	rddreg [dreg:$0x15];
	[sflag:s7] =	ssyncadd.s32 $0xFFFFC000  }
0x20e: {  	[hbm4b:s30+s2] =	stream.linear.scatter [tilespmem:s6], [sflag:$0x2], $0x4000, $0x38;
	[tilespmem:$0x18A00] =	vst v63  }
0x20f: {  	_ =	swait.ge [sflag:s7], $0x4000  }
0x210: {  	[sflag:s7] =	ssyncset.done $0x0  }
0x211: {  	s31 =	rddreg [dreg:$0x16];
	[sflag:s7] =	ssyncadd.s32 $0xFFFFC000  }
0x212: {  	[hbm4b:s31+s2] =	stream.linear.scatter [tilespmem:s4], [sflag:$0x2], $0x4000, $0x38;
	[tilespmem:$0x18A00] =	vst v63  }
0x213: {  	_ =	swait.ge [sflag:s3], $0x4000  }
0x214: {  	[sflag:s3] =	ssyncset.done $0x0  }
0x215: {  	[sflag:s3] =	ssyncadd.s32 $0xFFFFC000  }
0x216: {  	_ =	swait.ge [sflag:s3], $0x4000  }
0x217: {  	[sflag:s3] =	ssyncset.done $0x0  }
0x218: {  	[sflag:s3] =	ssyncadd.s32 $0xFFFFC000  }
0x219: {  	_ =	swait.ge [sflag:s3], $0x4000  }
0x21a: {  	[sflag:s3] =	ssyncset.done $0x0  }
0x21b: {  	[sflag:s3] =	ssyncadd.s32 $0xFFFFC000  }
0x21c: {  	_ =	swait.ge [sflag:s3], $0x4000  }
0x21d: {  	[sflag:s3] =	ssyncset.done $0x0  }
0x21e: {  	[sflag:s3] =	ssyncadd.s32 $0xFFFFC000  }
0x21f: {  	_ =	swait.ge [sflag:s3], $0x4000  }
0x220: {  	[sflag:s3] =	ssyncset.done $0x0  }
0x221: {  	[sflag:s3] =	ssyncadd.s32 $0xFFFFC000  }
0x222: {  	_ =	swait.ge [sflag:s3], $0x4000  }
0x223: {  	[sflag:s3] =	ssyncset.done $0x0  }
0x224: {  	[sflag:s3] =	ssyncadd.s32 $0xFFFFC000  }
0x225: {  	_ =	sfence.sel $0x180000  }
0x226: {  	[bflag:$0x0] =	sbarrier.arrive $0xFFFF  }
0x227: {  	_ =	strace $0x90000047  }
0x228: {  	[bflag:$0x2] =	sbarrier.arrive $0xFFFF  }
0x229: {  	p0 =	sne.s32 s13, $0x0;
	s0 =	rddreg [dreg:$0x2]  }
0x22a: {  	s0 =	sadd.s32 @!p0 $0x100000, s0  }
0x22b: {  	[sflag:s0] =	ssyncadd.tile.s32 @!p0 $0x1;
	_ =	shalt  }
.LBB2_1:
0x22c: {  	s14 =	simm.s32 $0x200  }
.Ltmp3:
0x22d: {  	s31 =	simm.s32 $0x280;
	s29 =	simm.s32 $0x300;
	(pc) =	sbr.rel .LBB2_6-.Ltmp3, $4  }
0x22e: {  	s28 =	simm.s32 $0x380;
	s26 =	simm.s32 $0x400;
	s25 =	simm.s32 $0x480  }
0x22f: {  	s24 =	simm.s32 $0x500;
	s23 =	simm.s32 $0x580;
	s22 =	simm.s32 $0x600  }
0x230: {  	s21 =	simm.s32 $0x680;
	s19 =	simm.s32 $0x700;
	s18 =	simm.s32 $0x780  }
0x231: {  	s17 =	simm.s32 $0x800;
	s16 =	simm.s32 $0x880;
	s15 =	simm.s32 $0x900  }
.LBB2_3:
0x232: {  	s14 =	simm.s32 $0x200;
	s31 =	simm.s32 $0x280  }
.Ltmp4:
0x233: {  	s29 =	simm.s32 $0x300;
	s28 =	simm.s32 $0x380;
	(pc) =	sbr.rel .LBB2_6-.Ltmp4, $4  }
0x234: {  	s26 =	simm.s32 $0x400;
	s25 =	simm.s32 $0x480;
	s24 =	simm.s32 $0x500  }
0x235: {  	s23 =	simm.s32 $0x580;
	s22 =	simm.s32 $0x600;
	s21 =	simm.s32 $0x680  }
0x236: {  	s19 =	simm.s32 $0x700;
	s18 =	simm.s32 $0x780;
	s17 =	simm.s32 $0x800  }
0x237: {  	s16 =	simm.s32 $0x880;
	s15 =	simm.s32 $0x900;
	s13 =	stileid.u32  }
.Lfunc_end2:
_tile_overlayer_lowered:
.L_overlay_start_2:
0x238: {  	(tag) =	ssettag $0x2  }
0x239: {  	s0 =	rddreg [dreg:$0x0];
	s2 =	stileid.u32  }
0x23a: {  	s1 =	rddreg [dreg:$0x1];
	p0 =	sne.s32 s2, $0x0  }
0x23b: {  	s3 =	rddreg [dreg:$0x2];
	[bflag:$0x3] =	sbarrier.arrive $0xFFFF;
	s2 =	simm.s32 @!p0 $0x1C03  }
0x23c: {  	[timem:s3], [sflag:s2] =	dma.local @!p0 [hbm:s0], s1  }
0x23d: {  	s0 =	simm.s32 @!p0 $0x3  }
0x23e: {  	_ =	swait.ge @!p0 [sflag:s0], s1  }
0x23f: {  	s1 =	ssub.s32 @!p0 $0x0, s1;
	[sflag:s0] =	ssyncset.done @!p0 $0x0  }
0x240: {  	[sflag:s0] =	ssyncadd.s32 @!p0 s1  }
0x241: {  	[bflag:$0x3] =	sbarrier.arrive $0xFFFF  }
0x242: {  	_ =	shalt  }

</sc_bundles>
